<compile_context>
chip_gen: v7x
topology: tpu7x:2x2x1
jax: 0.10.2.dev20260603
libtpu: 0.0.44.dev20260713+nightly
codegen_flags: <defaults>
</compile_context>

<pallas_src>
import functools

import jax
import jax.numpy as jnp
from jax import lax
from jax.experimental import pallas as pl
from jax.experimental.pallas import tpu as pltpu
from jax.experimental.pallas import tpu_sc as plsc

_NC = 2
_NS = 16
_L = 16

_NPASS = 5
_NCHUNK = _NC * _NPASS
_K = 64
_CL = 16
_EB = 2000
_ZR = 16
_CAP = 6016


def _sc_grid(n, r, e, d):
  s_total = r * n
  cr = pl.cdiv(s_total, _NCHUNK)
  cr = ((cr + _NS * 8 - 1) // (_NS * 8)) * (_NS * 8)
  share = cr // _NS
  ept = e // _NS
  nblk = ept // _EB
  cap = _CAP + 2 * _K
  sb = cr.bit_length()
  assert (n << sb) < 2**31
  return cr, share, ept, nblk, cap, sb


def _sc_body(n, r, e, d, cr, share, ept, nblk, cap, sb,
             x_hbm, src_hbm, dst_hbm, rel_hbm, agg_hbm, cnt_hbm,
             esrc, edst, erel, pack1d, fsrc2, fseg2,
             rows2, ones1, zrow, zc1, agg_sp, cnt_sp,
             es0, es1, es2, gs0, gs1, as0, as1, cs0, cs1):
  gsems = (gs0, gs1)
  asems = (as0, as1)
  csems = (cs0, cs1)
  c = lax.axis_index("c")
  s = lax.axis_index("s")
  zlen = ((share + _L - 1) // _L) * _L

  def _init_ones(i, _):
    ones1[pl.ds(i * _L, _L)] = jnp.ones((_L,), jnp.float32)
    return 0
  lax.fori_loop(0, _K // _L, _init_ones, 0)

  tb = s * share
  ebase0 = s * ept
  nz = share // _ZR
  rz = share % _ZR

  def _pass_body(p, _):
    ci = c * _NPASS + p
    lo = ci * cr
    hi = lo + cr

    def _init_z(i, _):
      for j in range(d // _L):
        zrow[i, pl.ds(j * _L, _L)] = jnp.zeros((_L,), jnp.float32)
      return 0
    lax.fori_loop(0, _ZR, _init_z, 0)

    def _init_zc(i, _):
      zc1[pl.ds(i * _L, _L)] = jnp.zeros((_L,), jnp.float32)
      return 0
    lax.fori_loop(0, zlen // _L, _init_zc, 0)

    def _zloop(z, _):
      pltpu.sync_copy(zrow, agg_sp.at[pl.ds(tb + z * _ZR, _ZR)])
      return 0
    lax.fori_loop(0, nz, _zloop, 0)
    if rz:
      pltpu.sync_copy(zrow.at[pl.ds(0, rz)], agg_sp.at[pl.ds(tb + nz * _ZR, rz)])
    pltpu.sync_copy(zc1.at[pl.ds(0, share)], cnt_sp.at[pl.ds(tb, share)])
    plsc.subcore_barrier()

    iota = lax.iota(jnp.int32, _L)

    zero_v = jnp.full((_L,), 0, jnp.int32)
    sac_v = jnp.full((_L,), cr, jnp.int32)

    def _drain(off):
      nb = (off + _K - 1) // _K
      npair = (nb + 1) // 2

      def _pair(q, _):
        for sl in range(2):
          bi = 2 * q + sl

          @pl.when(q > 0)
          def _():
            pltpu.make_async_copy(
                rows2.at[sl], agg_sp.at[fseg2.at[sl]], asems[sl]).wait()
            pltpu.make_async_copy(
                ones1, cnt_sp.at[fseg2.at[sl]], csems[sl]).wait()
          base = bi * _K
          for j in range(_K // _L):
            sls = pl.ds(base + j * _L, _L)
            valid = (base + j * _L + iota) < off
            pv = pack1d[sls]
            fsrc2[sl, pl.ds(j * _L, _L)] = jnp.where(valid, pv >> sb, zero_v)
            fseg2[sl, pl.ds(j * _L, _L)] = jnp.where(
                valid, pv & ((1 << sb) - 1), sac_v)
          pltpu.async_copy(x_hbm.at[fsrc2.at[sl]], rows2.at[sl], gsems[sl])
        for sl in range(2):
          pltpu.make_async_copy(
              x_hbm.at[fsrc2.at[sl]], rows2.at[sl], gsems[sl]).wait()
          pltpu.async_copy(
              rows2.at[sl], agg_sp.at[fseg2.at[sl]], asems[sl], add=True)
          pltpu.async_copy(ones1, cnt_sp.at[fseg2.at[sl]], csems[sl], add=True)
        return 0

      lax.fori_loop(0, npair, _pair, 0)

      @pl.when(npair > 0)
      def _():
        for sl in range(2):
          pltpu.make_async_copy(
              rows2.at[sl], agg_sp.at[fseg2.at[sl]], asems[sl]).wait()
          pltpu.make_async_copy(
              ones1, cnt_sp.at[fseg2.at[sl]], csems[sl]).wait()

    def _block_body(blk, off0):
      eb = ebase0 + blk * _EB
      d0 = pltpu.async_copy(src_hbm.at[pl.ds(eb, _EB)], esrc, es0)
      d1 = pltpu.async_copy(dst_hbm.at[pl.ds(eb, _EB)], edst, es1)
      d2 = pltpu.async_copy(rel_hbm.at[pl.ds(eb, _EB)], erel, es2)
      d0.wait()
      d1.wait()
      d2.wait()

      def _vec_body(i, off):
        sl = pl.ds(i * _L, _L)
        sv = esrc[sl]
        dv = edst[sl]
        rv = erel[sl]
        seg = (rv % r) * n + dv
        m = (seg >= lo) & (seg < hi)
        key = jnp.where(m, jnp.full((_L,), 0, jnp.int32),
                        jnp.full((_L,), 1, jnp.int32))
        packed = (sv << sb) | (seg - lo)
        _, pv = plsc.sort_key_val(key, packed)
        pack1d[pl.ds(off, _L)] = pv
        pc = plsc.all_reduce_population_count(m)
        return off + pc[0]

      off = lax.fori_loop(0, _EB // _L, _vec_body, off0)

      full = off >= _CAP - _EB

      @pl.when(full)
      def _():
        _drain(off)
      return jnp.where(full, 0, off)

    off = lax.fori_loop(0, nblk, _block_body, 0)
    _drain(off)

    plsc.subcore_barrier()

    def _eloop(q, _):
      pltpu.sync_copy(agg_sp.at[pl.ds(tb + q * _ZR, _ZR)], zrow)
      pltpu.sync_copy(zrow, agg_hbm.at[pl.ds(lo + tb + q * _ZR, _ZR)])
      return 0
    ne = share // _ZR
    re_ = share % _ZR
    lax.fori_loop(0, ne, _eloop, 0)
    if re_:
      qb = tb + ne * _ZR
      pltpu.sync_copy(agg_sp.at[pl.ds(qb, re_)], zrow.at[pl.ds(0, re_)])
      pltpu.sync_copy(zrow.at[pl.ds(0, re_)], agg_hbm.at[pl.ds(lo + qb, re_)])
    pltpu.sync_copy(cnt_sp.at[pl.ds(tb, share)], zc1.at[pl.ds(0, share)])
    pltpu.sync_copy(zc1.at[pl.ds(0, share)], cnt_hbm.at[pl.ds(lo + tb, share)])
    plsc.subcore_barrier()
    return 0

  lax.fori_loop(0, _NPASS, _pass_body, 0)


def _wm_body(r, b, wc_ref, wv_ref, t_ref):
  for rr in range(r):
    acc = wc_ref[rr, 0] * wv_ref[:, 0, :]
    for j in range(1, b):
      acc = acc + wc_ref[rr, j] * wv_ref[:, j, :]
    t_ref[:, rr, :] = acc


def _tc_body(wm_ref, agg_ref, cnt_ref, out_ref):
  rr = pl.program_id(1)
  wm = wm_ref[0]
  inv = 1.0 / jnp.maximum(cnt_ref[:, :1], 1.0)
  a = agg_ref[...] * inv
  contrib = jnp.dot(a, wm, preferred_element_type=jnp.float32)

  @pl.when(rr == 0)
  def _():
    out_ref[...] = contrib

  @pl.when(rr != 0)
  def _():
    out_ref[...] = out_ref[...] + contrib


def kernel(x, adj_t, weight, w_comp):
  n, d = x.shape
  e = adj_t.shape[1]
  b = weight.shape[0]
  r = w_comp.shape[0]
  d_out = weight.shape[2]

  cr, share, ept, nblk, cap, sb = _sc_grid(n, r, e, d)
  srows = _NCHUNK * cr

  sc = pl.kernel(
      functools.partial(_sc_body, n, r, e, d, cr, share, ept, nblk, cap, sb),
      out_type=[
          jax.ShapeDtypeStruct((srows, d), jnp.float32),
          jax.ShapeDtypeStruct((srows,), jnp.float32),
      ],
      mesh=plsc.VectorSubcoreMesh(core_axis_name="c", subcore_axis_name="s"),
      compiler_params=pltpu.CompilerParams(needs_layout_passes=False),
      scratch_types=[
          pltpu.VMEM((_EB,), jnp.int32),
          pltpu.VMEM((_EB,), jnp.int32),
          pltpu.VMEM((_EB,), jnp.int32),
          pltpu.VMEM((cap,), jnp.int32),
          pltpu.VMEM((2, _K), jnp.int32),
          pltpu.VMEM((2, _K), jnp.int32),
          pltpu.VMEM((2, _K, d), jnp.float32),
          pltpu.VMEM((_K,), jnp.float32),
          pltpu.VMEM((_ZR, d), jnp.float32),
          pltpu.VMEM((((share + _L - 1) // _L) * _L,), jnp.float32),
          pltpu.VMEM_SHARED((cr + _L, d), jnp.float32),
          pltpu.VMEM_SHARED((cr + _L,), jnp.float32),
          pltpu.SemaphoreType.DMA,
          pltpu.SemaphoreType.DMA,
          pltpu.SemaphoreType.DMA,
          pltpu.SemaphoreType.DMA,
          pltpu.SemaphoreType.DMA,
          pltpu.SemaphoreType.DMA,
          pltpu.SemaphoreType.DMA,
          pltpu.SemaphoreType.DMA,
          pltpu.SemaphoreType.DMA,
      ],
  )
  agg, cnt = sc(x, adj_t[0], adj_t[1], adj_t[2])

  wv = weight.reshape(d, b, d_out)
  t = pl.pallas_call(
      functools.partial(_wm_body, r, b),
      in_specs=[
          pl.BlockSpec(memory_space=pltpu.SMEM),
          pl.BlockSpec((d, b, d_out), lambda: (0, 0, 0)),
      ],
      out_specs=pl.BlockSpec((d, r, d_out), lambda: (0, 0, 0)),
      out_shape=jax.ShapeDtypeStruct((d, r, d_out), jnp.float32),
  )(w_comp, wv)
  wmat = t.reshape(r, d, d_out)

  bn = 400
  nbn = n // bn
  out = pl.pallas_call(
      _tc_body,
      grid=(nbn, r),
      in_specs=[
          pl.BlockSpec((1, d, d_out), lambda i, j: (j, 0, 0)),
          pl.BlockSpec((bn, d), lambda i, j: (j * nbn + i, 0)),
          pl.BlockSpec((bn, 1), lambda i, j: (j * nbn + i, 0)),
      ],
      out_specs=pl.BlockSpec((bn, d_out), lambda i, j: (i, 0)),
      out_shape=jax.ShapeDtypeStruct((n, d_out), jnp.float32),
      compiler_params=pltpu.CompilerParams(
          dimension_semantics=("arbitrary", "arbitrary"),
      ),
  )(wmat, agg, cnt.reshape(srows, 1))
  return out

# --- scband reference (transcript-rebuilt; emitter-appended) ---
"""Pipeline reference for scband-rgcnconv-48163763257669 (READ-ONLY COPY).

The authoritative reference and input builder live on the scoring server;
editing this copy changes nothing except your own understanding.
"""

import jax, jax.numpy as jnp
import numpy as np

N = 10000
E = 320000
D_IN = 128
D_OUT = 128
R = 8
B = 4


def _xavier_uniform(key, shape, gain):
    fan_in = shape[-2] if len(shape) >= 2 else shape[-1]
    fan_out = shape[-1]
    limit = gain * np.sqrt(6.0 / (fan_in + fan_out))
    return jax.random.uniform(key, shape, dtype=jnp.float32, minval=-limit, maxval=limit)


def setup_inputs(seed: int = 0) -> dict:
    key = jax.random.key(seed)
    k1, k2, k3, k4, k5, k6 = jax.random.split(key, 6)
    x = jax.random.normal(k1, (N, D_IN), dtype=jnp.float32)
    src = jax.random.randint(k2, (E,), 0, N)
    dst = jax.random.randint(k3, (E,), 0, N)
    rel = jax.random.randint(k4, (E,), 0, R)
    adj_t = jnp.stack([src, dst, rel]).astype(jnp.int32)
    gain = np.sqrt(2.0)  # calculate_gain('relu')
    weight = _xavier_uniform(k5, (B, D_IN, D_OUT), gain)
    w_comp = _xavier_uniform(k6, (R, B), gain)
    return {"x": x, "adj_t": adj_t, "weight": weight, "w_comp": w_comp}


def reference(x, adj_t, weight, w_comp):
    src = adj_t[0]
    dst = adj_t[1]
    rel = adj_t[2] % R
    # basis decomposition, faithful to the torch code path (num_bases < num_rels):
    # weight.view(in_feat, num_bases, out_feat); matmul(w_comp, weight); view(num_rels, in, out)
    w = weight.reshape(D_IN, B, D_OUT)
    wmat = jnp.matmul(w_comp, w)  # broadcast: [in, R, out]
    wmat = wmat.reshape(R, D_IN, D_OUT)
    # per-relation transform of all node features: h_j W_r
    xw = jnp.einsum('nd,rdo->rno', x, wmat)  # [R, N, out]
    # gather per-edge messages
    msgs = xw[rel, src]  # [E, out]
    # normalization c_{i,r} = |N_i^r| (in-degree per (dst, rel) pair)
    seg = dst * R + rel
    counts = jnp.zeros((N * R,), jnp.float32).at[seg].add(1.0)
    norm = 1.0 / jnp.maximum(counts[seg], 1.0)
    msgs = msgs * norm[:, None]
    # scatter-add aggregation over destination nodes
    out = jnp.zeros((N, D_OUT), jnp.float32).at[dst].add(msgs)
    return out

if __name__ == "__main__":
    import jax
    _d = setup_inputs()
    print(jax.jit(kernel)(*tuple(_d.values())))

</pallas_src>

<mosaic_0001>
#map = affine_map<(d0, d1) -> (0, 0)>
#map1 = affine_map<(d0, d1) -> (0)>
module attributes {stable_mosaic.version = 14 : i64} {
  func.func @_sc_body(%arg0: i32, %arg1: i32, %arg2: memref<10000x128xf32, #tpu.memory_space<hbm>>, %arg3: memref<320000xi32, #tpu.memory_space<hbm>>, %arg4: memref<320000xi32, #tpu.memory_space<hbm>>, %arg5: memref<320000xi32, #tpu.memory_space<hbm>>, %arg6: memref<80640x128xf32, #tpu.memory_space<hbm>>, %arg7: memref<80640xf32, #tpu.memory_space<hbm>>, %arg8: memref<2000xi32, #tpu.memory_space<vmem>>, %arg9: memref<2000xi32, #tpu.memory_space<vmem>>, %arg10: memref<2000xi32, #tpu.memory_space<vmem>>, %arg11: memref<6144xi32, #tpu.memory_space<vmem>>, %arg12: memref<2x64xi32, #tpu.memory_space<vmem>>, %arg13: memref<2x64xi32, #tpu.memory_space<vmem>>, %arg14: memref<2x64x128xf32, #tpu.memory_space<vmem>>, %arg15: memref<64xf32, #tpu.memory_space<vmem>>, %arg16: memref<16x128xf32, #tpu.memory_space<vmem>>, %arg17: memref<512xf32, #tpu.memory_space<vmem>>, %arg18: memref<8080x128xf32, #tpu.memory_space<vmem_shared>>, %arg19: memref<8080xf32, #tpu.memory_space<vmem_shared>>, %arg20: memref<!tpu.dma_semaphore, #tpu.memory_space<semaphore_mem>>, %arg21: memref<!tpu.dma_semaphore, #tpu.memory_space<semaphore_mem>>, %arg22: memref<!tpu.dma_semaphore, #tpu.memory_space<semaphore_mem>>, %arg23: memref<!tpu.dma_semaphore, #tpu.memory_space<semaphore_mem>>, %arg24: memref<!tpu.dma_semaphore, #tpu.memory_space<semaphore_mem>>, %arg25: memref<!tpu.dma_semaphore, #tpu.memory_space<semaphore_mem>>, %arg26: memref<!tpu.dma_semaphore, #tpu.memory_space<semaphore_mem>>, %arg27: memref<!tpu.dma_semaphore, #tpu.memory_space<semaphore_mem>>, %arg28: memref<!tpu.dma_semaphore, #tpu.memory_space<semaphore_mem>>) attributes {dimension_semantics = [#tpu.dimension_semantics<core_parallel>, #tpu.dimension_semantics<subcore_parallel>], iteration_bounds = array<i64: 2, 16>, scalar_prefetch = 0 : i64, scratch_operands = 21 : i64, tpu.core_type = #tpu.core_type<sc_vector_subcore>, window_params = [{transform_indices = #map}, {transform_indices = #map1}, {transform_indices = #map1}, {transform_indices = #map1}, {transform_indices = #map}, {transform_indices = #map1}]} {
    %scan3A = arith.constant 0 : i32
    %scan3A_0 = arith.constant 0 : i32
    %scan3A_1 = arith.constant 4 : i32
    %scan3A_2 = arith.addi %scan3A_0, %scan3A_1 : i32
    %scan3A_3 = arith.constant 1 : i32
    %scan3A_4 = scf.for %scan3A_16 = %scan3A_0 to %scan3A_2 step %scan3A_3 iter_args(%scan3A_17 = %scan3A) -> (i32)  : i32 {
      %broadcast_in_dim3A = arith.constant 1.000000e+00 : f32
      %broadcast_in_dim3A_18 = vector.broadcast %broadcast_in_dim3A : f32 to vector<16xf32>
      %mul3A_19 = arith.constant 16 : i32
      %mul3A_20 = arith.muli %scan3A_16, %mul3A_19 : i32
      %swap3A = arith.index_cast %mul3A_20 : i32 to index
      %swap3A_21 = tpu.vector_load %arg15[%swap3A] {strides = array<i32>} : memref<64xf32, #tpu.memory_space<vmem>>, vector<16xf32>,
      tpu.vector_store %arg15[%swap3A], %broadcast_in_dim3A_18 {strides = array<i32>} : memref<64xf32, #tpu.memory_space<vmem>>, vector<16xf32>,
      %scan3A_22 = arith.constant 0 : i32
      scf.yield %scan3A_22 : i32
    }
    %scan3A_5 = arith.constant 4 : i32
    %mul3A = arith.constant 504 : i32
    %mul3A_6 = arith.muli %arg1, %mul3A : i32
    %mul3A_7 = arith.constant 20000 : i32
    %mul3A_8 = arith.muli %arg1, %mul3A_7 : i32
    %scan3A_9 = arith.constant 0 : i32
    %scan3A_10 = arith.constant 0 : i32
    %scan3A_11 = arith.constant 5 : i32
    %scan3A_12 = arith.addi %scan3A_10, %scan3A_11 : i32
    %scan3A_13 = arith.constant 1 : i32
    %scan3A_14 = scf.for %scan3A_16 = %scan3A_10 to %scan3A_12 step %scan3A_13 iter_args(%scan3A_17 = %scan3A_9) -> (i32)  : i32 {
      %mul3A_18 = arith.constant 5 : i32
      %mul3A_19 = arith.muli %arg0, %mul3A_18 : i32
      %add3A = arith.addi %mul3A_19, %scan3A_16 : i32
      %mul3A_20 = arith.constant 8064 : i32
      %mul3A_21 = arith.muli %add3A, %mul3A_20 : i32
      %add3A_22 = arith.constant 8064 : i32
      %add3A_23 = arith.addi %mul3A_21, %add3A_22 : i32
      %scan3A_24 = arith.constant 0 : i32
      %scan3A_25 = arith.constant 0 : i32
      %scan3A_26 = arith.constant 16 : i32
      %scan3A_27 = arith.addi %scan3A_25, %scan3A_26 : i32
      %scan3A_28 = arith.constant 1 : i32
      %scan3A_29 = scf.for %scan3A_130 = %scan3A_25 to %scan3A_27 step %scan3A_28 iter_args(%scan3A_131 = %scan3A_24) -> (i32)  : i32 {
        %broadcast_in_dim3A_132 = arith.constant 0.000000e+00 : f32
        %broadcast_in_dim3A_133 = vector.broadcast %broadcast_in_dim3A_132 : f32 to vector<16xf32>
        %swap3A = arith.index_cast %scan3A_130 : i32 to index
        %swap3A_134 = arith.constant 0 : index
        %swap3A_135 = tpu.vector_load %arg16[%swap3A, %swap3A_134] {strides = array<i32>} : memref<16x128xf32, #tpu.memory_space<vmem>>, vector<16xf32>,
        tpu.vector_store %arg16[%swap3A, %swap3A_134], %broadcast_in_dim3A_133 {strides = array<i32>} : memref<16x128xf32, #tpu.memory_space<vmem>>, vector<16xf32>,
        %broadcast_in_dim3A_136 = arith.constant 0.000000e+00 : f32
        %broadcast_in_dim3A_137 = vector.broadcast %broadcast_in_dim3A_136 : f32 to vector<16xf32>
        %swap3A_138 = arith.index_cast %scan3A_130 : i32 to index
        %swap3A_139 = arith.constant 16 : index
        %swap3A_140 = tpu.vector_load %arg16[%swap3A_138, %swap3A_139] {strides = array<i32>} : memref<16x128xf32, #tpu.memory_space<vmem>>, vector<16xf32>,
        tpu.vector_store %arg16[%swap3A_138, %swap3A_139], %broadcast_in_dim3A_137 {strides = array<i32>} : memref<16x128xf32, #tpu.memory_space<vmem>>, vector<16xf32>,
        %broadcast_in_dim3A_141 = arith.constant 0.000000e+00 : f32
        %broadcast_in_dim3A_142 = vector.broadcast %broadcast_in_dim3A_141 : f32 to vector<16xf32>
        %swap3A_143 = arith.index_cast %scan3A_130 : i32 to index
        %swap3A_144 = arith.constant 32 : index
        %swap3A_145 = tpu.vector_load %arg16[%swap3A_143, %swap3A_144] {strides = array<i32>} : memref<16x128xf32, #tpu.memory_space<vmem>>, vector<16xf32>,
        tpu.vector_store %arg16[%swap3A_143, %swap3A_144], %broadcast_in_dim3A_142 {strides = array<i32>} : memref<16x128xf32, #tpu.memory_space<vmem>>, vector<16xf32>,
        %broadcast_in_dim3A_146 = arith.constant 0.000000e+00 : f32
        %broadcast_in_dim3A_147 = vector.broadcast %broadcast_in_dim3A_146 : f32 to vector<16xf32>
        %swap3A_148 = arith.index_cast %scan3A_130 : i32 to index
        %swap3A_149 = arith.constant 48 : index
        %swap3A_150 = tpu.vector_load %arg16[%swap3A_148, %swap3A_149] {strides = array<i32>} : memref<16x128xf32, #tpu.memory_space<vmem>>, vector<16xf32>,
        tpu.vector_store %arg16[%swap3A_148, %swap3A_149], %broadcast_in_dim3A_147 {strides = array<i32>} : memref<16x128xf32, #tpu.memory_space<vmem>>, vector<16xf32>,
        %broadcast_in_dim3A_151 = arith.constant 0.000000e+00 : f32
        %broadcast_in_dim3A_152 = vector.broadcast %broadcast_in_dim3A_151 : f32 to vector<16xf32>
        %swap3A_153 = arith.index_cast %scan3A_130 : i32 to index
        %swap3A_154 = arith.constant 64 : index
        %swap3A_155 = tpu.vector_load %arg16[%swap3A_153, %swap3A_154] {strides = array<i32>} : memref<16x128xf32, #tpu.memory_space<vmem>>, vector<16xf32>,
        tpu.vector_store %arg16[%swap3A_153, %swap3A_154], %broadcast_in_dim3A_152 {strides = array<i32>} : memref<16x128xf32, #tpu.memory_space<vmem>>, vector<16xf32>,
        %broadcast_in_dim3A_156 = arith.constant 0.000000e+00 : f32
        %broadcast_in_dim3A_157 = vector.broadcast %broadcast_in_dim3A_156 : f32 to vector<16xf32>
        %swap3A_158 = arith.index_cast %scan3A_130 : i32 to index
        %swap3A_159 = arith.constant 80 : index
        %swap3A_160 = tpu.vector_load %arg16[%swap3A_158, %swap3A_159] {strides = array<i32>} : memref<16x128xf32, #tpu.memory_space<vmem>>, vector<16xf32>,
        tpu.vector_store %arg16[%swap3A_158, %swap3A_159], %broadcast_in_dim3A_157 {strides = array<i32>} : memref<16x128xf32, #tpu.memory_space<vmem>>, vector<16xf32>,
        %broadcast_in_dim3A_161 = arith.constant 0.000000e+00 : f32
        %broadcast_in_dim3A_162 = vector.broadcast %broadcast_in_dim3A_161 : f32 to vector<16xf32>
        %swap3A_163 = arith.index_cast %scan3A_130 : i32 to index
        %swap3A_164 = arith.constant 96 : index
        %swap3A_165 = tpu.vector_load %arg16[%swap3A_163, %swap3A_164] {strides = array<i32>} : memref<16x128xf32, #tpu.memory_space<vmem>>, vector<16xf32>,
        tpu.vector_store %arg16[%swap3A_163, %swap3A_164], %broadcast_in_dim3A_162 {strides = array<i32>} : memref<16x128xf32, #tpu.memory_space<vmem>>, vector<16xf32>,
        %broadcast_in_dim3A_166 = arith.constant 0.000000e+00 : f32
        %broadcast_in_dim3A_167 = vector.broadcast %broadcast_in_dim3A_166 : f32 to vector<16xf32>
        %swap3A_168 = arith.index_cast %scan3A_130 : i32 to index
        %swap3A_169 = arith.constant 112 : index
        %swap3A_170 = tpu.vector_load %arg16[%swap3A_168, %swap3A_169] {strides = array<i32>} : memref<16x128xf32, #tpu.memory_space<vmem>>, vector<16xf32>,
        tpu.vector_store %arg16[%swap3A_168, %swap3A_169], %broadcast_in_dim3A_167 {strides = array<i32>} : memref<16x128xf32, #tpu.memory_space<vmem>>, vector<16xf32>,
        %scan3A_171 = arith.constant 0 : i32
        scf.yield %scan3A_171 : i32
      }
      %scan3A_30 = arith.constant 16 : i32
      %scan3A_31 = arith.constant 0 : i32
      %scan3A_32 = arith.constant 0 : i32
      %scan3A_33 = arith.constant 32 : i32
      %scan3A_34 = arith.addi %scan3A_32, %scan3A_33 : i32
      %scan3A_35 = arith.constant 1 : i32
      %scan3A_36 = scf.for %scan3A_130 = %scan3A_32 to %scan3A_34 step %scan3A_35 iter_args(%scan3A_131 = %scan3A_31) -> (i32)  : i32 {
        %broadcast_in_dim3A_132 = arith.constant 0.000000e+00 : f32
        %broadcast_in_dim3A_133 = vector.broadcast %broadcast_in_dim3A_132 : f32 to vector<16xf32>
        %mul3A_134 = arith.constant 16 : i32
        %mul3A_135 = arith.muli %scan3A_130, %mul3A_134 : i32
        %swap3A = arith.index_cast %mul3A_135 : i32 to index
        %swap3A_136 = tpu.vector_load %arg17[%swap3A] {strides = array<i32>} : memref<512xf32, #tpu.memory_space<vmem>>, vector<16xf32>,
        tpu.vector_store %arg17[%swap3A], %broadcast_in_dim3A_133 {strides = array<i32>} : memref<512xf32, #tpu.memory_space<vmem>>, vector<16xf32>,
        %scan3A_137 = arith.constant 0 : i32
        scf.yield %scan3A_137 : i32
      }
      %scan3A_37 = arith.constant 32 : i32
      %scan3A_38 = arith.constant 0 : i32
      %scan3A_39 = arith.constant 0 : i32
      %scan3A_40 = arith.constant 31 : i32
      %scan3A_41 = arith.addi %scan3A_39, %scan3A_40 : i32
      %scan3A_42 = arith.constant 1 : i32
      %scan3A_43 = scf.for %scan3A_130 = %scan3A_39 to %scan3A_41 step %scan3A_42 iter_args(%scan3A_131 = %scan3A_38) -> (i32)  : i32 {
        %mul3A_132 = arith.constant 16 : i32
        %mul3A_133 = arith.muli %scan3A_130, %mul3A_132 : i32
        %add3A_134 = arith.addi %mul3A_6, %mul3A_133 : i32
        "tpu.region"() ({
          %run_scoped3A = tpu.sem_alloc : memref<!tpu.dma_semaphore, #tpu.memory_space<semaphore_mem>>
          %dma_start3A = arith.constant 0 : i32
          %dma_start3A_136 = tpu.memref_slice %arg18[%add3A_134, %dma_start3A] : memref<8080x128xf32, #tpu.memory_space<vmem_shared>> -> memref<16x128xf32, #tpu.memory_space<vmem_shared>>
          %dma_start3A_137 = arith.constant 0 : i32
          %dma_start3A_138 = tpu.memref_slice %arg18[%add3A_134, %dma_start3A_137] : memref<8080x128xf32, #tpu.memory_space<vmem_shared>> -> memref<16x128xf32, #tpu.memory_space<vmem_shared>>
          tpu.enqueue_dma source(%arg16 : memref<16x128xf32, #tpu.memory_space<vmem>>) target(%dma_start3A_138 : memref<16x128xf32, #tpu.memory_space<vmem_shared>>) target_semaphore(%run_scoped3A : memref<!tpu.dma_semaphore, #tpu.memory_space<semaphore_mem>>)
          %dma_wait3A = arith.constant 0 : i32
          %dma_wait3A_139 = tpu.memref_slice %arg18[%add3A_134, %dma_wait3A] : memref<8080x128xf32, #tpu.memory_space<vmem_shared>> -> memref<16x128xf32, #tpu.memory_space<vmem_shared>>
          %dma_wait3A_140 = arith.constant 0 : i32
          %dma_wait3A_141 = tpu.memref_slice %arg18[%add3A_134, %dma_wait3A_140] : memref<8080x128xf32, #tpu.memory_space<vmem_shared>> -> memref<16x128xf32, #tpu.memory_space<vmem_shared>>
          tpu.wait_dma2 semaphore(%run_scoped3A : memref<!tpu.dma_semaphore, #tpu.memory_space<semaphore_mem>>) src(%arg16 : memref<16x128xf32, #tpu.memory_space<vmem>>) dst(%dma_wait3A_141 : memref<16x128xf32, #tpu.memory_space<vmem_shared>>)
          tpu.yield
        }) : () -> ()
        %scan3A_135 = arith.constant 0 : i32
        scf.yield %scan3A_135 : i32
      }
      %scan3A_44 = arith.constant 31 : i32
      %add3A_45 = arith.constant 496 : i32
      %add3A_46 = arith.addi %mul3A_6, %add3A_45 : i32
      "tpu.region"() ({
        %run_scoped3A = tpu.sem_alloc : memref<!tpu.dma_semaphore, #tpu.memory_space<semaphore_mem>>
        %dma_start3A = arith.constant 0 : i32
        %dma_start3A_130 = arith.constant 0 : i32
        %dma_start3A_131 = tpu.memref_slice %arg16[%dma_start3A, %dma_start3A_130] : memref<16x128xf32, #tpu.memory_space<vmem>> -> memref<8x128xf32, #tpu.memory_space<vmem>>
        %dma_start3A_132 = arith.constant 0 : i32
        %dma_start3A_133 = tpu.memref_slice %arg18[%add3A_46, %dma_start3A_132] : memref<8080x128xf32, #tpu.memory_space<vmem_shared>> -> memref<8x128xf32, #tpu.memory_space<vmem_shared>>
        %dma_start3A_134 = arith.constant 0 : i32
        %dma_start3A_135 = tpu.memref_slice %arg18[%add3A_46, %dma_start3A_134] : memref<8080x128xf32, #tpu.memory_space<vmem_shared>> -> memref<8x128xf32, #tpu.memory_space<vmem_shared>>
        %dma_start3A_136 = arith.constant 0 : i32
        %dma_start3A_137 = arith.constant 0 : i32
        %dma_start3A_138 = tpu.memref_slice %arg16[%dma_start3A_136, %dma_start3A_137] : memref<16x128xf32, #tpu.memory_space<vmem>> -> memref<8x128xf32, #tpu.memory_space<vmem>>
        tpu.enqueue_dma source(%dma_start3A_138 : memref<8x128xf32, #tpu.memory_space<vmem>>) target(%dma_start3A_135 : memref<8x128xf32, #tpu.memory_space<vmem_shared>>) target_semaphore(%run_scoped3A : memref<!tpu.dma_semaphore, #tpu.memory_space<semaphore_mem>>)
        %dma_wait3A = arith.constant 0 : i32
        %dma_wait3A_139 = arith.constant 0 : i32
        %dma_wait3A_140 = tpu.memref_slice %arg16[%dma_wait3A, %dma_wait3A_139] : memref<16x128xf32, #tpu.memory_space<vmem>> -> memref<8x128xf32, #tpu.memory_space<vmem>>
        %dma_wait3A_141 = arith.constant 0 : i32
        %dma_wait3A_142 = tpu.memref_slice %arg18[%add3A_46, %dma_wait3A_141] : memref<8080x128xf32, #tpu.memory_space<vmem_shared>> -> memref<8x128xf32, #tpu.memory_space<vmem_shared>>
        %dma_wait3A_143 = arith.constant 0 : i32
        %dma_wait3A_144 = tpu.memref_slice %arg18[%add3A_46, %dma_wait3A_143] : memref<8080x128xf32, #tpu.memory_space<vmem_shared>> -> memref<8x128xf32, #tpu.memory_space<vmem_shared>>
        %dma_wait3A_145 = arith.constant 0 : i32
        %dma_wait3A_146 = arith.constant 0 : i32
        %dma_wait3A_147 = tpu.memref_slice %arg16[%dma_wait3A_145, %dma_wait3A_146] : memref<16x128xf32, #tpu.memory_space<vmem>> -> memref<8x128xf32, #tpu.memory_space<vmem>>
        tpu.wait_dma2 semaphore(%run_scoped3A : memref<!tpu.dma_semaphore, #tpu.memory_space<semaphore_mem>>) src(%dma_wait3A_147 : memref<8x128xf32, #tpu.memory_space<vmem>>) dst(%dma_wait3A_144 : memref<8x128xf32, #tpu.memory_space<vmem_shared>>)
        tpu.yield
      }) : () -> ()
      "tpu.region"() ({
        %run_scoped3A = tpu.sem_alloc : memref<!tpu.dma_semaphore, #tpu.memory_space<semaphore_mem>>
        %dma_start3A = arith.constant 0 : i32
        %dma_start3A_130 = tpu.memref_slice %arg17[%dma_start3A] : memref<512xf32, #tpu.memory_space<vmem>> -> memref<504xf32, #tpu.memory_space<vmem>>
        %dma_start3A_131 = tpu.memref_slice %arg19[%mul3A_6] : memref<8080xf32, #tpu.memory_space<vmem_shared>> -> memref<504xf32, #tpu.memory_space<vmem_shared>>
        %dma_start3A_132 = tpu.memref_slice %arg19[%mul3A_6] : memref<8080xf32, #tpu.memory_space<vmem_shared>> -> memref<504xf32, #tpu.memory_space<vmem_shared>>
        %dma_start3A_133 = arith.constant 0 : i32
        %dma_start3A_134 = tpu.memref_slice %arg17[%dma_start3A_133] : memref<512xf32, #tpu.memory_space<vmem>> -> memref<504xf32, #tpu.memory_space<vmem>>
        tpu.enqueue_dma source(%dma_start3A_134 : memref<504xf32, #tpu.memory_space<vmem>>) target(%dma_start3A_132 : memref<504xf32, #tpu.memory_space<vmem_shared>>) target_semaphore(%run_scoped3A : memref<!tpu.dma_semaphore, #tpu.memory_space<semaphore_mem>>)
        %dma_wait3A = arith.constant 0 : i32
        %dma_wait3A_135 = tpu.memref_slice %arg17[%dma_wait3A] : memref<512xf32, #tpu.memory_space<vmem>> -> memref<504xf32, #tpu.memory_space<vmem>>
        %dma_wait3A_136 = tpu.memref_slice %arg19[%mul3A_6] : memref<8080xf32, #tpu.memory_space<vmem_shared>> -> memref<504xf32, #tpu.memory_space<vmem_shared>>
        %dma_wait3A_137 = tpu.memref_slice %arg19[%mul3A_6] : memref<8080xf32, #tpu.memory_space<vmem_shared>> -> memref<504xf32, #tpu.memory_space<vmem_shared>>
        %dma_wait3A_138 = arith.constant 0 : i32
        %dma_wait3A_139 = tpu.memref_slice %arg17[%dma_wait3A_138] : memref<512xf32, #tpu.memory_space<vmem>> -> memref<504xf32, #tpu.memory_space<vmem>>
        tpu.wait_dma2 semaphore(%run_scoped3A : memref<!tpu.dma_semaphore, #tpu.memory_space<semaphore_mem>>) src(%dma_wait3A_139 : memref<504xf32, #tpu.memory_space<vmem>>) dst(%dma_wait3A_137 : memref<504xf32, #tpu.memory_space<vmem_shared>>)
        tpu.yield
      }) : () -> ()
      %barrier3A = arith.constant 0 : index
      tpu.barrier barrier_id(%barrier3A)
      %iota3A = tpu.iota {dimensions = array<i32: 0>} : vector<16xi32>
      %broadcast_in_dim3A = arith.constant 0 : i32
      %broadcast_in_dim3A_47 = vector.broadcast %broadcast_in_dim3A : i32 to vector<16xi32>
      %broadcast_in_dim3A_48 = arith.constant 8064 : i32
      %broadcast_in_dim3A_49 = vector.broadcast %broadcast_in_dim3A_48 : i32 to vector<16xi32>
      %scan3A_50 = arith.constant 0 : i32
      %scan3A_51 = arith.constant 0 : i32
      %scan3A_52 = arith.constant 10 : i32
      %scan3A_53 = arith.addi %scan3A_51, %scan3A_52 : i32
      %scan3A_54 = arith.constant 1 : i32
      %scan3A_55 = scf.for %scan3A_130 = %scan3A_51 to %scan3A_53 step %scan3A_54 iter_args(%scan3A_131 = %scan3A_50) -> (i32)  : i32 {
        %mul3A_132 = arith.constant 2000 : i32
        %mul3A_133 = arith.muli %scan3A_130, %mul3A_132 : i32
        %add3A_134 = arith.addi %mul3A_8, %mul3A_133 : i32
        %dma_start3A = tpu.memref_slice %arg3[%add3A_134] : memref<320000xi32, #tpu.memory_space<hbm>> -> memref<2000xi32, #tpu.memory_space<hbm>>
        %dma_start3A_135 = tpu.memref_slice %arg3[%add3A_134] : memref<320000xi32, #tpu.memory_space<hbm>> -> memref<2000xi32, #tpu.memory_space<hbm>>
        tpu.enqueue_dma source(%dma_start3A_135 : memref<2000xi32, #tpu.memory_space<hbm>>) target(%arg8 : memref<2000xi32, #tpu.memory_space<vmem>>) target_semaphore(%arg20 : memref<!tpu.dma_semaphore, #tpu.memory_space<semaphore_mem>>)
        %dma_start3A_136 = tpu.memref_slice %arg4[%add3A_134] : memref<320000xi32, #tpu.memory_space<hbm>> -> memref<2000xi32, #tpu.memory_space<hbm>>
        %dma_start3A_137 = tpu.memref_slice %arg4[%add3A_134] : memref<320000xi32, #tpu.memory_space<hbm>> -> memref<2000xi32, #tpu.memory_space<hbm>>
        tpu.enqueue_dma source(%dma_start3A_137 : memref<2000xi32, #tpu.memory_space<hbm>>) target(%arg9 : memref<2000xi32, #tpu.memory_space<vmem>>) target_semaphore(%arg21 : memref<!tpu.dma_semaphore, #tpu.memory_space<semaphore_mem>>)
        %dma_start3A_138 = tpu.memref_slice %arg5[%add3A_134] : memref<320000xi32, #tpu.memory_space<hbm>> -> memref<2000xi32, #tpu.memory_space<hbm>>
        %dma_start3A_139 = tpu.memref_slice %arg5[%add3A_134] : memref<320000xi32, #tpu.memory_space<hbm>> -> memref<2000xi32, #tpu.memory_space<hbm>>
        tpu.enqueue_dma source(%dma_start3A_139 : memref<2000xi32, #tpu.memory_space<hbm>>) target(%arg10 : memref<2000xi32, #tpu.memory_space<vmem>>) target_semaphore(%arg22 : memref<!tpu.dma_semaphore, #tpu.memory_space<semaphore_mem>>)
        %dma_wait3A = tpu.memref_slice %arg3[%add3A_134] : memref<320000xi32, #tpu.memory_space<hbm>> -> memref<2000xi32, #tpu.memory_space<hbm>>
        %dma_wait3A_140 = tpu.memref_slice %arg3[%add3A_134] : memref<320000xi32, #tpu.memory_space<hbm>> -> memref<2000xi32, #tpu.memory_space<hbm>>
        tpu.wait_dma2 semaphore(%arg20 : memref<!tpu.dma_semaphore, #tpu.memory_space<semaphore_mem>>) src(%dma_wait3A_140 : memref<2000xi32, #tpu.memory_space<hbm>>) dst(%arg8 : memref<2000xi32, #tpu.memory_space<vmem>>)
        %dma_wait3A_141 = tpu.memref_slice %arg4[%add3A_134] : memref<320000xi32, #tpu.memory_space<hbm>> -> memref<2000xi32, #tpu.memory_space<hbm>>
        %dma_wait3A_142 = tpu.memref_slice %arg4[%add3A_134] : memref<320000xi32, #tpu.memory_space<hbm>> -> memref<2000xi32, #tpu.memory_space<hbm>>
        tpu.wait_dma2 semaphore(%arg21 : memref<!tpu.dma_semaphore, #tpu.memory_space<semaphore_mem>>) src(%dma_wait3A_142 : memref<2000xi32, #tpu.memory_space<hbm>>) dst(%arg9 : memref<2000xi32, #tpu.memory_space<vmem>>)
        %dma_wait3A_143 = tpu.memref_slice %arg5[%add3A_134] : memref<320000xi32, #tpu.memory_space<hbm>> -> memref<2000xi32, #tpu.memory_space<hbm>>
        %dma_wait3A_144 = tpu.memref_slice %arg5[%add3A_134] : memref<320000xi32, #tpu.memory_space<hbm>> -> memref<2000xi32, #tpu.memory_space<hbm>>
        tpu.wait_dma2 semaphore(%arg22 : memref<!tpu.dma_semaphore, #tpu.memory_space<semaphore_mem>>) src(%dma_wait3A_144 : memref<2000xi32, #tpu.memory_space<hbm>>) dst(%arg10 : memref<2000xi32, #tpu.memory_space<vmem>>)
        %scan3A_145 = arith.constant 0 : i32
        %scan3A_146 = arith.constant 125 : i32
        %scan3A_147 = arith.addi %scan3A_145, %scan3A_146 : i32
        %scan3A_148 = arith.constant 1 : i32
        %scan3A_149 = scf.for %scan3A_157 = %scan3A_145 to %scan3A_147 step %scan3A_148 iter_args(%scan3A_158 = %scan3A_131) -> (i32)  : i32 {
          %mul3A_159 = arith.constant 16 : i32
          %mul3A_160 = arith.muli %scan3A_157, %mul3A_159 : i32
          %get3A = arith.index_cast %mul3A_160 : i32 to index
          %get3A_161 = tpu.vector_load %arg8[%get3A] {strides = array<i32>} : memref<2000xi32, #tpu.memory_space<vmem>>, vector<16xi32>,
          %get3A_162 = arith.index_cast %mul3A_160 : i32 to index
          %get3A_163 = tpu.vector_load %arg9[%get3A_162] {strides = array<i32>} : memref<2000xi32, #tpu.memory_space<vmem>>, vector<16xi32>,
          %get3A_164 = arith.index_cast %mul3A_160 : i32 to index
          %get3A_165 = tpu.vector_load %arg10[%get3A_164] {strides = array<i32>} : memref<2000xi32, #tpu.memory_space<vmem>>, vector<16xi32>,
          %jit3A_166 = arith.constant 8 : i32
          %eq3A = arith.constant 0 : i32
          %eq3A_167 = arith.cmpi eq, %jit3A_166, %eq3A : i32
          %jit3A_168 = arith.constant 1 : i32
          %select_n3A_169 = arith.select %eq3A_167, %jit3A_168, %jit3A_166 : i32
          %rem3A_170 = vector.broadcast %select_n3A_169 : i32 to vector<16xi32>
          %rem3A_171 = arith.remsi %get3A_165, %rem3A_170 : vector<16xi32>
          %ne3A_172 = arith.constant 0 : i32
          %ne3A_173 = vector.broadcast %ne3A_172 : i32 to vector<16xi32>
          %ne3A_174 = arith.cmpi ne, %rem3A_171, %ne3A_173 : vector<16xi32>
          %lt3A = arith.constant 0 : i32
          %lt3A_175 = vector.broadcast %lt3A : i32 to vector<16xi32>
          %lt3A_176 = arith.cmpi slt, %rem3A_171, %lt3A_175 : vector<16xi32>
          %lt3A_177 = arith.constant 0 : i32
          %lt3A_178 = arith.cmpi slt, %select_n3A_169, %lt3A_177 : i32
          %ne3A_179 = vector.broadcast %lt3A_178 : i1 to vector<16xi1>
          %ne3A_180 = vector.broadcast %ne3A_179 : vector<16xi1> to vector<16xi1>
          %ne3A_181 = arith.xori %lt3A_176, %ne3A_180 : vector<16xi1>
          %and3A_182 = arith.andi %ne3A_181, %ne3A_174 : vector<16xi1>
          %add3A_183 = vector.broadcast %select_n3A_169 : i32 to vector<16xi32>
          %add3A_184 = arith.addi %rem3A_171, %add3A_183 : vector<16xi32>
          %select_n3A_185 = arith.select %and3A_182, %add3A_184, %rem3A_171 : vector<16xi1>, vector<16xi32>
          %mul3A_186 = arith.constant 10000 : i32
          %mul3A_187 = vector.broadcast %mul3A_186 : i32 to vector<16xi32>
          %mul3A_188 = arith.muli %select_n3A_185, %mul3A_187 : vector<16xi32>
          %add3A_189 = arith.addi %mul3A_188, %get3A_163 : vector<16xi32>
          %ge3A_190 = vector.broadcast %mul3A_21 : i32 to vector<16xi32>
          %ge3A_191 = arith.cmpi sge, %add3A_189, %ge3A_190 : vector<16xi32>
          %lt3A_192 = vector.broadcast %add3A_23 : i32 to vector<16xi32>
          %lt3A_193 = arith.cmpi slt, %add3A_189, %lt3A_192 : vector<16xi32>
          %and3A_194 = arith.andi %ge3A_191, %lt3A_193 : vector<16xi1>
          %broadcast_in_dim3A_195 = arith.constant 0 : i32
          %broadcast_in_dim3A_196 = vector.broadcast %broadcast_in_dim3A_195 : i32 to vector<16xi32>
          %broadcast_in_dim3A_197 = arith.constant 1 : i32
          %broadcast_in_dim3A_198 = vector.broadcast %broadcast_in_dim3A_197 : i32 to vector<16xi32>
          %select_n3A_199 = arith.select %and3A_194, %broadcast_in_dim3A_196, %broadcast_in_dim3A_198 : vector<16xi1>, vector<16xi32>
          %shift_left3A = arith.constant 13 : i32
          %shift_left3A_200 = vector.broadcast %shift_left3A : i32 to vector<16xi32>
          %shift_left3A_201 = arith.shli %get3A_161, %shift_left3A_200 : vector<16xi32>
          %sub3A_202 = vector.broadcast %mul3A_21 : i32 to vector<16xi32>
          %sub3A_203 = arith.subi %add3A_189, %sub3A_202 : vector<16xi32>
          %or3A = arith.ori %shift_left3A_201, %sub3A_203 : vector<16xi32>
          %masked_sort3A = arith.constant dense<true> : vector<16xi1>
          %masked_sort3A_204 = arith.constant -2147483648 : i32
          %masked_sort3A_205 = vector.broadcast %masked_sort3A_204 : i32 to vector<16xi32>
          %masked_sort3A_206 = arith.xori %select_n3A_199, %masked_sort3A_205 : vector<16xi32>
          %masked_sort3A_207, %masked_sort3A_208, %masked_sort3A_209 = tpu.sort %masked_sort3A_206, %or3A masked %masked_sort3A : (vector<16xi32>, vector<16xi32>, vector<16xi1>) -> (vector<16xi1>, vector<16xi32>, vector<16xi32>)
          %masked_sort3A_210 = arith.xori %masked_sort3A_208, %masked_sort3A_205 : vector<16xi32>
          %swap3A = arith.index_cast %scan3A_158 : i32 to index
          %swap3A_211 = tpu.vector_load %arg11[%swap3A] {strides = array<i32>} : memref<6144xi32, #tpu.memory_space<vmem>>, vector<16xi32>,
          tpu.vector_store %arg11[%swap3A], %masked_sort3A_209 {strides = array<i32>} : memref<6144xi32, #tpu.memory_space<vmem>>, vector<16xi32>,
          %all_reduce_population_count3A = tpu.all_reduce %and3A_194 {dim = 0 : i64, kind = #tpu.reduction_kind<sum>} : vector<16xi1> -> vector<16xi32>
          %slice3A = vector.extract_strided_slice %all_reduce_population_count3A {offsets = [0], sizes = [1], strides = [1]} : vector<16xi32> to vector<1xi32>
          %squeeze3A = vector.extract %slice3A[0] : i32 from vector<1xi32>
          %add3A_212 = arith.addi %scan3A_158, %squeeze3A : i32
          scf.yield %add3A_212 : i32
        }
        %scan3A_150 = arith.constant 125 : i32
        %ge3A = arith.constant 4016 : i32
        %ge3A_151 = arith.cmpi sge, %scan3A_149, %ge3A : i32
        %convert_element_type3A_152 = arith.extui %ge3A_151 : i1 to i32
        %cond3A_153 = arith.constant 0 : i32
        %cond3A_154 = arith.cmpi ne, %convert_element_type3A_152, %cond3A_153 : i32
        scf.if %cond3A_154 {
          %add3A_157 = arith.constant 64 : i32
          %add3A_158 = arith.addi %scan3A_149, %add3A_157 : i32
          %sub3A_159 = arith.constant 1 : i32
          %sub3A_160 = arith.subi %add3A_158, %sub3A_159 : i32
          %jit3A_161 = arith.constant 64 : i32
          %div3A_162 = arith.divsi %sub3A_160, %jit3A_161 : i32
          %sign3A_163 = arith.constant 0 : i32
          %sign3A_164 = arith.cmpi sgt, %sub3A_160, %sign3A_163 : i32
          %sign3A_165 = arith.extui %sign3A_164 : i1 to i32
          %sign3A_166 = arith.constant 0 : i32
          %sign3A_167 = arith.cmpi slt, %sub3A_160, %sign3A_166 : i32
          %sign3A_168 = arith.extui %sign3A_167 : i1 to i32
          %sign3A_169 = arith.subi %sign3A_165, %sign3A_168 : i32
          %sign3A_170 = arith.constant 0 : i32
          %sign3A_171 = arith.cmpi sgt, %jit3A_161, %sign3A_170 : i32
          %sign3A_172 = arith.extui %sign3A_171 : i1 to i32
          %sign3A_173 = arith.constant 0 : i32
          %sign3A_174 = arith.cmpi slt, %jit3A_161, %sign3A_173 : i32
          %sign3A_175 = arith.extui %sign3A_174 : i1 to i32
          %sign3A_176 = arith.subi %sign3A_172, %sign3A_175 : i32
          %ne3A_177 = arith.cmpi ne, %sign3A_169, %sign3A_176 : i32
          %rem3A_178 = arith.remsi %sub3A_160, %jit3A_161 : i32
          %ne3A_179 = arith.constant 0 : i32
          %ne3A_180 = arith.cmpi ne, %rem3A_178, %ne3A_179 : i32
          %and3A_181 = arith.andi %ne3A_177, %ne3A_180 : i1
          %sub3A_182 = arith.constant 1 : i32
          %sub3A_183 = arith.subi %div3A_162, %sub3A_182 : i32
          %select_n3A_184 = arith.select %and3A_181, %sub3A_183, %div3A_162 : i32
          %add3A_185 = arith.constant 1 : i32
          %add3A_186 = arith.addi %select_n3A_184, %add3A_185 : i32
          %jit3A_187 = arith.constant 2 : i32
          %div3A_188 = arith.divsi %add3A_186, %jit3A_187 : i32
          %sign3A_189 = arith.constant 0 : i32
          %sign3A_190 = arith.cmpi sgt, %add3A_186, %sign3A_189 : i32
          %sign3A_191 = arith.extui %sign3A_190 : i1 to i32
          %sign3A_192 = arith.constant 0 : i32
          %sign3A_193 = arith.cmpi slt, %add3A_186, %sign3A_192 : i32
          %sign3A_194 = arith.extui %sign3A_193 : i1 to i32
          %sign3A_195 = arith.subi %sign3A_191, %sign3A_194 : i32
          %sign3A_196 = arith.constant 0 : i32
          %sign3A_197 = arith.cmpi sgt, %jit3A_187, %sign3A_196 : i32
          %sign3A_198 = arith.extui %sign3A_197 : i1 to i32
          %sign3A_199 = arith.constant 0 : i32
          %sign3A_200 = arith.cmpi slt, %jit3A_187, %sign3A_199 : i32
          %sign3A_201 = arith.extui %sign3A_200 : i1 to i32
          %sign3A_202 = arith.subi %sign3A_198, %sign3A_201 : i32
          %ne3A_203 = arith.cmpi ne, %sign3A_195, %sign3A_202 : i32
          %rem3A_204 = arith.remsi %add3A_186, %jit3A_187 : i32
          %ne3A_205 = arith.constant 0 : i32
          %ne3A_206 = arith.cmpi ne, %rem3A_204, %ne3A_205 : i32
          %and3A_207 = arith.andi %ne3A_203, %ne3A_206 : i1
          %sub3A_208 = arith.constant 1 : i32
          %sub3A_209 = arith.subi %div3A_188, %sub3A_208 : i32
          %select_n3A_210 = arith.select %and3A_207, %sub3A_209, %div3A_188 : i32
          %while3A_211 = arith.constant 0 : i32
          %while3A_212 = arith.constant 0 : i32
          %while3A_213 = arith.subi %select_n3A_210, %while3A_211 : i32
          %while3A_214 = arith.addi %while3A_211, %while3A_213 : i32
          %while3A_215 = arith.constant 1 : i32
          %while3A_216 = arith.divsi %while3A_213, %while3A_215 : i32
          %while3A_217 = arith.muli %while3A_216, %while3A_215 : i32
          %while3A_218 = arith.addi %while3A_211, %while3A_217 : i32
          %while3A_219 = arith.constant 1 : i32
          %while3A_220 = scf.for %while3A_228 = %while3A_211 to %while3A_218 step %while3A_219 iter_args(%while3A_229 = %while3A_212) -> (i32)  : i32 {
            %mul3A_230 = arith.constant 2 : i32
            %mul3A_231 = arith.muli %mul3A_230, %while3A_228 : i32
            %add3A_232 = arith.constant 0 : i32
            %add3A_233 = arith.addi %mul3A_231, %add3A_232 : i32
            %gt3A_234 = arith.constant 0 : i32
            %gt3A_235 = arith.cmpi sgt, %while3A_228, %gt3A_234 : i32
            %convert_element_type3A_236 = arith.extui %gt3A_235 : i1 to i32
            %cond3A_237 = arith.constant 0 : i32
            %cond3A_238 = arith.cmpi ne, %convert_element_type3A_236, %cond3A_237 : i32
            scf.if %cond3A_238 {
              %dma_wait3A_541 = arith.constant 0 : i32
              %dma_wait3A_542 = arith.constant 0 : i32
              %dma_wait3A_543 = arith.constant 0 : i32
              %dma_wait3A_544 = arith.constant 0 : i32
              %dma_wait3A_545 = tpu.memref_slice %arg14[%dma_wait3A_541, %dma_wait3A_543, %dma_wait3A_544] : memref<2x64x128xf32, #tpu.memory_space<vmem>> -> memref<1x64x128xf32, #tpu.memory_space<vmem>>
              %dma_wait3A_546 = tpu.memref_squeeze %dma_wait3A_545 : memref<1x64x128xf32, #tpu.memory_space<vmem>> -> memref<64x128xf32, #tpu.memory_space<vmem>>
              %dma_wait3A_547 = arith.constant 0 : i32
              %dma_wait3A_548 = tpu.memref_slice %arg13[%dma_wait3A_542, %dma_wait3A_547] : memref<2x64xi32, #tpu.memory_space<vmem>> -> memref<1x64xi32, #tpu.memory_space<vmem>>
              %dma_wait3A_549 = tpu.memref_squeeze %dma_wait3A_548 : memref<1x64xi32, #tpu.memory_space<vmem>> -> memref<64xi32, #tpu.memory_space<vmem>>
              %dma_wait3A_550 = arith.constant 0 : i32
              %dma_wait3A_551 = arith.constant 0 : i32
              %dma_wait3A_552 = tpu.memref_slice %arg18[%dma_wait3A_550, %dma_wait3A_551] : memref<8080x128xf32, #tpu.memory_space<vmem_shared>> -> memref<8080x128xf32, #tpu.memory_space<vmem_shared>>
              tpu.wait_indirect_dma semaphore(%arg25 : memref<!tpu.dma_semaphore, #tpu.memory_space<semaphore_mem>>) src(%dma_wait3A_546 : memref<64x128xf32, #tpu.memory_space<vmem>>) dst(%dma_wait3A_552 : memref<8080x128xf32, #tpu.memory_space<vmem_shared>>)
              %dma_wait3A_553 = arith.constant 0 : i32
              %dma_wait3A_554 = arith.constant 0 : i32
              %dma_wait3A_555 = tpu.memref_slice %arg13[%dma_wait3A_553, %dma_wait3A_554] : memref<2x64xi32, #tpu.memory_space<vmem>> -> memref<1x64xi32, #tpu.memory_space<vmem>>
              %dma_wait3A_556 = tpu.memref_squeeze %dma_wait3A_555 : memref<1x64xi32, #tpu.memory_space<vmem>> -> memref<64xi32, #tpu.memory_space<vmem>>
              %dma_wait3A_557 = arith.constant 0 : i32
              %dma_wait3A_558 = tpu.memref_slice %arg19[%dma_wait3A_557] : memref<8080xf32, #tpu.memory_space<vmem_shared>> -> memref<8080xf32, #tpu.memory_space<vmem_shared>>
              tpu.wait_indirect_dma semaphore(%arg27 : memref<!tpu.dma_semaphore, #tpu.memory_space<semaphore_mem>>) src(%arg15 : memref<64xf32, #tpu.memory_space<vmem>>) dst(%dma_wait3A_558 : memref<8080xf32, #tpu.memory_space<vmem_shared>>)
            } else {
            }
            %mul3A_239 = arith.constant 64 : i32
            %mul3A_240 = arith.muli %add3A_233, %mul3A_239 : i32
            %add3A_241 = arith.constant 0 : i32
            %add3A_242 = arith.addi %mul3A_240, %add3A_241 : i32
            %add3A_243 = arith.constant 0 : i32
            %add3A_244 = arith.addi %mul3A_240, %add3A_243 : i32
            %add3A_245 = vector.broadcast %add3A_244 : i32 to vector<16xi32>
            %add3A_246 = arith.addi %add3A_245, %iota3A : vector<16xi32>
            %lt3A = vector.broadcast %scan3A_149 : i32 to vector<16xi32>
            %lt3A_247 = arith.cmpi slt, %add3A_246, %lt3A : vector<16xi32>
            %get3A = arith.index_cast %add3A_242 : i32 to index
            %get3A_248 = tpu.vector_load %arg11[%get3A] {strides = array<i32>} : memref<6144xi32, #tpu.memory_space<vmem>>, vector<16xi32>,
            %shift_right_arithmetic3A = arith.constant 13 : i32
            %shift_right_arithmetic3A_249 = vector.broadcast %shift_right_arithmetic3A : i32 to vector<16xi32>
            %shift_right_arithmetic3A_250 = arith.shrsi %get3A_248, %shift_right_arithmetic3A_249 : vector<16xi32>
            %select_n3A_251 = arith.select %lt3A_247, %shift_right_arithmetic3A_250, %broadcast_in_dim3A_47 : vector<16xi1>, vector<16xi32>
            %swap3A = arith.constant 0 : i32
            %swap3A_252 = arith.index_cast %swap3A : i32 to index
            %swap3A_253 = arith.constant 0 : index
            %swap3A_254 = tpu.vector_load %arg12[%swap3A_252, %swap3A_253] {strides = array<i32>} : memref<2x64xi32, #tpu.memory_space<vmem>>, vector<16xi32>,
            tpu.vector_store %arg12[%swap3A_252, %swap3A_253], %select_n3A_251 {strides = array<i32>} : memref<2x64xi32, #tpu.memory_space<vmem>>, vector<16xi32>,
            %and3A_255 = arith.constant 8191 : i32
            %and3A_256 = vector.broadcast %and3A_255 : i32 to vector<16xi32>
            %and3A_257 = arith.andi %get3A_248, %and3A_256 : vector<16xi32>
            %select_n3A_258 = arith.select %lt3A_247, %and3A_257, %broadcast_in_dim3A_49 : vector<16xi1>, vector<16xi32>
            %swap3A_259 = arith.constant 0 : i32
            %swap3A_260 = arith.index_cast %swap3A_259 : i32 to index
            %swap3A_261 = arith.constant 0 : index
            %swap3A_262 = tpu.vector_load %arg13[%swap3A_260, %swap3A_261] {strides = array<i32>} : memref<2x64xi32, #tpu.memory_space<vmem>>, vector<16xi32>,
            tpu.vector_store %arg13[%swap3A_260, %swap3A_261], %select_n3A_258 {strides = array<i32>} : memref<2x64xi32, #tpu.memory_space<vmem>>, vector<16xi32>,
            %add3A_263 = arith.constant 16 : i32
            %add3A_264 = arith.addi %mul3A_240, %add3A_263 : i32
            %add3A_265 = arith.constant 16 : i32
            %add3A_266 = arith.addi %mul3A_240, %add3A_265 : i32
            %add3A_267 = vector.broadcast %add3A_266 : i32 to vector<16xi32>
            %add3A_268 = arith.addi %add3A_267, %iota3A : vector<16xi32>
            %lt3A_269 = vector.broadcast %scan3A_149 : i32 to vector<16xi32>
            %lt3A_270 = arith.cmpi slt, %add3A_268, %lt3A_269 : vector<16xi32>
            %get3A_271 = arith.index_cast %add3A_264 : i32 to index
            %get3A_272 = tpu.vector_load %arg11[%get3A_271] {strides = array<i32>} : memref<6144xi32, #tpu.memory_space<vmem>>, vector<16xi32>,
            %shift_right_arithmetic3A_273 = arith.constant 13 : i32
            %shift_right_arithmetic3A_274 = vector.broadcast %shift_right_arithmetic3A_273 : i32 to vector<16xi32>
            %shift_right_arithmetic3A_275 = arith.shrsi %get3A_272, %shift_right_arithmetic3A_274 : vector<16xi32>
            %select_n3A_276 = arith.select %lt3A_270, %shift_right_arithmetic3A_275, %broadcast_in_dim3A_47 : vector<16xi1>, vector<16xi32>
            %swap3A_277 = arith.constant 0 : i32
            %swap3A_278 = arith.index_cast %swap3A_277 : i32 to index
            %swap3A_279 = arith.constant 16 : index
            %swap3A_280 = tpu.vector_load %arg12[%swap3A_278, %swap3A_279] {strides = array<i32>} : memref<2x64xi32, #tpu.memory_space<vmem>>, vector<16xi32>,
            tpu.vector_store %arg12[%swap3A_278, %swap3A_279], %select_n3A_276 {strides = array<i32>} : memref<2x64xi32, #tpu.memory_space<vmem>>, vector<16xi32>,
            %and3A_281 = arith.constant 8191 : i32
            %and3A_282 = vector.broadcast %and3A_281 : i32 to vector<16xi32>
            %and3A_283 = arith.andi %get3A_272, %and3A_282 : vector<16xi32>
            %select_n3A_284 = arith.select %lt3A_270, %and3A_283, %broadcast_in_dim3A_49 : vector<16xi1>, vector<16xi32>
            %swap3A_285 = arith.constant 0 : i32
            %swap3A_286 = arith.index_cast %swap3A_285 : i32 to index
            %swap3A_287 = arith.constant 16 : index
            %swap3A_288 = tpu.vector_load %arg13[%swap3A_286, %swap3A_287] {strides = array<i32>} : memref<2x64xi32, #tpu.memory_space<vmem>>, vector<16xi32>,
            tpu.vector_store %arg13[%swap3A_286, %swap3A_287], %select_n3A_284 {strides = array<i32>} : memref<2x64xi32, #tpu.memory_space<vmem>>, vector<16xi32>,
            %add3A_289 = arith.constant 32 : i32
            %add3A_290 = arith.addi %mul3A_240, %add3A_289 : i32
            %add3A_291 = arith.constant 32 : i32
            %add3A_292 = arith.addi %mul3A_240, %add3A_291 : i32
            %add3A_293 = vector.broadcast %add3A_292 : i32 to vector<16xi32>
            %add3A_294 = arith.addi %add3A_293, %iota3A : vector<16xi32>
            %lt3A_295 = vector.broadcast %scan3A_149 : i32 to vector<16xi32>
            %lt3A_296 = arith.cmpi slt, %add3A_294, %lt3A_295 : vector<16xi32>
            %get3A_297 = arith.index_cast %add3A_290 : i32 to index
            %get3A_298 = tpu.vector_load %arg11[%get3A_297] {strides = array<i32>} : memref<6144xi32, #tpu.memory_space<vmem>>, vector<16xi32>,
            %shift_right_arithmetic3A_299 = arith.constant 13 : i32
            %shift_right_arithmetic3A_300 = vector.broadcast %shift_right_arithmetic3A_299 : i32 to vector<16xi32>
            %shift_right_arithmetic3A_301 = arith.shrsi %get3A_298, %shift_right_arithmetic3A_300 : vector<16xi32>
            %select_n3A_302 = arith.select %lt3A_296, %shift_right_arithmetic3A_301, %broadcast_in_dim3A_47 : vector<16xi1>, vector<16xi32>
            %swap3A_303 = arith.constant 0 : i32
            %swap3A_304 = arith.index_cast %swap3A_303 : i32 to index
            %swap3A_305 = arith.constant 32 : index
            %swap3A_306 = tpu.vector_load %arg12[%swap3A_304, %swap3A_305] {strides = array<i32>} : memref<2x64xi32, #tpu.memory_space<vmem>>, vector<16xi32>,
            tpu.vector_store %arg12[%swap3A_304, %swap3A_305], %select_n3A_302 {strides = array<i32>} : memref<2x64xi32, #tpu.memory_space<vmem>>, vector<16xi32>,
            %and3A_307 = arith.constant 8191 : i32
            %and3A_308 = vector.broadcast %and3A_307 : i32 to vector<16xi32>
            %and3A_309 = arith.andi %get3A_298, %and3A_308 : vector<16xi32>
            %select_n3A_310 = arith.select %lt3A_296, %and3A_309, %broadcast_in_dim3A_49 : vector<16xi1>, vector<16xi32>
            %swap3A_311 = arith.constant 0 : i32
            %swap3A_312 = arith.index_cast %swap3A_311 : i32 to index
            %swap3A_313 = arith.constant 32 : index
            %swap3A_314 = tpu.vector_load %arg13[%swap3A_312, %swap3A_313] {strides = array<i32>} : memref<2x64xi32, #tpu.memory_space<vmem>>, vector<16xi32>,
            tpu.vector_store %arg13[%swap3A_312, %swap3A_313], %select_n3A_310 {strides = array<i32>} : memref<2x64xi32, #tpu.memory_space<vmem>>, vector<16xi32>,
            %add3A_315 = arith.constant 48 : i32
            %add3A_316 = arith.addi %mul3A_240, %add3A_315 : i32
            %add3A_317 = arith.constant 48 : i32
            %add3A_318 = arith.addi %mul3A_240, %add3A_317 : i32
            %add3A_319 = vector.broadcast %add3A_318 : i32 to vector<16xi32>
            %add3A_320 = arith.addi %add3A_319, %iota3A : vector<16xi32>
            %lt3A_321 = vector.broadcast %scan3A_149 : i32 to vector<16xi32>
            %lt3A_322 = arith.cmpi slt, %add3A_320, %lt3A_321 : vector<16xi32>
            %get3A_323 = arith.index_cast %add3A_316 : i32 to index
            %get3A_324 = tpu.vector_load %arg11[%get3A_323] {strides = array<i32>} : memref<6144xi32, #tpu.memory_space<vmem>>, vector<16xi32>,
            %shift_right_arithmetic3A_325 = arith.constant 13 : i32
            %shift_right_arithmetic3A_326 = vector.broadcast %shift_right_arithmetic3A_325 : i32 to vector<16xi32>
            %shift_right_arithmetic3A_327 = arith.shrsi %get3A_324, %shift_right_arithmetic3A_326 : vector<16xi32>
            %select_n3A_328 = arith.select %lt3A_322, %shift_right_arithmetic3A_327, %broadcast_in_dim3A_47 : vector<16xi1>, vector<16xi32>
            %swap3A_329 = arith.constant 0 : i32
            %swap3A_330 = arith.index_cast %swap3A_329 : i32 to index
            %swap3A_331 = arith.constant 48 : index
            %swap3A_332 = tpu.vector_load %arg12[%swap3A_330, %swap3A_331] {strides = array<i32>} : memref<2x64xi32, #tpu.memory_space<vmem>>, vector<16xi32>,
            tpu.vector_store %arg12[%swap3A_330, %swap3A_331], %select_n3A_328 {strides = array<i32>} : memref<2x64xi32, #tpu.memory_space<vmem>>, vector<16xi32>,
            %and3A_333 = arith.constant 8191 : i32
            %and3A_334 = vector.broadcast %and3A_333 : i32 to vector<16xi32>
            %and3A_335 = arith.andi %get3A_324, %and3A_334 : vector<16xi32>
            %select_n3A_336 = arith.select %lt3A_322, %and3A_335, %broadcast_in_dim3A_49 : vector<16xi1>, vector<16xi32>
            %swap3A_337 = arith.constant 0 : i32
            %swap3A_338 = arith.index_cast %swap3A_337 : i32 to index
            %swap3A_339 = arith.constant 48 : index
            %swap3A_340 = tpu.vector_load %arg13[%swap3A_338, %swap3A_339] {strides = array<i32>} : memref<2x64xi32, #tpu.memory_space<vmem>>, vector<16xi32>,
            tpu.vector_store %arg13[%swap3A_338, %swap3A_339], %select_n3A_336 {strides = array<i32>} : memref<2x64xi32, #tpu.memory_space<vmem>>, vector<16xi32>,
            %dma_start3A_341 = arith.constant 0 : i32
            %dma_start3A_342 = arith.constant 0 : i32
            %dma_start3A_343 = arith.constant 0 : i32
            %dma_start3A_344 = arith.constant 0 : i32
            %dma_start3A_345 = tpu.memref_slice %arg14[%dma_start3A_342, %dma_start3A_343, %dma_start3A_344] : memref<2x64x128xf32, #tpu.memory_space<vmem>> -> memref<1x64x128xf32, #tpu.memory_space<vmem>>
            %dma_start3A_346 = tpu.memref_squeeze %dma_start3A_345 : memref<1x64x128xf32, #tpu.memory_space<vmem>> -> memref<64x128xf32, #tpu.memory_space<vmem>>
            %dma_start3A_347 = arith.constant 0 : i32
            %dma_start3A_348 = tpu.memref_slice %arg12[%dma_start3A_341, %dma_start3A_347] : memref<2x64xi32, #tpu.memory_space<vmem>> -> memref<1x64xi32, #tpu.memory_space<vmem>>
            %dma_start3A_349 = tpu.memref_squeeze %dma_start3A_348 : memref<1x64xi32, #tpu.memory_space<vmem>> -> memref<64xi32, #tpu.memory_space<vmem>>
            %dma_start3A_350 = arith.constant 0 : i32
            %dma_start3A_351 = arith.constant 0 : i32
            %dma_start3A_352 = tpu.memref_slice %arg2[%dma_start3A_350, %dma_start3A_351] : memref<10000x128xf32, #tpu.memory_space<hbm>> -> memref<10000x128xf32, #tpu.memory_space<hbm>>
            tpu.enqueue_indirect_dma source(%dma_start3A_352 : memref<10000x128xf32, #tpu.memory_space<hbm>>) target(%dma_start3A_346 : memref<64x128xf32, #tpu.memory_space<vmem>>) offsets(%dma_start3A_349 : memref<64xi32, #tpu.memory_space<vmem>>) semaphore(%arg23 : memref<!tpu.dma_semaphore, #tpu.memory_space<semaphore_mem>>)
            %mul3A_353 = arith.constant 2 : i32
            %mul3A_354 = arith.muli %mul3A_353, %while3A_228 : i32
            %add3A_355 = arith.constant 1 : i32
            %add3A_356 = arith.addi %mul3A_354, %add3A_355 : i32
            %gt3A_357 = arith.constant 0 : i32
            %gt3A_358 = arith.cmpi sgt, %while3A_228, %gt3A_357 : i32
            %convert_element_type3A_359 = arith.extui %gt3A_358 : i1 to i32
            %cond3A_360 = arith.constant 0 : i32
            %cond3A_361 = arith.cmpi ne, %convert_element_type3A_359, %cond3A_360 : i32
            scf.if %cond3A_361 {
              %dma_wait3A_541 = arith.constant 1 : i32
              %dma_wait3A_542 = arith.constant 1 : i32
              %dma_wait3A_543 = arith.constant 0 : i32
              %dma_wait3A_544 = arith.constant 0 : i32
              %dma_wait3A_545 = tpu.memref_slice %arg14[%dma_wait3A_541, %dma_wait3A_543, %dma_wait3A_544] : memref<2x64x128xf32, #tpu.memory_space<vmem>> -> memref<1x64x128xf32, #tpu.memory_space<vmem>>
              %dma_wait3A_546 = tpu.memref_squeeze %dma_wait3A_545 : memref<1x64x128xf32, #tpu.memory_space<vmem>> -> memref<64x128xf32, #tpu.memory_space<vmem>>
              %dma_wait3A_547 = arith.constant 0 : i32
              %dma_wait3A_548 = tpu.memref_slice %arg13[%dma_wait3A_542, %dma_wait3A_547] : memref<2x64xi32, #tpu.memory_space<vmem>> -> memref<1x64xi32, #tpu.memory_space<vmem>>
              %dma_wait3A_549 = tpu.memref_squeeze %dma_wait3A_548 : memref<1x64xi32, #tpu.memory_space<vmem>> -> memref<64xi32, #tpu.memory_space<vmem>>
              %dma_wait3A_550 = arith.constant 0 : i32
              %dma_wait3A_551 = arith.constant 0 : i32
              %dma_wait3A_552 = tpu.memref_slice %arg18[%dma_wait3A_550, %dma_wait3A_551] : memref<8080x128xf32, #tpu.memory_space<vmem_shared>> -> memref<8080x128xf32, #tpu.memory_space<vmem_shared>>
              tpu.wait_indirect_dma semaphore(%arg26 : memref<!tpu.dma_semaphore, #tpu.memory_space<semaphore_mem>>) src(%dma_wait3A_546 : memref<64x128xf32, #tpu.memory_space<vmem>>) dst(%dma_wait3A_552 : memref<8080x128xf32, #tpu.memory_space<vmem_shared>>)
              %dma_wait3A_553 = arith.constant 1 : i32
              %dma_wait3A_554 = arith.constant 0 : i32
              %dma_wait3A_555 = tpu.memref_slice %arg13[%dma_wait3A_553, %dma_wait3A_554] : memref<2x64xi32, #tpu.memory_space<vmem>> -> memref<1x64xi32, #tpu.memory_space<vmem>>
              %dma_wait3A_556 = tpu.memref_squeeze %dma_wait3A_555 : memref<1x64xi32, #tpu.memory_space<vmem>> -> memref<64xi32, #tpu.memory_space<vmem>>
              %dma_wait3A_557 = arith.constant 0 : i32
              %dma_wait3A_558 = tpu.memref_slice %arg19[%dma_wait3A_557] : memref<8080xf32, #tpu.memory_space<vmem_shared>> -> memref<8080xf32, #tpu.memory_space<vmem_shared>>
              tpu.wait_indirect_dma semaphore(%arg28 : memref<!tpu.dma_semaphore, #tpu.memory_space<semaphore_mem>>) src(%arg15 : memref<64xf32, #tpu.memory_space<vmem>>) dst(%dma_wait3A_558 : memref<8080xf32, #tpu.memory_space<vmem_shared>>)
            } else {
            }
            %mul3A_362 = arith.constant 64 : i32
            %mul3A_363 = arith.muli %add3A_356, %mul3A_362 : i32
            %add3A_364 = arith.constant 0 : i32
            %add3A_365 = arith.addi %mul3A_363, %add3A_364 : i32
            %add3A_366 = arith.constant 0 : i32
            %add3A_367 = arith.addi %mul3A_363, %add3A_366 : i32
            %add3A_368 = vector.broadcast %add3A_367 : i32 to vector<16xi32>
            %add3A_369 = arith.addi %add3A_368, %iota3A : vector<16xi32>
            %lt3A_370 = vector.broadcast %scan3A_149 : i32 to vector<16xi32>
            %lt3A_371 = arith.cmpi slt, %add3A_369, %lt3A_370 : vector<16xi32>
            %get3A_372 = arith.index_cast %add3A_365 : i32 to index
            %get3A_373 = tpu.vector_load %arg11[%get3A_372] {strides = array<i32>} : memref<6144xi32, #tpu.memory_space<vmem>>, vector<16xi32>,
            %shift_right_arithmetic3A_374 = arith.constant 13 : i32
            %shift_right_arithmetic3A_375 = vector.broadcast %shift_right_arithmetic3A_374 : i32 to vector<16xi32>
            %shift_right_arithmetic3A_376 = arith.shrsi %get3A_373, %shift_right_arithmetic3A_375 : vector<16xi32>
            %select_n3A_377 = arith.select %lt3A_371, %shift_right_arithmetic3A_376, %broadcast_in_dim3A_47 : vector<16xi1>, vector<16xi32>
            %swap3A_378 = arith.constant 1 : i32
            %swap3A_379 = arith.index_cast %swap3A_378 : i32 to index
            %swap3A_380 = arith.constant 0 : index
            %swap3A_381 = tpu.vector_load %arg12[%swap3A_379, %swap3A_380] {strides = array<i32>} : memref<2x64xi32, #tpu.memory_space<vmem>>, vector<16xi32>,
            tpu.vector_store %arg12[%swap3A_379, %swap3A_380], %select_n3A_377 {strides = array<i32>} : memref<2x64xi32, #tpu.memory_space<vmem>>, vector<16xi32>,
            %and3A_382 = arith.constant 8191 : i32
            %and3A_383 = vector.broadcast %and3A_382 : i32 to vector<16xi32>
            %and3A_384 = arith.andi %get3A_373, %and3A_383 : vector<16xi32>
            %select_n3A_385 = arith.select %lt3A_371, %and3A_384, %broadcast_in_dim3A_49 : vector<16xi1>, vector<16xi32>
            %swap3A_386 = arith.constant 1 : i32
            %swap3A_387 = arith.index_cast %swap3A_386 : i32 to index
            %swap3A_388 = arith.constant 0 : index
            %swap3A_389 = tpu.vector_load %arg13[%swap3A_387, %swap3A_388] {strides = array<i32>} : memref<2x64xi32, #tpu.memory_space<vmem>>, vector<16xi32>,
            tpu.vector_store %arg13[%swap3A_387, %swap3A_388], %select_n3A_385 {strides = array<i32>} : memref<2x64xi32, #tpu.memory_space<vmem>>, vector<16xi32>,
            %add3A_390 = arith.constant 16 : i32
            %add3A_391 = arith.addi %mul3A_363, %add3A_390 : i32
            %add3A_392 = arith.constant 16 : i32
            %add3A_393 = arith.addi %mul3A_363, %add3A_392 : i32
            %add3A_394 = vector.broadcast %add3A_393 : i32 to vector<16xi32>
            %add3A_395 = arith.addi %add3A_394, %iota3A : vector<16xi32>
            %lt3A_396 = vector.broadcast %scan3A_149 : i32 to vector<16xi32>
            %lt3A_397 = arith.cmpi slt, %add3A_395, %lt3A_396 : vector<16xi32>
            %get3A_398 = arith.index_cast %add3A_391 : i32 to index
            %get3A_399 = tpu.vector_load %arg11[%get3A_398] {strides = array<i32>} : memref<6144xi32, #tpu.memory_space<vmem>>, vector<16xi32>,
            %shift_right_arithmetic3A_400 = arith.constant 13 : i32
            %shift_right_arithmetic3A_401 = vector.broadcast %shift_right_arithmetic3A_400 : i32 to vector<16xi32>
            %shift_right_arithmetic3A_402 = arith.shrsi %get3A_399, %shift_right_arithmetic3A_401 : vector<16xi32>
            %select_n3A_403 = arith.select %lt3A_397, %shift_right_arithmetic3A_402, %broadcast_in_dim3A_47 : vector<16xi1>, vector<16xi32>
            %swap3A_404 = arith.constant 1 : i32
            %swap3A_405 = arith.index_cast %swap3A_404 : i32 to index
            %swap3A_406 = arith.constant 16 : index
            %swap3A_407 = tpu.vector_load %arg12[%swap3A_405, %swap3A_406] {strides = array<i32>} : memref<2x64xi32, #tpu.memory_space<vmem>>, vector<16xi32>,
            tpu.vector_store %arg12[%swap3A_405, %swap3A_406], %select_n3A_403 {strides = array<i32>} : memref<2x64xi32, #tpu.memory_space<vmem>>, vector<16xi32>,
            %and3A_408 = arith.constant 8191 : i32
            %and3A_409 = vector.broadcast %and3A_408 : i32 to vector<16xi32>
            %and3A_410 = arith.andi %get3A_399, %and3A_409 : vector<16xi32>
            %select_n3A_411 = arith.select %lt3A_397, %and3A_410, %broadcast_in_dim3A_49 : vector<16xi1>, vector<16xi32>
            %swap3A_412 = arith.constant 1 : i32
            %swap3A_413 = arith.index_cast %swap3A_412 : i32 to index
            %swap3A_414 = arith.constant 16 : index
            %swap3A_415 = tpu.vector_load %arg13[%swap3A_413, %swap3A_414] {strides = array<i32>} : memref<2x64xi32, #tpu.memory_space<vmem>>, vector<16xi32>,
            tpu.vector_store %arg13[%swap3A_413, %swap3A_414], %select_n3A_411 {strides = array<i32>} : memref<2x64xi32, #tpu.memory_space<vmem>>, vector<16xi32>,
            %add3A_416 = arith.constant 32 : i32
            %add3A_417 = arith.addi %mul3A_363, %add3A_416 : i32
            %add3A_418 = arith.constant 32 : i32
            %add3A_419 = arith.addi %mul3A_363, %add3A_418 : i32
            %add3A_420 = vector.broadcast %add3A_419 : i32 to vector<16xi32>
            %add3A_421 = arith.addi %add3A_420, %iota3A : vector<16xi32>
            %lt3A_422 = vector.broadcast %scan3A_149 : i32 to vector<16xi32>
            %lt3A_423 = arith.cmpi slt, %add3A_421, %lt3A_422 : vector<16xi32>
            %get3A_424 = arith.index_cast %add3A_417 : i32 to index
            %get3A_425 = tpu.vector_load %arg11[%get3A_424] {strides = array<i32>} : memref<6144xi32, #tpu.memory_space<vmem>>, vector<16xi32>,
            %shift_right_arithmetic3A_426 = arith.constant 13 : i32
            %shift_right_arithmetic3A_427 = vector.broadcast %shift_right_arithmetic3A_426 : i32 to vector<16xi32>
            %shift_right_arithmetic3A_428 = arith.shrsi %get3A_425, %shift_right_arithmetic3A_427 : vector<16xi32>
            %select_n3A_429 = arith.select %lt3A_423, %shift_right_arithmetic3A_428, %broadcast_in_dim3A_47 : vector<16xi1>, vector<16xi32>
            %swap3A_430 = arith.constant 1 : i32
            %swap3A_431 = arith.index_cast %swap3A_430 : i32 to index
            %swap3A_432 = arith.constant 32 : index
            %swap3A_433 = tpu.vector_load %arg12[%swap3A_431, %swap3A_432] {strides = array<i32>} : memref<2x64xi32, #tpu.memory_space<vmem>>, vector<16xi32>,
            tpu.vector_store %arg12[%swap3A_431, %swap3A_432], %select_n3A_429 {strides = array<i32>} : memref<2x64xi32, #tpu.memory_space<vmem>>, vector<16xi32>,
            %and3A_434 = arith.constant 8191 : i32
            %and3A_435 = vector.broadcast %and3A_434 : i32 to vector<16xi32>
            %and3A_436 = arith.andi %get3A_425, %and3A_435 : vector<16xi32>
            %select_n3A_437 = arith.select %lt3A_423, %and3A_436, %broadcast_in_dim3A_49 : vector<16xi1>, vector<16xi32>
            %swap3A_438 = arith.constant 1 : i32
            %swap3A_439 = arith.index_cast %swap3A_438 : i32 to index
            %swap3A_440 = arith.constant 32 : index
            %swap3A_441 = tpu.vector_load %arg13[%swap3A_439, %swap3A_440] {strides = array<i32>} : memref<2x64xi32, #tpu.memory_space<vmem>>, vector<16xi32>,
            tpu.vector_store %arg13[%swap3A_439, %swap3A_440], %select_n3A_437 {strides = array<i32>} : memref<2x64xi32, #tpu.memory_space<vmem>>, vector<16xi32>,
            %add3A_442 = arith.constant 48 : i32
            %add3A_443 = arith.addi %mul3A_363, %add3A_442 : i32
            %add3A_444 = arith.constant 48 : i32
            %add3A_445 = arith.addi %mul3A_363, %add3A_444 : i32
            %add3A_446 = vector.broadcast %add3A_445 : i32 to vector<16xi32>
            %add3A_447 = arith.addi %add3A_446, %iota3A : vector<16xi32>
            %lt3A_448 = vector.broadcast %scan3A_149 : i32 to vector<16xi32>
            %lt3A_449 = arith.cmpi slt, %add3A_447, %lt3A_448 : vector<16xi32>
            %get3A_450 = arith.index_cast %add3A_443 : i32 to index
            %get3A_451 = tpu.vector_load %arg11[%get3A_450] {strides = array<i32>} : memref<6144xi32, #tpu.memory_space<vmem>>, vector<16xi32>,
            %shift_right_arithmetic3A_452 = arith.constant 13 : i32
            %shift_right_arithmetic3A_453 = vector.broadcast %shift_right_arithmetic3A_452 : i32 to vector<16xi32>
            %shift_right_arithmetic3A_454 = arith.shrsi %get3A_451, %shift_right_arithmetic3A_453 : vector<16xi32>
            %select_n3A_455 = arith.select %lt3A_449, %shift_right_arithmetic3A_454, %broadcast_in_dim3A_47 : vector<16xi1>, vector<16xi32>
            %swap3A_456 = arith.constant 1 : i32
            %swap3A_457 = arith.index_cast %swap3A_456 : i32 to index
            %swap3A_458 = arith.constant 48 : index
            %swap3A_459 = tpu.vector_load %arg12[%swap3A_457, %swap3A_458] {strides = array<i32>} : memref<2x64xi32, #tpu.memory_space<vmem>>, vector<16xi32>,
            tpu.vector_store %arg12[%swap3A_457, %swap3A_458], %select_n3A_455 {strides = array<i32>} : memref<2x64xi32, #tpu.memory_space<vmem>>, vector<16xi32>,
            %and3A_460 = arith.constant 8191 : i32
            %and3A_461 = vector.broadcast %and3A_460 : i32 to vector<16xi32>
            %and3A_462 = arith.andi %get3A_451, %and3A_461 : vector<16xi32>
            %select_n3A_463 = arith.select %lt3A_449, %and3A_462, %broadcast_in_dim3A_49 : vector<16xi1>, vector<16xi32>
            %swap3A_464 = arith.constant 1 : i32
            %swap3A_465 = arith.index_cast %swap3A_464 : i32 to index
            %swap3A_466 = arith.constant 48 : index
            %swap3A_467 = tpu.vector_load %arg13[%swap3A_465, %swap3A_466] {strides = array<i32>} : memref<2x64xi32, #tpu.memory_space<vmem>>, vector<16xi32>,
            tpu.vector_store %arg13[%swap3A_465, %swap3A_466], %select_n3A_463 {strides = array<i32>} : memref<2x64xi32, #tpu.memory_space<vmem>>, vector<16xi32>,
            %dma_start3A_468 = arith.constant 1 : i32
            %dma_start3A_469 = arith.constant 1 : i32
            %dma_start3A_470 = arith.constant 0 : i32
            %dma_start3A_471 = arith.constant 0 : i32
            %dma_start3A_472 = tpu.memref_slice %arg14[%dma_start3A_469, %dma_start3A_470, %dma_start3A_471] : memref<2x64x128xf32, #tpu.memory_space<vmem>> -> memref<1x64x128xf32, #tpu.memory_space<vmem>>
            %dma_start3A_473 = tpu.memref_squeeze %dma_start3A_472 : memref<1x64x128xf32, #tpu.memory_space<vmem>> -> memref<64x128xf32, #tpu.memory_space<vmem>>
            %dma_start3A_474 = arith.constant 0 : i32
            %dma_start3A_475 = tpu.memref_slice %arg12[%dma_start3A_468, %dma_start3A_474] : memref<2x64xi32, #tpu.memory_space<vmem>> -> memref<1x64xi32, #tpu.memory_space<vmem>>
            %dma_start3A_476 = tpu.memref_squeeze %dma_start3A_475 : memref<1x64xi32, #tpu.memory_space<vmem>> -> memref<64xi32, #tpu.memory_space<vmem>>
            %dma_start3A_477 = arith.constant 0 : i32
            %dma_start3A_478 = arith.constant 0 : i32
            %dma_start3A_479 = tpu.memref_slice %arg2[%dma_start3A_477, %dma_start3A_478] : memref<10000x128xf32, #tpu.memory_space<hbm>> -> memref<10000x128xf32, #tpu.memory_space<hbm>>
            tpu.enqueue_indirect_dma source(%dma_start3A_479 : memref<10000x128xf32, #tpu.memory_space<hbm>>) target(%dma_start3A_473 : memref<64x128xf32, #tpu.memory_space<vmem>>) offsets(%dma_start3A_476 : memref<64xi32, #tpu.memory_space<vmem>>) semaphore(%arg24 : memref<!tpu.dma_semaphore, #tpu.memory_space<semaphore_mem>>)
            %dma_wait3A_480 = arith.constant 0 : i32
            %dma_wait3A_481 = arith.constant 0 : i32
            %dma_wait3A_482 = arith.constant 0 : i32
            %dma_wait3A_483 = arith.constant 0 : i32
            %dma_wait3A_484 = tpu.memref_slice %arg14[%dma_wait3A_481, %dma_wait3A_482, %dma_wait3A_483] : memref<2x64x128xf32, #tpu.memory_space<vmem>> -> memref<1x64x128xf32, #tpu.memory_space<vmem>>
            %dma_wait3A_485 = tpu.memref_squeeze %dma_wait3A_484 : memref<1x64x128xf32, #tpu.memory_space<vmem>> -> memref<64x128xf32, #tpu.memory_space<vmem>>
            %dma_wait3A_486 = arith.constant 0 : i32
            %dma_wait3A_487 = tpu.memref_slice %arg12[%dma_wait3A_480, %dma_wait3A_486] : memref<2x64xi32, #tpu.memory_space<vmem>> -> memref<1x64xi32, #tpu.memory_space<vmem>>
            %dma_wait3A_488 = tpu.memref_squeeze %dma_wait3A_487 : memref<1x64xi32, #tpu.memory_space<vmem>> -> memref<64xi32, #tpu.memory_space<vmem>>
            %dma_wait3A_489 = arith.constant 0 : i32
            %dma_wait3A_490 = arith.constant 0 : i32
            %dma_wait3A_491 = tpu.memref_slice %arg2[%dma_wait3A_489, %dma_wait3A_490] : memref<10000x128xf32, #tpu.memory_space<hbm>> -> memref<10000x128xf32, #tpu.memory_space<hbm>>
            tpu.wait_indirect_dma semaphore(%arg23 : memref<!tpu.dma_semaphore, #tpu.memory_space<semaphore_mem>>) src(%dma_wait3A_491 : memref<10000x128xf32, #tpu.memory_space<hbm>>) dst(%dma_wait3A_485 : memref<64x128xf32, #tpu.memory_space<vmem>>)
            %dma_start3A_492 = arith.constant 0 : i32
            %dma_start3A_493 = arith.constant 0 : i32
            %dma_start3A_494 = arith.constant 0 : i32
            %dma_start3A_495 = arith.constant 0 : i32
            %dma_start3A_496 = tpu.memref_slice %arg14[%dma_start3A_492, %dma_start3A_494, %dma_start3A_495] : memref<2x64x128xf32, #tpu.memory_space<vmem>> -> memref<1x64x128xf32, #tpu.memory_space<vmem>>
            %dma_start3A_497 = tpu.memref_squeeze %dma_start3A_496 : memref<1x64x128xf32, #tpu.memory_space<vmem>> -> memref<64x128xf32, #tpu.memory_space<vmem>>
            %dma_start3A_498 = arith.constant 0 : i32
            %dma_start3A_499 = tpu.memref_slice %arg13[%dma_start3A_493, %dma_start3A_498] : memref<2x64xi32, #tpu.memory_space<vmem>> -> memref<1x64xi32, #tpu.memory_space<vmem>>
            %dma_start3A_500 = tpu.memref_squeeze %dma_start3A_499 : memref<1x64xi32, #tpu.memory_space<vmem>> -> memref<64xi32, #tpu.memory_space<vmem>>
            %dma_start3A_501 = arith.constant 0 : i32
            %dma_start3A_502 = arith.constant 0 : i32
            %dma_start3A_503 = tpu.memref_slice %arg18[%dma_start3A_501, %dma_start3A_502] : memref<8080x128xf32, #tpu.memory_space<vmem_shared>> -> memref<8080x128xf32, #tpu.memory_space<vmem_shared>>
            tpu.enqueue_indirect_dma source(%dma_start3A_497 : memref<64x128xf32, #tpu.memory_space<vmem>>) target(%dma_start3A_503 : memref<8080x128xf32, #tpu.memory_space<vmem_shared>>) offsets(%dma_start3A_500 : memref<64xi32, #tpu.memory_space<vmem>>) semaphore(%arg25 : memref<!tpu.dma_semaphore, #tpu.memory_space<semaphore_mem>>) {add = true}
            %dma_start3A_504 = arith.constant 0 : i32
            %dma_start3A_505 = arith.constant 0 : i32
            %dma_start3A_506 = tpu.memref_slice %arg13[%dma_start3A_504, %dma_start3A_505] : memref<2x64xi32, #tpu.memory_space<vmem>> -> memref<1x64xi32, #tpu.memory_space<vmem>>
            %dma_start3A_507 = tpu.memref_squeeze %dma_start3A_506 : memref<1x64xi32, #tpu.memory_space<vmem>> -> memref<64xi32, #tpu.memory_space<vmem>>
            %dma_start3A_508 = arith.constant 0 : i32
            %dma_start3A_509 = tpu.memref_slice %arg19[%dma_start3A_508] : memref<8080xf32, #tpu.memory_space<vmem_shared>> -> memref<8080xf32, #tpu.memory_space<vmem_shared>>
            tpu.enqueue_indirect_dma source(%arg15 : memref<64xf32, #tpu.memory_space<vmem>>) target(%dma_start3A_509 : memref<8080xf32, #tpu.memory_space<vmem_shared>>) offsets(%dma_start3A_507 : memref<64xi32, #tpu.memory_space<vmem>>) semaphore(%arg27 : memref<!tpu.dma_semaphore, #tpu.memory_space<semaphore_mem>>) {add = true}
            %dma_wait3A_510 = arith.constant 1 : i32
            %dma_wait3A_511 = arith.constant 1 : i32
            %dma_wait3A_512 = arith.constant 0 : i32
            %dma_wait3A_513 = arith.constant 0 : i32
            %dma_wait3A_514 = tpu.memref_slice %arg14[%dma_wait3A_511, %dma_wait3A_512, %dma_wait3A_513] : memref<2x64x128xf32, #tpu.memory_space<vmem>> -> memref<1x64x128xf32, #tpu.memory_space<vmem>>
            %dma_wait3A_515 = tpu.memref_squeeze %dma_wait3A_514 : memref<1x64x128xf32, #tpu.memory_space<vmem>> -> memref<64x128xf32, #tpu.memory_space<vmem>>
            %dma_wait3A_516 = arith.constant 0 : i32
            %dma_wait3A_517 = tpu.memref_slice %arg12[%dma_wait3A_510, %dma_wait3A_516] : memref<2x64xi32, #tpu.memory_space<vmem>> -> memref<1x64xi32, #tpu.memory_space<vmem>>
            %dma_wait3A_518 = tpu.memref_squeeze %dma_wait3A_517 : memref<1x64xi32, #tpu.memory_space<vmem>> -> memref<64xi32, #tpu.memory_space<vmem>>
            %dma_wait3A_519 = arith.constant 0 : i32
            %dma_wait3A_520 = arith.constant 0 : i32
            %dma_wait3A_521 = tpu.memref_slice %arg2[%dma_wait3A_519, %dma_wait3A_520] : memref<10000x128xf32, #tpu.memory_space<hbm>> -> memref<10000x128xf32, #tpu.memory_space<hbm>>
            tpu.wait_indirect_dma semaphore(%arg24 : memref<!tpu.dma_semaphore, #tpu.memory_space<semaphore_mem>>) src(%dma_wait3A_521 : memref<10000x128xf32, #tpu.memory_space<hbm>>) dst(%dma_wait3A_515 : memref<64x128xf32, #tpu.memory_space<vmem>>)
            %dma_start3A_522 = arith.constant 1 : i32
            %dma_start3A_523 = arith.constant 1 : i32
            %dma_start3A_524 = arith.constant 0 : i32
            %dma_start3A_525 = arith.constant 0 : i32
            %dma_start3A_526 = tpu.memref_slice %arg14[%dma_start3A_522, %dma_start3A_524, %dma_start3A_525] : memref<2x64x128xf32, #tpu.memory_space<vmem>> -> memref<1x64x128xf32, #tpu.memory_space<vmem>>
            %dma_start3A_527 = tpu.memref_squeeze %dma_start3A_526 : memref<1x64x128xf32, #tpu.memory_space<vmem>> -> memref<64x128xf32, #tpu.memory_space<vmem>>
            %dma_start3A_528 = arith.constant 0 : i32
            %dma_start3A_529 = tpu.memref_slice %arg13[%dma_start3A_523, %dma_start3A_528] : memref<2x64xi32, #tpu.memory_space<vmem>> -> memref<1x64xi32, #tpu.memory_space<vmem>>
            %dma_start3A_530 = tpu.memref_squeeze %dma_start3A_529 : memref<1x64xi32, #tpu.memory_space<vmem>> -> memref<64xi32, #tpu.memory_space<vmem>>
            %dma_start3A_531 = arith.constant 0 : i32
            %dma_start3A_532 = arith.constant 0 : i32
            %dma_start3A_533 = tpu.memref_slice %arg18[%dma_start3A_531, %dma_start3A_532] : memref<8080x128xf32, #tpu.memory_space<vmem_shared>> -> memref<8080x128xf32, #tpu.memory_space<vmem_shared>>
            tpu.enqueue_indirect_dma source(%dma_start3A_527 : memref<64x128xf32, #tpu.memory_space<vmem>>) target(%dma_start3A_533 : memref<8080x128xf32, #tpu.memory_space<vmem_shared>>) offsets(%dma_start3A_530 : memref<64xi32, #tpu.memory_space<vmem>>) semaphore(%arg26 : memref<!tpu.dma_semaphore, #tpu.memory_space<semaphore_mem>>) {add = true}
            %dma_start3A_534 = arith.constant 1 : i32
            %dma_start3A_535 = arith.constant 0 : i32
            %dma_start3A_536 = tpu.memref_slice %arg13[%dma_start3A_534, %dma_start3A_535] : memref<2x64xi32, #tpu.memory_space<vmem>> -> memref<1x64xi32, #tpu.memory_space<vmem>>
            %dma_start3A_537 = tpu.memref_squeeze %dma_start3A_536 : memref<1x64xi32, #tpu.memory_space<vmem>> -> memref<64xi32, #tpu.memory_space<vmem>>
            %dma_start3A_538 = arith.constant 0 : i32
            %dma_start3A_539 = tpu.memref_slice %arg19[%dma_start3A_538] : memref<8080xf32, #tpu.memory_space<vmem_shared>> -> memref<8080xf32, #tpu.memory_space<vmem_shared>>
            tpu.enqueue_indirect_dma source(%arg15 : memref<64xf32, #tpu.memory_space<vmem>>) target(%dma_start3A_539 : memref<8080xf32, #tpu.memory_space<vmem_shared>>) offsets(%dma_start3A_537 : memref<64xi32, #tpu.memory_space<vmem>>) semaphore(%arg28 : memref<!tpu.dma_semaphore, #tpu.memory_space<semaphore_mem>>) {add = true}
            %while3A_540 = arith.constant 0 : i32
            scf.yield %while3A_540 : i32
          }
          %while3A_221 = arith.constant 1 : i32
          %while3A_222 = scf.for %while3A_228 = %while3A_218 to %while3A_214 step %while3A_221 iter_args(%while3A_229 = %while3A_220) -> (i32)  : i32 {
            %mul3A_230 = arith.constant 2 : i32
            %mul3A_231 = arith.muli %mul3A_230, %while3A_228 : i32
            %add3A_232 = arith.constant 0 : i32
            %add3A_233 = arith.addi %mul3A_231, %add3A_232 : i32
            %gt3A_234 = arith.constant 0 : i32
            %gt3A_235 = arith.cmpi sgt, %while3A_228, %gt3A_234 : i32
            %convert_element_type3A_236 = arith.extui %gt3A_235 : i1 to i32
            %cond3A_237 = arith.constant 0 : i32
            %cond3A_238 = arith.cmpi ne, %convert_element_type3A_236, %cond3A_237 : i32
            scf.if %cond3A_238 {
              %dma_wait3A_541 = arith.constant 0 : i32
              %dma_wait3A_542 = arith.constant 0 : i32
              %dma_wait3A_543 = arith.constant 0 : i32
              %dma_wait3A_544 = arith.constant 0 : i32
              %dma_wait3A_545 = tpu.memref_slice %arg14[%dma_wait3A_541, %dma_wait3A_543, %dma_wait3A_544] : memref<2x64x128xf32, #tpu.memory_space<vmem>> -> memref<1x64x128xf32, #tpu.memory_space<vmem>>
              %dma_wait3A_546 = tpu.memref_squeeze %dma_wait3A_545 : memref<1x64x128xf32, #tpu.memory_space<vmem>> -> memref<64x128xf32, #tpu.memory_space<vmem>>
              %dma_wait3A_547 = arith.constant 0 : i32
              %dma_wait3A_548 = tpu.memref_slice %arg13[%dma_wait3A_542, %dma_wait3A_547] : memref<2x64xi32, #tpu.memory_space<vmem>> -> memref<1x64xi32, #tpu.memory_space<vmem>>
              %dma_wait3A_549 = tpu.memref_squeeze %dma_wait3A_548 : memref<1x64xi32, #tpu.memory_space<vmem>> -> memref<64xi32, #tpu.memory_space<vmem>>
              %dma_wait3A_550 = arith.constant 0 : i32
              %dma_wait3A_551 = arith.constant 0 : i32
              %dma_wait3A_552 = tpu.memref_slice %arg18[%dma_wait3A_550, %dma_wait3A_551] : memref<8080x128xf32, #tpu.memory_space<vmem_shared>> -> memref<8080x128xf32, #tpu.memory_space<vmem_shared>>
              tpu.wait_indirect_dma semaphore(%arg25 : memref<!tpu.dma_semaphore, #tpu.memory_space<semaphore_mem>>) src(%dma_wait3A_546 : memref<64x128xf32, #tpu.memory_space<vmem>>) dst(%dma_wait3A_552 : memref<8080x128xf32, #tpu.memory_space<vmem_shared>>)
              %dma_wait3A_553 = arith.constant 0 : i32
              %dma_wait3A_554 = arith.constant 0 : i32
              %dma_wait3A_555 = tpu.memref_slice %arg13[%dma_wait3A_553, %dma_wait3A_554] : memref<2x64xi32, #tpu.memory_space<vmem>> -> memref<1x64xi32, #tpu.memory_space<vmem>>
              %dma_wait3A_556 = tpu.memref_squeeze %dma_wait3A_555 : memref<1x64xi32, #tpu.memory_space<vmem>> -> memref<64xi32, #tpu.memory_space<vmem>>
              %dma_wait3A_557 = arith.constant 0 : i32
              %dma_wait3A_558 = tpu.memref_slice %arg19[%dma_wait3A_557] : memref<8080xf32, #tpu.memory_space<vmem_shared>> -> memref<8080xf32, #tpu.memory_space<vmem_shared>>
              tpu.wait_indirect_dma semaphore(%arg27 : memref<!tpu.dma_semaphore, #tpu.memory_space<semaphore_mem>>) src(%arg15 : memref<64xf32, #tpu.memory_space<vmem>>) dst(%dma_wait3A_558 : memref<8080xf32, #tpu.memory_space<vmem_shared>>)
            } else {
            }
            %mul3A_239 = arith.constant 64 : i32
            %mul3A_240 = arith.muli %add3A_233, %mul3A_239 : i32
            %add3A_241 = arith.constant 0 : i32
            %add3A_242 = arith.addi %mul3A_240, %add3A_241 : i32
            %add3A_243 = arith.constant 0 : i32
            %add3A_244 = arith.addi %mul3A_240, %add3A_243 : i32
            %add3A_245 = vector.broadcast %add3A_244 : i32 to vector<16xi32>
            %add3A_246 = arith.addi %add3A_245, %iota3A : vector<16xi32>
            %lt3A = vector.broadcast %scan3A_149 : i32 to vector<16xi32>
            %lt3A_247 = arith.cmpi slt, %add3A_246, %lt3A : vector<16xi32>
            %get3A = arith.index_cast %add3A_242 : i32 to index
            %get3A_248 = tpu.vector_load %arg11[%get3A] {strides = array<i32>} : memref<6144xi32, #tpu.memory_space<vmem>>, vector<16xi32>,
            %shift_right_arithmetic3A = arith.constant 13 : i32
            %shift_right_arithmetic3A_249 = vector.broadcast %shift_right_arithmetic3A : i32 to vector<16xi32>
            %shift_right_arithmetic3A_250 = arith.shrsi %get3A_248, %shift_right_arithmetic3A_249 : vector<16xi32>
            %select_n3A_251 = arith.select %lt3A_247, %shift_right_arithmetic3A_250, %broadcast_in_dim3A_47 : vector<16xi1>, vector<16xi32>
            %swap3A = arith.constant 0 : i32
            %swap3A_252 = arith.index_cast %swap3A : i32 to index
            %swap3A_253 = arith.constant 0 : index
            %swap3A_254 = tpu.vector_load %arg12[%swap3A_252, %swap3A_253] {strides = array<i32>} : memref<2x64xi32, #tpu.memory_space<vmem>>, vector<16xi32>,
            tpu.vector_store %arg12[%swap3A_252, %swap3A_253], %select_n3A_251 {strides = array<i32>} : memref<2x64xi32, #tpu.memory_space<vmem>>, vector<16xi32>,
            %and3A_255 = arith.constant 8191 : i32
            %and3A_256 = vector.broadcast %and3A_255 : i32 to vector<16xi32>
            %and3A_257 = arith.andi %get3A_248, %and3A_256 : vector<16xi32>
            %select_n3A_258 = arith.select %lt3A_247, %and3A_257, %broadcast_in_dim3A_49 : vector<16xi1>, vector<16xi32>
            %swap3A_259 = arith.constant 0 : i32
            %swap3A_260 = arith.index_cast %swap3A_259 : i32 to index
            %swap3A_261 = arith.constant 0 : index
            %swap3A_262 = tpu.vector_load %arg13[%swap3A_260, %swap3A_261] {strides = array<i32>} : memref<2x64xi32, #tpu.memory_space<vmem>>, vector<16xi32>,
            tpu.vector_store %arg13[%swap3A_260, %swap3A_261], %select_n3A_258 {strides = array<i32>} : memref<2x64xi32, #tpu.memory_space<vmem>>, vector<16xi32>,
            %add3A_263 = arith.constant 16 : i32
            %add3A_264 = arith.addi %mul3A_240, %add3A_263 : i32
            %add3A_265 = arith.constant 16 : i32
            %add3A_266 = arith.addi %mul3A_240, %add3A_265 : i32
            %add3A_267 = vector.broadcast %add3A_266 : i32 to vector<16xi32>
            %add3A_268 = arith.addi %add3A_267, %iota3A : vector<16xi32>
            %lt3A_269 = vector.broadcast %scan3A_149 : i32 to vector<16xi32>
            %lt3A_270 = arith.cmpi slt, %add3A_268, %lt3A_269 : vector<16xi32>
            %get3A_271 = arith.index_cast %add3A_264 : i32 to index
            %get3A_272 = tpu.vector_load %arg11[%get3A_271] {strides = array<i32>} : memref<6144xi32, #tpu.memory_space<vmem>>, vector<16xi32>,
            %shift_right_arithmetic3A_273 = arith.constant 13 : i32
            %shift_right_arithmetic3A_274 = vector.broadcast %shift_right_arithmetic3A_273 : i32 to vector<16xi32>
            %shift_right_arithmetic3A_275 = arith.shrsi %get3A_272, %shift_right_arithmetic3A_274 : vector<16xi32>
            %select_n3A_276 = arith.select %lt3A_270, %shift_right_arithmetic3A_275, %broadcast_in_dim3A_47 : vector<16xi1>, vector<16xi32>
            %swap3A_277 = arith.constant 0 : i32
            %swap3A_278 = arith.index_cast %swap3A_277 : i32 to index
            %swap3A_279 = arith.constant 16 : index
            %swap3A_280 = tpu.vector_load %arg12[%swap3A_278, %swap3A_279] {strides = array<i32>} : memref<2x64xi32, #tpu.memory_space<vmem>>, vector<16xi32>,
            tpu.vector_store %arg12[%swap3A_278, %swap3A_279], %select_n3A_276 {strides = array<i32>} : memref<2x64xi32, #tpu.memory_space<vmem>>, vector<16xi32>,
            %and3A_281 = arith.constant 8191 : i32
            %and3A_282 = vector.broadcast %and3A_281 : i32 to vector<16xi32>
            %and3A_283 = arith.andi %get3A_272, %and3A_282 : vector<16xi32>
            %select_n3A_284 = arith.select %lt3A_270, %and3A_283, %broadcast_in_dim3A_49 : vector<16xi1>, vector<16xi32>
            %swap3A_285 = arith.constant 0 : i32
            %swap3A_286 = arith.index_cast %swap3A_285 : i32 to index
            %swap3A_287 = arith.constant 16 : index
            %swap3A_288 = tpu.vector_load %arg13[%swap3A_286, %swap3A_287] {strides = array<i32>} : memref<2x64xi32, #tpu.memory_space<vmem>>, vector<16xi32>,
            tpu.vector_store %arg13[%swap3A_286, %swap3A_287], %select_n3A_284 {strides = array<i32>} : memref<2x64xi32, #tpu.memory_space<vmem>>, vector<16xi32>,
            %add3A_289 = arith.constant 32 : i32
            %add3A_290 = arith.addi %mul3A_240, %add3A_289 : i32
            %add3A_291 = arith.constant 32 : i32
            %add3A_292 = arith.addi %mul3A_240, %add3A_291 : i32
            %add3A_293 = vector.broadcast %add3A_292 : i32 to vector<16xi32>
            %add3A_294 = arith.addi %add3A_293, %iota3A : vector<16xi32>
            %lt3A_295 = vector.broadcast %scan3A_149 : i32 to vector<16xi32>
            %lt3A_296 = arith.cmpi slt, %add3A_294, %lt3A_295 : vector<16xi32>
            %get3A_297 = arith.index_cast %add3A_290 : i32 to index
            %get3A_298 = tpu.vector_load %arg11[%get3A_297] {strides = array<i32>} : memref<6144xi32, #tpu.memory_space<vmem>>, vector<16xi32>,
            %shift_right_arithmetic3A_299 = arith.constant 13 : i32
            %shift_right_arithmetic3A_300 = vector.broadcast %shift_right_arithmetic3A_299 : i32 to vector<16xi32>
            %shift_right_arithmetic3A_301 = arith.shrsi %get3A_298, %shift_right_arithmetic3A_300 : vector<16xi32>
            %select_n3A_302 = arith.select %lt3A_296, %shift_right_arithmetic3A_301, %broadcast_in_dim3A_47 : vector<16xi1>, vector<16xi32>
            %swap3A_303 = arith.constant 0 : i32
            %swap3A_304 = arith.index_cast %swap3A_303 : i32 to index
            %swap3A_305 = arith.constant 32 : index
            %swap3A_306 = tpu.vector_load %arg12[%swap3A_304, %swap3A_305] {strides = array<i32>} : memref<2x64xi32, #tpu.memory_space<vmem>>, vector<16xi32>,
            tpu.vector_store %arg12[%swap3A_304, %swap3A_305], %select_n3A_302 {strides = array<i32>} : memref<2x64xi32, #tpu.memory_space<vmem>>, vector<16xi32>,
            %and3A_307 = arith.constant 8191 : i32
            %and3A_308 = vector.broadcast %and3A_307 : i32 to vector<16xi32>
            %and3A_309 = arith.andi %get3A_298, %and3A_308 : vector<16xi32>
            %select_n3A_310 = arith.select %lt3A_296, %and3A_309, %broadcast_in_dim3A_49 : vector<16xi1>, vector<16xi32>
            %swap3A_311 = arith.constant 0 : i32
            %swap3A_312 = arith.index_cast %swap3A_311 : i32 to index
            %swap3A_313 = arith.constant 32 : index
            %swap3A_314 = tpu.vector_load %arg13[%swap3A_312, %swap3A_313] {strides = array<i32>} : memref<2x64xi32, #tpu.memory_space<vmem>>, vector<16xi32>,
            tpu.vector_store %arg13[%swap3A_312, %swap3A_313], %select_n3A_310 {strides = array<i32>} : memref<2x64xi32, #tpu.memory_space<vmem>>, vector<16xi32>,
            %add3A_315 = arith.constant 48 : i32
            %add3A_316 = arith.addi %mul3A_240, %add3A_315 : i32
            %add3A_317 = arith.constant 48 : i32
            %add3A_318 = arith.addi %mul3A_240, %add3A_317 : i32
            %add3A_319 = vector.broadcast %add3A_318 : i32 to vector<16xi32>
            %add3A_320 = arith.addi %add3A_319, %iota3A : vector<16xi32>
            %lt3A_321 = vector.broadcast %scan3A_149 : i32 to vector<16xi32>
            %lt3A_322 = arith.cmpi slt, %add3A_320, %lt3A_321 : vector<16xi32>
            %get3A_323 = arith.index_cast %add3A_316 : i32 to index
            %get3A_324 = tpu.vector_load %arg11[%get3A_323] {strides = array<i32>} : memref<6144xi32, #tpu.memory_space<vmem>>, vector<16xi32>,
            %shift_right_arithmetic3A_325 = arith.constant 13 : i32
            %shift_right_arithmetic3A_326 = vector.broadcast %shift_right_arithmetic3A_325 : i32 to vector<16xi32>
            %shift_right_arithmetic3A_327 = arith.shrsi %get3A_324, %shift_right_arithmetic3A_326 : vector<16xi32>
            %select_n3A_328 = arith.select %lt3A_322, %shift_right_arithmetic3A_327, %broadcast_in_dim3A_47 : vector<16xi1>, vector<16xi32>
            %swap3A_329 = arith.constant 0 : i32
            %swap3A_330 = arith.index_cast %swap3A_329 : i32 to index
            %swap3A_331 = arith.constant 48 : index
            %swap3A_332 = tpu.vector_load %arg12[%swap3A_330, %swap3A_331] {strides = array<i32>} : memref<2x64xi32, #tpu.memory_space<vmem>>, vector<16xi32>,
            tpu.vector_store %arg12[%swap3A_330, %swap3A_331], %select_n3A_328 {strides = array<i32>} : memref<2x64xi32, #tpu.memory_space<vmem>>, vector<16xi32>,
            %and3A_333 = arith.constant 8191 : i32
            %and3A_334 = vector.broadcast %and3A_333 : i32 to vector<16xi32>
            %and3A_335 = arith.andi %get3A_324, %and3A_334 : vector<16xi32>
            %select_n3A_336 = arith.select %lt3A_322, %and3A_335, %broadcast_in_dim3A_49 : vector<16xi1>, vector<16xi32>
            %swap3A_337 = arith.constant 0 : i32
            %swap3A_338 = arith.index_cast %swap3A_337 : i32 to index
            %swap3A_339 = arith.constant 48 : index
            %swap3A_340 = tpu.vector_load %arg13[%swap3A_338, %swap3A_339] {strides = array<i32>} : memref<2x64xi32, #tpu.memory_space<vmem>>, vector<16xi32>,
            tpu.vector_store %arg13[%swap3A_338, %swap3A_339], %select_n3A_336 {strides = array<i32>} : memref<2x64xi32, #tpu.memory_space<vmem>>, vector<16xi32>,
            %dma_start3A_341 = arith.constant 0 : i32
            %dma_start3A_342 = arith.constant 0 : i32
            %dma_start3A_343 = arith.constant 0 : i32
            %dma_start3A_344 = arith.constant 0 : i32
            %dma_start3A_345 = tpu.memref_slice %arg14[%dma_start3A_342, %dma_start3A_343, %dma_start3A_344] : memref<2x64x128xf32, #tpu.memory_space<vmem>> -> memref<1x64x128xf32, #tpu.memory_space<vmem>>
            %dma_start3A_346 = tpu.memref_squeeze %dma_start3A_345 : memref<1x64x128xf32, #tpu.memory_space<vmem>> -> memref<64x128xf32, #tpu.memory_space<vmem>>
            %dma_start3A_347 = arith.constant 0 : i32
            %dma_start3A_348 = tpu.memref_slice %arg12[%dma_start3A_341, %dma_start3A_347] : memref<2x64xi32, #tpu.memory_space<vmem>> -> memref<1x64xi32, #tpu.memory_space<vmem>>
            %dma_start3A_349 = tpu.memref_squeeze %dma_start3A_348 : memref<1x64xi32, #tpu.memory_space<vmem>> -> memref<64xi32, #tpu.memory_space<vmem>>
            %dma_start3A_350 = arith.constant 0 : i32
            %dma_start3A_351 = arith.constant 0 : i32
            %dma_start3A_352 = tpu.memref_slice %arg2[%dma_start3A_350, %dma_start3A_351] : memref<10000x128xf32, #tpu.memory_space<hbm>> -> memref<10000x128xf32, #tpu.memory_space<hbm>>
            tpu.enqueue_indirect_dma source(%dma_start3A_352 : memref<10000x128xf32, #tpu.memory_space<hbm>>) target(%dma_start3A_346 : memref<64x128xf32, #tpu.memory_space<vmem>>) offsets(%dma_start3A_349 : memref<64xi32, #tpu.memory_space<vmem>>) semaphore(%arg23 : memref<!tpu.dma_semaphore, #tpu.memory_space<semaphore_mem>>)
            %mul3A_353 = arith.constant 2 : i32
            %mul3A_354 = arith.muli %mul3A_353, %while3A_228 : i32
            %add3A_355 = arith.constant 1 : i32
            %add3A_356 = arith.addi %mul3A_354, %add3A_355 : i32
            %gt3A_357 = arith.constant 0 : i32
            %gt3A_358 = arith.cmpi sgt, %while3A_228, %gt3A_357 : i32
            %convert_element_type3A_359 = arith.extui %gt3A_358 : i1 to i32
            %cond3A_360 = arith.constant 0 : i32
            %cond3A_361 = arith.cmpi ne, %convert_element_type3A_359, %cond3A_360 : i32
            scf.if %cond3A_361 {
              %dma_wait3A_541 = arith.constant 1 : i32
              %dma_wait3A_542 = arith.constant 1 : i32
              %dma_wait3A_543 = arith.constant 0 : i32
              %dma_wait3A_544 = arith.constant 0 : i32
              %dma_wait3A_545 = tpu.memref_slice %arg14[%dma_wait3A_541, %dma_wait3A_543, %dma_wait3A_544] : memref<2x64x128xf32, #tpu.memory_space<vmem>> -> memref<1x64x128xf32, #tpu.memory_space<vmem>>
              %dma_wait3A_546 = tpu.memref_squeeze %dma_wait3A_545 : memref<1x64x128xf32, #tpu.memory_space<vmem>> -> memref<64x128xf32, #tpu.memory_space<vmem>>
              %dma_wait3A_547 = arith.constant 0 : i32
              %dma_wait3A_548 = tpu.memref_slice %arg13[%dma_wait3A_542, %dma_wait3A_547] : memref<2x64xi32, #tpu.memory_space<vmem>> -> memref<1x64xi32, #tpu.memory_space<vmem>>
              %dma_wait3A_549 = tpu.memref_squeeze %dma_wait3A_548 : memref<1x64xi32, #tpu.memory_space<vmem>> -> memref<64xi32, #tpu.memory_space<vmem>>
              %dma_wait3A_550 = arith.constant 0 : i32
              %dma_wait3A_551 = arith.constant 0 : i32
              %dma_wait3A_552 = tpu.memref_slice %arg18[%dma_wait3A_550, %dma_wait3A_551] : memref<8080x128xf32, #tpu.memory_space<vmem_shared>> -> memref<8080x128xf32, #tpu.memory_space<vmem_shared>>
              tpu.wait_indirect_dma semaphore(%arg26 : memref<!tpu.dma_semaphore, #tpu.memory_space<semaphore_mem>>) src(%dma_wait3A_546 : memref<64x128xf32, #tpu.memory_space<vmem>>) dst(%dma_wait3A_552 : memref<8080x128xf32, #tpu.memory_space<vmem_shared>>)
              %dma_wait3A_553 = arith.constant 1 : i32
              %dma_wait3A_554 = arith.constant 0 : i32
              %dma_wait3A_555 = tpu.memref_slice %arg13[%dma_wait3A_553, %dma_wait3A_554] : memref<2x64xi32, #tpu.memory_space<vmem>> -> memref<1x64xi32, #tpu.memory_space<vmem>>
              %dma_wait3A_556 = tpu.memref_squeeze %dma_wait3A_555 : memref<1x64xi32, #tpu.memory_space<vmem>> -> memref<64xi32, #tpu.memory_space<vmem>>
              %dma_wait3A_557 = arith.constant 0 : i32
              %dma_wait3A_558 = tpu.memref_slice %arg19[%dma_wait3A_557] : memref<8080xf32, #tpu.memory_space<vmem_shared>> -> memref<8080xf32, #tpu.memory_space<vmem_shared>>
              tpu.wait_indirect_dma semaphore(%arg28 : memref<!tpu.dma_semaphore, #tpu.memory_space<semaphore_mem>>) src(%arg15 : memref<64xf32, #tpu.memory_space<vmem>>) dst(%dma_wait3A_558 : memref<8080xf32, #tpu.memory_space<vmem_shared>>)
            } else {
            }
            %mul3A_362 = arith.constant 64 : i32
            %mul3A_363 = arith.muli %add3A_356, %mul3A_362 : i32
            %add3A_364 = arith.constant 0 : i32
            %add3A_365 = arith.addi %mul3A_363, %add3A_364 : i32
            %add3A_366 = arith.constant 0 : i32
            %add3A_367 = arith.addi %mul3A_363, %add3A_366 : i32
            %add3A_368 = vector.broadcast %add3A_367 : i32 to vector<16xi32>
            %add3A_369 = arith.addi %add3A_368, %iota3A : vector<16xi32>
            %lt3A_370 = vector.broadcast %scan3A_149 : i32 to vector<16xi32>
            %lt3A_371 = arith.cmpi slt, %add3A_369, %lt3A_370 : vector<16xi32>
            %get3A_372 = arith.index_cast %add3A_365 : i32 to index
            %get3A_373 = tpu.vector_load %arg11[%get3A_372] {strides = array<i32>} : memref<6144xi32, #tpu.memory_space<vmem>>, vector<16xi32>,
            %shift_right_arithmetic3A_374 = arith.constant 13 : i32
            %shift_right_arithmetic3A_375 = vector.broadcast %shift_right_arithmetic3A_374 : i32 to vector<16xi32>
            %shift_right_arithmetic3A_376 = arith.shrsi %get3A_373, %shift_right_arithmetic3A_375 : vector<16xi32>
            %select_n3A_377 = arith.select %lt3A_371, %shift_right_arithmetic3A_376, %broadcast_in_dim3A_47 : vector<16xi1>, vector<16xi32>
            %swap3A_378 = arith.constant 1 : i32
            %swap3A_379 = arith.index_cast %swap3A_378 : i32 to index
            %swap3A_380 = arith.constant 0 : index
            %swap3A_381 = tpu.vector_load %arg12[%swap3A_379, %swap3A_380] {strides = array<i32>} : memref<2x64xi32, #tpu.memory_space<vmem>>, vector<16xi32>,
            tpu.vector_store %arg12[%swap3A_379, %swap3A_380], %select_n3A_377 {strides = array<i32>} : memref<2x64xi32, #tpu.memory_space<vmem>>, vector<16xi32>,
            %and3A_382 = arith.constant 8191 : i32
            %and3A_383 = vector.broadcast %and3A_382 : i32 to vector<16xi32>
            %and3A_384 = arith.andi %get3A_373, %and3A_383 : vector<16xi32>
            %select_n3A_385 = arith.select %lt3A_371, %and3A_384, %broadcast_in_dim3A_49 : vector<16xi1>, vector<16xi32>
            %swap3A_386 = arith.constant 1 : i32
            %swap3A_387 = arith.index_cast %swap3A_386 : i32 to index
            %swap3A_388 = arith.constant 0 : index
            %swap3A_389 = tpu.vector_load %arg13[%swap3A_387, %swap3A_388] {strides = array<i32>} : memref<2x64xi32, #tpu.memory_space<vmem>>, vector<16xi32>,
            tpu.vector_store %arg13[%swap3A_387, %swap3A_388], %select_n3A_385 {strides = array<i32>} : memref<2x64xi32, #tpu.memory_space<vmem>>, vector<16xi32>,
            %add3A_390 = arith.constant 16 : i32
            %add3A_391 = arith.addi %mul3A_363, %add3A_390 : i32
            %add3A_392 = arith.constant 16 : i32
            %add3A_393 = arith.addi %mul3A_363, %add3A_392 : i32
            %add3A_394 = vector.broadcast %add3A_393 : i32 to vector<16xi32>
            %add3A_395 = arith.addi %add3A_394, %iota3A : vector<16xi32>
            %lt3A_396 = vector.broadcast %scan3A_149 : i32 to vector<16xi32>
            %lt3A_397 = arith.cmpi slt, %add3A_395, %lt3A_396 : vector<16xi32>
            %get3A_398 = arith.index_cast %add3A_391 : i32 to index
            %get3A_399 = tpu.vector_load %arg11[%get3A_398] {strides = array<i32>} : memref<6144xi32, #tpu.memory_space<vmem>>, vector<16xi32>,
            %shift_right_arithmetic3A_400 = arith.constant 13 : i32
            %shift_right_arithmetic3A_401 = vector.broadcast %shift_right_arithmetic3A_400 : i32 to vector<16xi32>
            %shift_right_arithmetic3A_402 = arith.shrsi %get3A_399, %shift_right_arithmetic3A_401 : vector<16xi32>
            %select_n3A_403 = arith.select %lt3A_397, %shift_right_arithmetic3A_402, %broadcast_in_dim3A_47 : vector<16xi1>, vector<16xi32>
            %swap3A_404 = arith.constant 1 : i32
            %swap3A_405 = arith.index_cast %swap3A_404 : i32 to index
            %swap3A_406 = arith.constant 16 : index
            %swap3A_407 = tpu.vector_load %arg12[%swap3A_405, %swap3A_406] {strides = array<i32>} : memref<2x64xi32, #tpu.memory_space<vmem>>, vector<16xi32>,
            tpu.vector_store %arg12[%swap3A_405, %swap3A_406], %select_n3A_403 {strides = array<i32>} : memref<2x64xi32, #tpu.memory_space<vmem>>, vector<16xi32>,
            %and3A_408 = arith.constant 8191 : i32
            %and3A_409 = vector.broadcast %and3A_408 : i32 to vector<16xi32>
            %and3A_410 = arith.andi %get3A_399, %and3A_409 : vector<16xi32>
            %select_n3A_411 = arith.select %lt3A_397, %and3A_410, %broadcast_in_dim3A_49 : vector<16xi1>, vector<16xi32>
            %swap3A_412 = arith.constant 1 : i32
            %swap3A_413 = arith.index_cast %swap3A_412 : i32 to index
            %swap3A_414 = arith.constant 16 : index
            %swap3A_415 = tpu.vector_load %arg13[%swap3A_413, %swap3A_414] {strides = array<i32>} : memref<2x64xi32, #tpu.memory_space<vmem>>, vector<16xi32>,
            tpu.vector_store %arg13[%swap3A_413, %swap3A_414], %select_n3A_411 {strides = array<i32>} : memref<2x64xi32, #tpu.memory_space<vmem>>, vector<16xi32>,
            %add3A_416 = arith.constant 32 : i32
            %add3A_417 = arith.addi %mul3A_363, %add3A_416 : i32
            %add3A_418 = arith.constant 32 : i32
            %add3A_419 = arith.addi %mul3A_363, %add3A_418 : i32
            %add3A_420 = vector.broadcast %add3A_419 : i32 to vector<16xi32>
            %add3A_421 = arith.addi %add3A_420, %iota3A : vector<16xi32>
            %lt3A_422 = vector.broadcast %scan3A_149 : i32 to vector<16xi32>
            %lt3A_423 = arith.cmpi slt, %add3A_421, %lt3A_422 : vector<16xi32>
            %get3A_424 = arith.index_cast %add3A_417 : i32 to index
            %get3A_425 = tpu.vector_load %arg11[%get3A_424] {strides = array<i32>} : memref<6144xi32, #tpu.memory_space<vmem>>, vector<16xi32>,
            %shift_right_arithmetic3A_426 = arith.constant 13 : i32
            %shift_right_arithmetic3A_427 = vector.broadcast %shift_right_arithmetic3A_426 : i32 to vector<16xi32>
            %shift_right_arithmetic3A_428 = arith.shrsi %get3A_425, %shift_right_arithmetic3A_427 : vector<16xi32>
            %select_n3A_429 = arith.select %lt3A_423, %shift_right_arithmetic3A_428, %broadcast_in_dim3A_47 : vector<16xi1>, vector<16xi32>
            %swap3A_430 = arith.constant 1 : i32
            %swap3A_431 = arith.index_cast %swap3A_430 : i32 to index
            %swap3A_432 = arith.constant 32 : index
            %swap3A_433 = tpu.vector_load %arg12[%swap3A_431, %swap3A_432] {strides = array<i32>} : memref<2x64xi32, #tpu.memory_space<vmem>>, vector<16xi32>,
            tpu.vector_store %arg12[%swap3A_431, %swap3A_432], %select_n3A_429 {strides = array<i32>} : memref<2x64xi32, #tpu.memory_space<vmem>>, vector<16xi32>,
            %and3A_434 = arith.constant 8191 : i32
            %and3A_435 = vector.broadcast %and3A_434 : i32 to vector<16xi32>
            %and3A_436 = arith.andi %get3A_425, %and3A_435 : vector<16xi32>
            %select_n3A_437 = arith.select %lt3A_423, %and3A_436, %broadcast_in_dim3A_49 : vector<16xi1>, vector<16xi32>
            %swap3A_438 = arith.constant 1 : i32
            %swap3A_439 = arith.index_cast %swap3A_438 : i32 to index
            %swap3A_440 = arith.constant 32 : index
            %swap3A_441 = tpu.vector_load %arg13[%swap3A_439, %swap3A_440] {strides = array<i32>} : memref<2x64xi32, #tpu.memory_space<vmem>>, vector<16xi32>,
            tpu.vector_store %arg13[%swap3A_439, %swap3A_440], %select_n3A_437 {strides = array<i32>} : memref<2x64xi32, #tpu.memory_space<vmem>>, vector<16xi32>,
            %add3A_442 = arith.constant 48 : i32
            %add3A_443 = arith.addi %mul3A_363, %add3A_442 : i32
            %add3A_444 = arith.constant 48 : i32
            %add3A_445 = arith.addi %mul3A_363, %add3A_444 : i32
            %add3A_446 = vector.broadcast %add3A_445 : i32 to vector<16xi32>
            %add3A_447 = arith.addi %add3A_446, %iota3A : vector<16xi32>
            %lt3A_448 = vector.broadcast %scan3A_149 : i32 to vector<16xi32>
            %lt3A_449 = arith.cmpi slt, %add3A_447, %lt3A_448 : vector<16xi32>
            %get3A_450 = arith.index_cast %add3A_443 : i32 to index
            %get3A_451 = tpu.vector_load %arg11[%get3A_450] {strides = array<i32>} : memref<6144xi32, #tpu.memory_space<vmem>>, vector<16xi32>,
            %shift_right_arithmetic3A_452 = arith.constant 13 : i32
            %shift_right_arithmetic3A_453 = vector.broadcast %shift_right_arithmetic3A_452 : i32 to vector<16xi32>
            %shift_right_arithmetic3A_454 = arith.shrsi %get3A_451, %shift_right_arithmetic3A_453 : vector<16xi32>
            %select_n3A_455 = arith.select %lt3A_449, %shift_right_arithmetic3A_454, %broadcast_in_dim3A_47 : vector<16xi1>, vector<16xi32>
            %swap3A_456 = arith.constant 1 : i32
            %swap3A_457 = arith.index_cast %swap3A_456 : i32 to index
            %swap3A_458 = arith.constant 48 : index
            %swap3A_459 = tpu.vector_load %arg12[%swap3A_457, %swap3A_458] {strides = array<i32>} : memref<2x64xi32, #tpu.memory_space<vmem>>, vector<16xi32>,
            tpu.vector_store %arg12[%swap3A_457, %swap3A_458], %select_n3A_455 {strides = array<i32>} : memref<2x64xi32, #tpu.memory_space<vmem>>, vector<16xi32>,
            %and3A_460 = arith.constant 8191 : i32
            %and3A_461 = vector.broadcast %and3A_460 : i32 to vector<16xi32>
            %and3A_462 = arith.andi %get3A_451, %and3A_461 : vector<16xi32>
            %select_n3A_463 = arith.select %lt3A_449, %and3A_462, %broadcast_in_dim3A_49 : vector<16xi1>, vector<16xi32>
            %swap3A_464 = arith.constant 1 : i32
            %swap3A_465 = arith.index_cast %swap3A_464 : i32 to index
            %swap3A_466 = arith.constant 48 : index
            %swap3A_467 = tpu.vector_load %arg13[%swap3A_465, %swap3A_466] {strides = array<i32>} : memref<2x64xi32, #tpu.memory_space<vmem>>, vector<16xi32>,
            tpu.vector_store %arg13[%swap3A_465, %swap3A_466], %select_n3A_463 {strides = array<i32>} : memref<2x64xi32, #tpu.memory_space<vmem>>, vector<16xi32>,
            %dma_start3A_468 = arith.constant 1 : i32
            %dma_start3A_469 = arith.constant 1 : i32
            %dma_start3A_470 = arith.constant 0 : i32
            %dma_start3A_471 = arith.constant 0 : i32
            %dma_start3A_472 = tpu.memref_slice %arg14[%dma_start3A_469, %dma_start3A_470, %dma_start3A_471] : memref<2x64x128xf32, #tpu.memory_space<vmem>> -> memref<1x64x128xf32, #tpu.memory_space<vmem>>
            %dma_start3A_473 = tpu.memref_squeeze %dma_start3A_472 : memref<1x64x128xf32, #tpu.memory_space<vmem>> -> memref<64x128xf32, #tpu.memory_space<vmem>>
            %dma_start3A_474 = arith.constant 0 : i32
            %dma_start3A_475 = tpu.memref_slice %arg12[%dma_start3A_468, %dma_start3A_474] : memref<2x64xi32, #tpu.memory_space<vmem>> -> memref<1x64xi32, #tpu.memory_space<vmem>>
            %dma_start3A_476 = tpu.memref_squeeze %dma_start3A_475 : memref<1x64xi32, #tpu.memory_space<vmem>> -> memref<64xi32, #tpu.memory_space<vmem>>
            %dma_start3A_477 = arith.constant 0 : i32
            %dma_start3A_478 = arith.constant 0 : i32
            %dma_start3A_479 = tpu.memref_slice %arg2[%dma_start3A_477, %dma_start3A_478] : memref<10000x128xf32, #tpu.memory_space<hbm>> -> memref<10000x128xf32, #tpu.memory_space<hbm>>
            tpu.enqueue_indirect_dma source(%dma_start3A_479 : memref<10000x128xf32, #tpu.memory_space<hbm>>) target(%dma_start3A_473 : memref<64x128xf32, #tpu.memory_space<vmem>>) offsets(%dma_start3A_476 : memref<64xi32, #tpu.memory_space<vmem>>) semaphore(%arg24 : memref<!tpu.dma_semaphore, #tpu.memory_space<semaphore_mem>>)
            %dma_wait3A_480 = arith.constant 0 : i32
            %dma_wait3A_481 = arith.constant 0 : i32
            %dma_wait3A_482 = arith.constant 0 : i32
            %dma_wait3A_483 = arith.constant 0 : i32
            %dma_wait3A_484 = tpu.memref_slice %arg14[%dma_wait3A_481, %dma_wait3A_482, %dma_wait3A_483] : memref<2x64x128xf32, #tpu.memory_space<vmem>> -> memref<1x64x128xf32, #tpu.memory_space<vmem>>
            %dma_wait3A_485 = tpu.memref_squeeze %dma_wait3A_484 : memref<1x64x128xf32, #tpu.memory_space<vmem>> -> memref<64x128xf32, #tpu.memory_space<vmem>>
            %dma_wait3A_486 = arith.constant 0 : i32
            %dma_wait3A_487 = tpu.memref_slice %arg12[%dma_wait3A_480, %dma_wait3A_486] : memref<2x64xi32, #tpu.memory_space<vmem>> -> memref<1x64xi32, #tpu.memory_space<vmem>>
            %dma_wait3A_488 = tpu.memref_squeeze %dma_wait3A_487 : memref<1x64xi32, #tpu.memory_space<vmem>> -> memref<64xi32, #tpu.memory_space<vmem>>
            %dma_wait3A_489 = arith.constant 0 : i32
            %dma_wait3A_490 = arith.constant 0 : i32
            %dma_wait3A_491 = tpu.memref_slice %arg2[%dma_wait3A_489, %dma_wait3A_490] : memref<10000x128xf32, #tpu.memory_space<hbm>> -> memref<10000x128xf32, #tpu.memory_space<hbm>>
            tpu.wait_indirect_dma semaphore(%arg23 : memref<!tpu.dma_semaphore, #tpu.memory_space<semaphore_mem>>) src(%dma_wait3A_491 : memref<10000x128xf32, #tpu.memory_space<hbm>>) dst(%dma_wait3A_485 : memref<64x128xf32, #tpu.memory_space<vmem>>)
            %dma_start3A_492 = arith.constant 0 : i32
            %dma_start3A_493 = arith.constant 0 : i32
            %dma_start3A_494 = arith.constant 0 : i32
            %dma_start3A_495 = arith.constant 0 : i32
            %dma_start3A_496 = tpu.memref_slice %arg14[%dma_start3A_492, %dma_start3A_494, %dma_start3A_495] : memref<2x64x128xf32, #tpu.memory_space<vmem>> -> memref<1x64x128xf32, #tpu.memory_space<vmem>>
            %dma_start3A_497 = tpu.memref_squeeze %dma_start3A_496 : memref<1x64x128xf32, #tpu.memory_space<vmem>> -> memref<64x128xf32, #tpu.memory_space<vmem>>
            %dma_start3A_498 = arith.constant 0 : i32
            %dma_start3A_499 = tpu.memref_slice %arg13[%dma_start3A_493, %dma_start3A_498] : memref<2x64xi32, #tpu.memory_space<vmem>> -> memref<1x64xi32, #tpu.memory_space<vmem>>
            %dma_start3A_500 = tpu.memref_squeeze %dma_start3A_499 : memref<1x64xi32, #tpu.memory_space<vmem>> -> memref<64xi32, #tpu.memory_space<vmem>>
            %dma_start3A_501 = arith.constant 0 : i32
            %dma_start3A_502 = arith.constant 0 : i32
            %dma_start3A_503 = tpu.memref_slice %arg18[%dma_start3A_501, %dma_start3A_502] : memref<8080x128xf32, #tpu.memory_space<vmem_shared>> -> memref<8080x128xf32, #tpu.memory_space<vmem_shared>>
            tpu.enqueue_indirect_dma source(%dma_start3A_497 : memref<64x128xf32, #tpu.memory_space<vmem>>) target(%dma_start3A_503 : memref<8080x128xf32, #tpu.memory_space<vmem_shared>>) offsets(%dma_start3A_500 : memref<64xi32, #tpu.memory_space<vmem>>) semaphore(%arg25 : memref<!tpu.dma_semaphore, #tpu.memory_space<semaphore_mem>>) {add = true}
            %dma_start3A_504 = arith.constant 0 : i32
            %dma_start3A_505 = arith.constant 0 : i32
            %dma_start3A_506 = tpu.memref_slice %arg13[%dma_start3A_504, %dma_start3A_505] : memref<2x64xi32, #tpu.memory_space<vmem>> -> memref<1x64xi32, #tpu.memory_space<vmem>>
            %dma_start3A_507 = tpu.memref_squeeze %dma_start3A_506 : memref<1x64xi32, #tpu.memory_space<vmem>> -> memref<64xi32, #tpu.memory_space<vmem>>
            %dma_start3A_508 = arith.constant 0 : i32
            %dma_start3A_509 = tpu.memref_slice %arg19[%dma_start3A_508] : memref<8080xf32, #tpu.memory_space<vmem_shared>> -> memref<8080xf32, #tpu.memory_space<vmem_shared>>
            tpu.enqueue_indirect_dma source(%arg15 : memref<64xf32, #tpu.memory_space<vmem>>) target(%dma_start3A_509 : memref<8080xf32, #tpu.memory_space<vmem_shared>>) offsets(%dma_start3A_507 : memref<64xi32, #tpu.memory_space<vmem>>) semaphore(%arg27 : memref<!tpu.dma_semaphore, #tpu.memory_space<semaphore_mem>>) {add = true}
            %dma_wait3A_510 = arith.constant 1 : i32
            %dma_wait3A_511 = arith.constant 1 : i32
            %dma_wait3A_512 = arith.constant 0 : i32
            %dma_wait3A_513 = arith.constant 0 : i32
            %dma_wait3A_514 = tpu.memref_slice %arg14[%dma_wait3A_511, %dma_wait3A_512, %dma_wait3A_513] : memref<2x64x128xf32, #tpu.memory_space<vmem>> -> memref<1x64x128xf32, #tpu.memory_space<vmem>>
            %dma_wait3A_515 = tpu.memref_squeeze %dma_wait3A_514 : memref<1x64x128xf32, #tpu.memory_space<vmem>> -> memref<64x128xf32, #tpu.memory_space<vmem>>
            %dma_wait3A_516 = arith.constant 0 : i32
            %dma_wait3A_517 = tpu.memref_slice %arg12[%dma_wait3A_510, %dma_wait3A_516] : memref<2x64xi32, #tpu.memory_space<vmem>> -> memref<1x64xi32, #tpu.memory_space<vmem>>
            %dma_wait3A_518 = tpu.memref_squeeze %dma_wait3A_517 : memref<1x64xi32, #tpu.memory_space<vmem>> -> memref<64xi32, #tpu.memory_space<vmem>>
            %dma_wait3A_519 = arith.constant 0 : i32
            %dma_wait3A_520 = arith.constant 0 : i32
            %dma_wait3A_521 = tpu.memref_slice %arg2[%dma_wait3A_519, %dma_wait3A_520] : memref<10000x128xf32, #tpu.memory_space<hbm>> -> memref<10000x128xf32, #tpu.memory_space<hbm>>
            tpu.wait_indirect_dma semaphore(%arg24 : memref<!tpu.dma_semaphore, #tpu.memory_space<semaphore_mem>>) src(%dma_wait3A_521 : memref<10000x128xf32, #tpu.memory_space<hbm>>) dst(%dma_wait3A_515 : memref<64x128xf32, #tpu.memory_space<vmem>>)
            %dma_start3A_522 = arith.constant 1 : i32
            %dma_start3A_523 = arith.constant 1 : i32
            %dma_start3A_524 = arith.constant 0 : i32
            %dma_start3A_525 = arith.constant 0 : i32
            %dma_start3A_526 = tpu.memref_slice %arg14[%dma_start3A_522, %dma_start3A_524, %dma_start3A_525] : memref<2x64x128xf32, #tpu.memory_space<vmem>> -> memref<1x64x128xf32, #tpu.memory_space<vmem>>
            %dma_start3A_527 = tpu.memref_squeeze %dma_start3A_526 : memref<1x64x128xf32, #tpu.memory_space<vmem>> -> memref<64x128xf32, #tpu.memory_space<vmem>>
            %dma_start3A_528 = arith.constant 0 : i32
            %dma_start3A_529 = tpu.memref_slice %arg13[%dma_start3A_523, %dma_start3A_528] : memref<2x64xi32, #tpu.memory_space<vmem>> -> memref<1x64xi32, #tpu.memory_space<vmem>>
            %dma_start3A_530 = tpu.memref_squeeze %dma_start3A_529 : memref<1x64xi32, #tpu.memory_space<vmem>> -> memref<64xi32, #tpu.memory_space<vmem>>
            %dma_start3A_531 = arith.constant 0 : i32
            %dma_start3A_532 = arith.constant 0 : i32
            %dma_start3A_533 = tpu.memref_slice %arg18[%dma_start3A_531, %dma_start3A_532] : memref<8080x128xf32, #tpu.memory_space<vmem_shared>> -> memref<8080x128xf32, #tpu.memory_space<vmem_shared>>
            tpu.enqueue_indirect_dma source(%dma_start3A_527 : memref<64x128xf32, #tpu.memory_space<vmem>>) target(%dma_start3A_533 : memref<8080x128xf32, #tpu.memory_space<vmem_shared>>) offsets(%dma_start3A_530 : memref<64xi32, #tpu.memory_space<vmem>>) semaphore(%arg26 : memref<!tpu.dma_semaphore, #tpu.memory_space<semaphore_mem>>) {add = true}
            %dma_start3A_534 = arith.constant 1 : i32
            %dma_start3A_535 = arith.constant 0 : i32
            %dma_start3A_536 = tpu.memref_slice %arg13[%dma_start3A_534, %dma_start3A_535] : memref<2x64xi32, #tpu.memory_space<vmem>> -> memref<1x64xi32, #tpu.memory_space<vmem>>
            %dma_start3A_537 = tpu.memref_squeeze %dma_start3A_536 : memref<1x64xi32, #tpu.memory_space<vmem>> -> memref<64xi32, #tpu.memory_space<vmem>>
            %dma_start3A_538 = arith.constant 0 : i32
            %dma_start3A_539 = tpu.memref_slice %arg19[%dma_start3A_538] : memref<8080xf32, #tpu.memory_space<vmem_shared>> -> memref<8080xf32, #tpu.memory_space<vmem_shared>>
            tpu.enqueue_indirect_dma source(%arg15 : memref<64xf32, #tpu.memory_space<vmem>>) target(%dma_start3A_539 : memref<8080xf32, #tpu.memory_space<vmem_shared>>) offsets(%dma_start3A_537 : memref<64xi32, #tpu.memory_space<vmem>>) semaphore(%arg28 : memref<!tpu.dma_semaphore, #tpu.memory_space<semaphore_mem>>) {add = true}
            %while3A_540 = arith.constant 0 : i32
            scf.yield %while3A_540 : i32
          }
          %gt3A_223 = arith.constant 0 : i32
          %gt3A_224 = arith.cmpi sgt, %select_n3A_210, %gt3A_223 : i32
          %convert_element_type3A_225 = arith.extui %gt3A_224 : i1 to i32
          %cond3A_226 = arith.constant 0 : i32
          %cond3A_227 = arith.cmpi ne, %convert_element_type3A_225, %cond3A_226 : i32
          scf.if %cond3A_227 {
            %dma_wait3A_228 = arith.constant 0 : i32
            %dma_wait3A_229 = arith.constant 0 : i32
            %dma_wait3A_230 = arith.constant 0 : i32
            %dma_wait3A_231 = arith.constant 0 : i32
            %dma_wait3A_232 = tpu.memref_slice %arg14[%dma_wait3A_228, %dma_wait3A_230, %dma_wait3A_231] : memref<2x64x128xf32, #tpu.memory_space<vmem>> -> memref<1x64x128xf32, #tpu.memory_space<vmem>>
            %dma_wait3A_233 = tpu.memref_squeeze %dma_wait3A_232 : memref<1x64x128xf32, #tpu.memory_space<vmem>> -> memref<64x128xf32, #tpu.memory_space<vmem>>
            %dma_wait3A_234 = arith.constant 0 : i32
            %dma_wait3A_235 = tpu.memref_slice %arg13[%dma_wait3A_229, %dma_wait3A_234] : memref<2x64xi32, #tpu.memory_space<vmem>> -> memref<1x64xi32, #tpu.memory_space<vmem>>
            %dma_wait3A_236 = tpu.memref_squeeze %dma_wait3A_235 : memref<1x64xi32, #tpu.memory_space<vmem>> -> memref<64xi32, #tpu.memory_space<vmem>>
            %dma_wait3A_237 = arith.constant 0 : i32
            %dma_wait3A_238 = arith.constant 0 : i32
            %dma_wait3A_239 = tpu.memref_slice %arg18[%dma_wait3A_237, %dma_wait3A_238] : memref<8080x128xf32, #tpu.memory_space<vmem_shared>> -> memref<8080x128xf32, #tpu.memory_space<vmem_shared>>
            tpu.wait_indirect_dma semaphore(%arg25 : memref<!tpu.dma_semaphore, #tpu.memory_space<semaphore_mem>>) src(%dma_wait3A_233 : memref<64x128xf32, #tpu.memory_space<vmem>>) dst(%dma_wait3A_239 : memref<8080x128xf32, #tpu.memory_space<vmem_shared>>)
            %dma_wait3A_240 = arith.constant 0 : i32
            %dma_wait3A_241 = arith.constant 0 : i32
            %dma_wait3A_242 = tpu.memref_slice %arg13[%dma_wait3A_240, %dma_wait3A_241] : memref<2x64xi32, #tpu.memory_space<vmem>> -> memref<1x64xi32, #tpu.memory_space<vmem>>
            %dma_wait3A_243 = tpu.memref_squeeze %dma_wait3A_242 : memref<1x64xi32, #tpu.memory_space<vmem>> -> memref<64xi32, #tpu.memory_space<vmem>>
            %dma_wait3A_244 = arith.constant 0 : i32
            %dma_wait3A_245 = tpu.memref_slice %arg19[%dma_wait3A_244] : memref<8080xf32, #tpu.memory_space<vmem_shared>> -> memref<8080xf32, #tpu.memory_space<vmem_shared>>
            tpu.wait_indirect_dma semaphore(%arg27 : memref<!tpu.dma_semaphore, #tpu.memory_space<semaphore_mem>>) src(%arg15 : memref<64xf32, #tpu.memory_space<vmem>>) dst(%dma_wait3A_245 : memref<8080xf32, #tpu.memory_space<vmem_shared>>)
            %dma_wait3A_246 = arith.constant 1 : i32
            %dma_wait3A_247 = arith.constant 1 : i32
            %dma_wait3A_248 = arith.constant 0 : i32
            %dma_wait3A_249 = arith.constant 0 : i32
            %dma_wait3A_250 = tpu.memref_slice %arg14[%dma_wait3A_246, %dma_wait3A_248, %dma_wait3A_249] : memref<2x64x128xf32, #tpu.memory_space<vmem>> -> memref<1x64x128xf32, #tpu.memory_space<vmem>>
            %dma_wait3A_251 = tpu.memref_squeeze %dma_wait3A_250 : memref<1x64x128xf32, #tpu.memory_space<vmem>> -> memref<64x128xf32, #tpu.memory_space<vmem>>
            %dma_wait3A_252 = arith.constant 0 : i32
            %dma_wait3A_253 = tpu.memref_slice %arg13[%dma_wait3A_247, %dma_wait3A_252] : memref<2x64xi32, #tpu.memory_space<vmem>> -> memref<1x64xi32, #tpu.memory_space<vmem>>
            %dma_wait3A_254 = tpu.memref_squeeze %dma_wait3A_253 : memref<1x64xi32, #tpu.memory_space<vmem>> -> memref<64xi32, #tpu.memory_space<vmem>>
            %dma_wait3A_255 = arith.constant 0 : i32
            %dma_wait3A_256 = arith.constant 0 : i32
            %dma_wait3A_257 = tpu.memref_slice %arg18[%dma_wait3A_255, %dma_wait3A_256] : memref<8080x128xf32, #tpu.memory_space<vmem_shared>> -> memref<8080x128xf32, #tpu.memory_space<vmem_shared>>
            tpu.wait_indirect_dma semaphore(%arg26 : memref<!tpu.dma_semaphore, #tpu.memory_space<semaphore_mem>>) src(%dma_wait3A_251 : memref<64x128xf32, #tpu.memory_space<vmem>>) dst(%dma_wait3A_257 : memref<8080x128xf32, #tpu.memory_space<vmem_shared>>)
            %dma_wait3A_258 = arith.constant 1 : i32
            %dma_wait3A_259 = arith.constant 0 : i32
            %dma_wait3A_260 = tpu.memref_slice %arg13[%dma_wait3A_258, %dma_wait3A_259] : memref<2x64xi32, #tpu.memory_space<vmem>> -> memref<1x64xi32, #tpu.memory_space<vmem>>
            %dma_wait3A_261 = tpu.memref_squeeze %dma_wait3A_260 : memref<1x64xi32, #tpu.memory_space<vmem>> -> memref<64xi32, #tpu.memory_space<vmem>>
            %dma_wait3A_262 = arith.constant 0 : i32
            %dma_wait3A_263 = tpu.memref_slice %arg19[%dma_wait3A_262] : memref<8080xf32, #tpu.memory_space<vmem_shared>> -> memref<8080xf32, #tpu.memory_space<vmem_shared>>
            tpu.wait_indirect_dma semaphore(%arg28 : memref<!tpu.dma_semaphore, #tpu.memory_space<semaphore_mem>>) src(%arg15 : memref<64xf32, #tpu.memory_space<vmem>>) dst(%dma_wait3A_263 : memref<8080xf32, #tpu.memory_space<vmem_shared>>)
          } else {
          }
        } else {
        }
        %jit3A_155 = arith.constant 0 : i32
        %select_n3A_156 = arith.select %ge3A_151, %jit3A_155, %scan3A_149 : i32
        scf.yield %select_n3A_156 : i32
      }
      %scan3A_56 = arith.constant 10 : i32
      %add3A_57 = arith.constant 64 : i32
      %add3A_58 = arith.addi %scan3A_55, %add3A_57 : i32
      %sub3A = arith.constant 1 : i32
      %sub3A_59 = arith.subi %add3A_58, %sub3A : i32
      %jit3A = arith.constant 64 : i32
      %div3A = arith.divsi %sub3A_59, %jit3A : i32
      %sign3A = arith.constant 0 : i32
      %sign3A_60 = arith.cmpi sgt, %sub3A_59, %sign3A : i32
      %sign3A_61 = arith.extui %sign3A_60 : i1 to i32
      %sign3A_62 = arith.constant 0 : i32
      %sign3A_63 = arith.cmpi slt, %sub3A_59, %sign3A_62 : i32
      %sign3A_64 = arith.extui %sign3A_63 : i1 to i32
      %sign3A_65 = arith.subi %sign3A_61, %sign3A_64 : i32
      %sign3A_66 = arith.constant 0 : i32
      %sign3A_67 = arith.cmpi sgt, %jit3A, %sign3A_66 : i32
      %sign3A_68 = arith.extui %sign3A_67 : i1 to i32
      %sign3A_69 = arith.constant 0 : i32
      %sign3A_70 = arith.cmpi slt, %jit3A, %sign3A_69 : i32
      %sign3A_71 = arith.extui %sign3A_70 : i1 to i32
      %sign3A_72 = arith.subi %sign3A_68, %sign3A_71 : i32
      %ne3A = arith.cmpi ne, %sign3A_65, %sign3A_72 : i32
      %rem3A = arith.remsi %sub3A_59, %jit3A : i32
      %ne3A_73 = arith.constant 0 : i32
      %ne3A_74 = arith.cmpi ne, %rem3A, %ne3A_73 : i32
      %and3A = arith.andi %ne3A, %ne3A_74 : i1
      %sub3A_75 = arith.constant 1 : i32
      %sub3A_76 = arith.subi %div3A, %sub3A_75 : i32
      %select_n3A = arith.select %and3A, %sub3A_76, %div3A : i32
      %add3A_77 = arith.constant 1 : i32
      %add3A_78 = arith.addi %select_n3A, %add3A_77 : i32
      %jit3A_79 = arith.constant 2 : i32
      %div3A_80 = arith.divsi %add3A_78, %jit3A_79 : i32
      %sign3A_81 = arith.constant 0 : i32
      %sign3A_82 = arith.cmpi sgt, %add3A_78, %sign3A_81 : i32
      %sign3A_83 = arith.extui %sign3A_82 : i1 to i32
      %sign3A_84 = arith.constant 0 : i32
      %sign3A_85 = arith.cmpi slt, %add3A_78, %sign3A_84 : i32
      %sign3A_86 = arith.extui %sign3A_85 : i1 to i32
      %sign3A_87 = arith.subi %sign3A_83, %sign3A_86 : i32
      %sign3A_88 = arith.constant 0 : i32
      %sign3A_89 = arith.cmpi sgt, %jit3A_79, %sign3A_88 : i32
      %sign3A_90 = arith.extui %sign3A_89 : i1 to i32
      %sign3A_91 = arith.constant 0 : i32
      %sign3A_92 = arith.cmpi slt, %jit3A_79, %sign3A_91 : i32
      %sign3A_93 = arith.extui %sign3A_92 : i1 to i32
      %sign3A_94 = arith.subi %sign3A_90, %sign3A_93 : i32
      %ne3A_95 = arith.cmpi ne, %sign3A_87, %sign3A_94 : i32
      %rem3A_96 = arith.remsi %add3A_78, %jit3A_79 : i32
      %ne3A_97 = arith.constant 0 : i32
      %ne3A_98 = arith.cmpi ne, %rem3A_96, %ne3A_97 : i32
      %and3A_99 = arith.andi %ne3A_95, %ne3A_98 : i1
      %sub3A_100 = arith.constant 1 : i32
      %sub3A_101 = arith.subi %div3A_80, %sub3A_100 : i32
      %select_n3A_102 = arith.select %and3A_99, %sub3A_101, %div3A_80 : i32
      %while3A = arith.constant 0 : i32
      %while3A_103 = arith.constant 0 : i32
      %while3A_104 = arith.subi %select_n3A_102, %while3A : i32
      %while3A_105 = arith.addi %while3A, %while3A_104 : i32
      %while3A_106 = arith.constant 1 : i32
      %while3A_107 = arith.divsi %while3A_104, %while3A_106 : i32
      %while3A_108 = arith.muli %while3A_107, %while3A_106 : i32
      %while3A_109 = arith.addi %while3A, %while3A_108 : i32
      %while3A_110 = arith.constant 1 : i32
      %while3A_111 = scf.for %while3A_130 = %while3A to %while3A_109 step %while3A_110 iter_args(%while3A_131 = %while3A_103) -> (i32)  : i32 {
        %mul3A_132 = arith.constant 2 : i32
        %mul3A_133 = arith.muli %mul3A_132, %while3A_130 : i32
        %add3A_134 = arith.constant 0 : i32
        %add3A_135 = arith.addi %mul3A_133, %add3A_134 : i32
        %gt3A_136 = arith.constant 0 : i32
        %gt3A_137 = arith.cmpi sgt, %while3A_130, %gt3A_136 : i32
        %convert_element_type3A_138 = arith.extui %gt3A_137 : i1 to i32
        %cond3A_139 = arith.constant 0 : i32
        %cond3A_140 = arith.cmpi ne, %convert_element_type3A_138, %cond3A_139 : i32
        scf.if %cond3A_140 {
          %dma_wait3A_441 = arith.constant 0 : i32
          %dma_wait3A_442 = arith.constant 0 : i32
          %dma_wait3A_443 = arith.constant 0 : i32
          %dma_wait3A_444 = arith.constant 0 : i32
          %dma_wait3A_445 = tpu.memref_slice %arg14[%dma_wait3A_441, %dma_wait3A_443, %dma_wait3A_444] : memref<2x64x128xf32, #tpu.memory_space<vmem>> -> memref<1x64x128xf32, #tpu.memory_space<vmem>>
          %dma_wait3A_446 = tpu.memref_squeeze %dma_wait3A_445 : memref<1x64x128xf32, #tpu.memory_space<vmem>> -> memref<64x128xf32, #tpu.memory_space<vmem>>
          %dma_wait3A_447 = arith.constant 0 : i32
          %dma_wait3A_448 = tpu.memref_slice %arg13[%dma_wait3A_442, %dma_wait3A_447] : memref<2x64xi32, #tpu.memory_space<vmem>> -> memref<1x64xi32, #tpu.memory_space<vmem>>
          %dma_wait3A_449 = tpu.memref_squeeze %dma_wait3A_448 : memref<1x64xi32, #tpu.memory_space<vmem>> -> memref<64xi32, #tpu.memory_space<vmem>>
          %dma_wait3A_450 = arith.constant 0 : i32
          %dma_wait3A_451 = arith.constant 0 : i32
          %dma_wait3A_452 = tpu.memref_slice %arg18[%dma_wait3A_450, %dma_wait3A_451] : memref<8080x128xf32, #tpu.memory_space<vmem_shared>> -> memref<8080x128xf32, #tpu.memory_space<vmem_shared>>
          tpu.wait_indirect_dma semaphore(%arg25 : memref<!tpu.dma_semaphore, #tpu.memory_space<semaphore_mem>>) src(%dma_wait3A_446 : memref<64x128xf32, #tpu.memory_space<vmem>>) dst(%dma_wait3A_452 : memref<8080x128xf32, #tpu.memory_space<vmem_shared>>)
          %dma_wait3A_453 = arith.constant 0 : i32
          %dma_wait3A_454 = arith.constant 0 : i32
          %dma_wait3A_455 = tpu.memref_slice %arg13[%dma_wait3A_453, %dma_wait3A_454] : memref<2x64xi32, #tpu.memory_space<vmem>> -> memref<1x64xi32, #tpu.memory_space<vmem>>
          %dma_wait3A_456 = tpu.memref_squeeze %dma_wait3A_455 : memref<1x64xi32, #tpu.memory_space<vmem>> -> memref<64xi32, #tpu.memory_space<vmem>>
          %dma_wait3A_457 = arith.constant 0 : i32
          %dma_wait3A_458 = tpu.memref_slice %arg19[%dma_wait3A_457] : memref<8080xf32, #tpu.memory_space<vmem_shared>> -> memref<8080xf32, #tpu.memory_space<vmem_shared>>
          tpu.wait_indirect_dma semaphore(%arg27 : memref<!tpu.dma_semaphore, #tpu.memory_space<semaphore_mem>>) src(%arg15 : memref<64xf32, #tpu.memory_space<vmem>>) dst(%dma_wait3A_458 : memref<8080xf32, #tpu.memory_space<vmem_shared>>)
        } else {
        }
        %mul3A_141 = arith.constant 64 : i32
        %mul3A_142 = arith.muli %add3A_135, %mul3A_141 : i32
        %add3A_143 = arith.constant 0 : i32
        %add3A_144 = arith.addi %mul3A_142, %add3A_143 : i32
        %add3A_145 = arith.constant 0 : i32
        %add3A_146 = arith.addi %mul3A_142, %add3A_145 : i32
        %add3A_147 = vector.broadcast %add3A_146 : i32 to vector<16xi32>
        %add3A_148 = arith.addi %add3A_147, %iota3A : vector<16xi32>
        %lt3A = vector.broadcast %scan3A_55 : i32 to vector<16xi32>
        %lt3A_149 = arith.cmpi slt, %add3A_148, %lt3A : vector<16xi32>
        %get3A = arith.index_cast %add3A_144 : i32 to index
        %get3A_150 = tpu.vector_load %arg11[%get3A] {strides = array<i32>} : memref<6144xi32, #tpu.memory_space<vmem>>, vector<16xi32>,
        %shift_right_arithmetic3A = arith.constant 13 : i32
        %shift_right_arithmetic3A_151 = vector.broadcast %shift_right_arithmetic3A : i32 to vector<16xi32>
        %shift_right_arithmetic3A_152 = arith.shrsi %get3A_150, %shift_right_arithmetic3A_151 : vector<16xi32>
        %select_n3A_153 = arith.select %lt3A_149, %shift_right_arithmetic3A_152, %broadcast_in_dim3A_47 : vector<16xi1>, vector<16xi32>
        %swap3A = arith.constant 0 : i32
        %swap3A_154 = arith.index_cast %swap3A : i32 to index
        %swap3A_155 = arith.constant 0 : index
        %swap3A_156 = tpu.vector_load %arg12[%swap3A_154, %swap3A_155] {strides = array<i32>} : memref<2x64xi32, #tpu.memory_space<vmem>>, vector<16xi32>,
        tpu.vector_store %arg12[%swap3A_154, %swap3A_155], %select_n3A_153 {strides = array<i32>} : memref<2x64xi32, #tpu.memory_space<vmem>>, vector<16xi32>,
        %and3A_157 = arith.constant 8191 : i32
        %and3A_158 = vector.broadcast %and3A_157 : i32 to vector<16xi32>
        %and3A_159 = arith.andi %get3A_150, %and3A_158 : vector<16xi32>
        %select_n3A_160 = arith.select %lt3A_149, %and3A_159, %broadcast_in_dim3A_49 : vector<16xi1>, vector<16xi32>
        %swap3A_161 = arith.constant 0 : i32
        %swap3A_162 = arith.index_cast %swap3A_161 : i32 to index
        %swap3A_163 = arith.constant 0 : index
        %swap3A_164 = tpu.vector_load %arg13[%swap3A_162, %swap3A_163] {strides = array<i32>} : memref<2x64xi32, #tpu.memory_space<vmem>>, vector<16xi32>,
        tpu.vector_store %arg13[%swap3A_162, %swap3A_163], %select_n3A_160 {strides = array<i32>} : memref<2x64xi32, #tpu.memory_space<vmem>>, vector<16xi32>,
        %add3A_165 = arith.constant 16 : i32
        %add3A_166 = arith.addi %mul3A_142, %add3A_165 : i32
        %add3A_167 = arith.constant 16 : i32
        %add3A_168 = arith.addi %mul3A_142, %add3A_167 : i32
        %add3A_169 = vector.broadcast %add3A_168 : i32 to vector<16xi32>
        %add3A_170 = arith.addi %add3A_169, %iota3A : vector<16xi32>
        %lt3A_171 = vector.broadcast %scan3A_55 : i32 to vector<16xi32>
        %lt3A_172 = arith.cmpi slt, %add3A_170, %lt3A_171 : vector<16xi32>
        %get3A_173 = arith.index_cast %add3A_166 : i32 to index
        %get3A_174 = tpu.vector_load %arg11[%get3A_173] {strides = array<i32>} : memref<6144xi32, #tpu.memory_space<vmem>>, vector<16xi32>,
        %shift_right_arithmetic3A_175 = arith.constant 13 : i32
        %shift_right_arithmetic3A_176 = vector.broadcast %shift_right_arithmetic3A_175 : i32 to vector<16xi32>
        %shift_right_arithmetic3A_177 = arith.shrsi %get3A_174, %shift_right_arithmetic3A_176 : vector<16xi32>
        %select_n3A_178 = arith.select %lt3A_172, %shift_right_arithmetic3A_177, %broadcast_in_dim3A_47 : vector<16xi1>, vector<16xi32>
        %swap3A_179 = arith.constant 0 : i32
        %swap3A_180 = arith.index_cast %swap3A_179 : i32 to index
        %swap3A_181 = arith.constant 16 : index
        %swap3A_182 = tpu.vector_load %arg12[%swap3A_180, %swap3A_181] {strides = array<i32>} : memref<2x64xi32, #tpu.memory_space<vmem>>, vector<16xi32>,
        tpu.vector_store %arg12[%swap3A_180, %swap3A_181], %select_n3A_178 {strides = array<i32>} : memref<2x64xi32, #tpu.memory_space<vmem>>, vector<16xi32>,
        %and3A_183 = arith.constant 8191 : i32
        %and3A_184 = vector.broadcast %and3A_183 : i32 to vector<16xi32>
        %and3A_185 = arith.andi %get3A_174, %and3A_184 : vector<16xi32>
        %select_n3A_186 = arith.select %lt3A_172, %and3A_185, %broadcast_in_dim3A_49 : vector<16xi1>, vector<16xi32>
        %swap3A_187 = arith.constant 0 : i32
        %swap3A_188 = arith.index_cast %swap3A_187 : i32 to index
        %swap3A_189 = arith.constant 16 : index
        %swap3A_190 = tpu.vector_load %arg13[%swap3A_188, %swap3A_189] {strides = array<i32>} : memref<2x64xi32, #tpu.memory_space<vmem>>, vector<16xi32>,
        tpu.vector_store %arg13[%swap3A_188, %swap3A_189], %select_n3A_186 {strides = array<i32>} : memref<2x64xi32, #tpu.memory_space<vmem>>, vector<16xi32>,
        %add3A_191 = arith.constant 32 : i32
        %add3A_192 = arith.addi %mul3A_142, %add3A_191 : i32
        %add3A_193 = arith.constant 32 : i32
        %add3A_194 = arith.addi %mul3A_142, %add3A_193 : i32
        %add3A_195 = vector.broadcast %add3A_194 : i32 to vector<16xi32>
        %add3A_196 = arith.addi %add3A_195, %iota3A : vector<16xi32>
        %lt3A_197 = vector.broadcast %scan3A_55 : i32 to vector<16xi32>
        %lt3A_198 = arith.cmpi slt, %add3A_196, %lt3A_197 : vector<16xi32>
        %get3A_199 = arith.index_cast %add3A_192 : i32 to index
        %get3A_200 = tpu.vector_load %arg11[%get3A_199] {strides = array<i32>} : memref<6144xi32, #tpu.memory_space<vmem>>, vector<16xi32>,
        %shift_right_arithmetic3A_201 = arith.constant 13 : i32
        %shift_right_arithmetic3A_202 = vector.broadcast %shift_right_arithmetic3A_201 : i32 to vector<16xi32>
        %shift_right_arithmetic3A_203 = arith.shrsi %get3A_200, %shift_right_arithmetic3A_202 : vector<16xi32>
        %select_n3A_204 = arith.select %lt3A_198, %shift_right_arithmetic3A_203, %broadcast_in_dim3A_47 : vector<16xi1>, vector<16xi32>
        %swap3A_205 = arith.constant 0 : i32
        %swap3A_206 = arith.index_cast %swap3A_205 : i32 to index
        %swap3A_207 = arith.constant 32 : index
        %swap3A_208 = tpu.vector_load %arg12[%swap3A_206, %swap3A_207] {strides = array<i32>} : memref<2x64xi32, #tpu.memory_space<vmem>>, vector<16xi32>,
        tpu.vector_store %arg12[%swap3A_206, %swap3A_207], %select_n3A_204 {strides = array<i32>} : memref<2x64xi32, #tpu.memory_space<vmem>>, vector<16xi32>,
        %and3A_209 = arith.constant 8191 : i32
        %and3A_210 = vector.broadcast %and3A_209 : i32 to vector<16xi32>
        %and3A_211 = arith.andi %get3A_200, %and3A_210 : vector<16xi32>
        %select_n3A_212 = arith.select %lt3A_198, %and3A_211, %broadcast_in_dim3A_49 : vector<16xi1>, vector<16xi32>
        %swap3A_213 = arith.constant 0 : i32
        %swap3A_214 = arith.index_cast %swap3A_213 : i32 to index
        %swap3A_215 = arith.constant 32 : index
        %swap3A_216 = tpu.vector_load %arg13[%swap3A_214, %swap3A_215] {strides = array<i32>} : memref<2x64xi32, #tpu.memory_space<vmem>>, vector<16xi32>,
        tpu.vector_store %arg13[%swap3A_214, %swap3A_215], %select_n3A_212 {strides = array<i32>} : memref<2x64xi32, #tpu.memory_space<vmem>>, vector<16xi32>,
        %add3A_217 = arith.constant 48 : i32
        %add3A_218 = arith.addi %mul3A_142, %add3A_217 : i32
        %add3A_219 = arith.constant 48 : i32
        %add3A_220 = arith.addi %mul3A_142, %add3A_219 : i32
        %add3A_221 = vector.broadcast %add3A_220 : i32 to vector<16xi32>
        %add3A_222 = arith.addi %add3A_221, %iota3A : vector<16xi32>
        %lt3A_223 = vector.broadcast %scan3A_55 : i32 to vector<16xi32>
        %lt3A_224 = arith.cmpi slt, %add3A_222, %lt3A_223 : vector<16xi32>
        %get3A_225 = arith.index_cast %add3A_218 : i32 to index
        %get3A_226 = tpu.vector_load %arg11[%get3A_225] {strides = array<i32>} : memref<6144xi32, #tpu.memory_space<vmem>>, vector<16xi32>,
        %shift_right_arithmetic3A_227 = arith.constant 13 : i32
        %shift_right_arithmetic3A_228 = vector.broadcast %shift_right_arithmetic3A_227 : i32 to vector<16xi32>
        %shift_right_arithmetic3A_229 = arith.shrsi %get3A_226, %shift_right_arithmetic3A_228 : vector<16xi32>
        %select_n3A_230 = arith.select %lt3A_224, %shift_right_arithmetic3A_229, %broadcast_in_dim3A_47 : vector<16xi1>, vector<16xi32>
        %swap3A_231 = arith.constant 0 : i32
        %swap3A_232 = arith.index_cast %swap3A_231 : i32 to index
        %swap3A_233 = arith.constant 48 : index
        %swap3A_234 = tpu.vector_load %arg12[%swap3A_232, %swap3A_233] {strides = array<i32>} : memref<2x64xi32, #tpu.memory_space<vmem>>, vector<16xi32>,
        tpu.vector_store %arg12[%swap3A_232, %swap3A_233], %select_n3A_230 {strides = array<i32>} : memref<2x64xi32, #tpu.memory_space<vmem>>, vector<16xi32>,
        %and3A_235 = arith.constant 8191 : i32
        %and3A_236 = vector.broadcast %and3A_235 : i32 to vector<16xi32>
        %and3A_237 = arith.andi %get3A_226, %and3A_236 : vector<16xi32>
        %select_n3A_238 = arith.select %lt3A_224, %and3A_237, %broadcast_in_dim3A_49 : vector<16xi1>, vector<16xi32>
        %swap3A_239 = arith.constant 0 : i32
        %swap3A_240 = arith.index_cast %swap3A_239 : i32 to index
        %swap3A_241 = arith.constant 48 : index
        %swap3A_242 = tpu.vector_load %arg13[%swap3A_240, %swap3A_241] {strides = array<i32>} : memref<2x64xi32, #tpu.memory_space<vmem>>, vector<16xi32>,
        tpu.vector_store %arg13[%swap3A_240, %swap3A_241], %select_n3A_238 {strides = array<i32>} : memref<2x64xi32, #tpu.memory_space<vmem>>, vector<16xi32>,
        %dma_start3A = arith.constant 0 : i32
        %dma_start3A_243 = arith.constant 0 : i32
        %dma_start3A_244 = arith.constant 0 : i32
        %dma_start3A_245 = arith.constant 0 : i32
        %dma_start3A_246 = tpu.memref_slice %arg14[%dma_start3A_243, %dma_start3A_244, %dma_start3A_245] : memref<2x64x128xf32, #tpu.memory_space<vmem>> -> memref<1x64x128xf32, #tpu.memory_space<vmem>>
        %dma_start3A_247 = tpu.memref_squeeze %dma_start3A_246 : memref<1x64x128xf32, #tpu.memory_space<vmem>> -> memref<64x128xf32, #tpu.memory_space<vmem>>
        %dma_start3A_248 = arith.constant 0 : i32
        %dma_start3A_249 = tpu.memref_slice %arg12[%dma_start3A, %dma_start3A_248] : memref<2x64xi32, #tpu.memory_space<vmem>> -> memref<1x64xi32, #tpu.memory_space<vmem>>
        %dma_start3A_250 = tpu.memref_squeeze %dma_start3A_249 : memref<1x64xi32, #tpu.memory_space<vmem>> -> memref<64xi32, #tpu.memory_space<vmem>>
        %dma_start3A_251 = arith.constant 0 : i32
        %dma_start3A_252 = arith.constant 0 : i32
        %dma_start3A_253 = tpu.memref_slice %arg2[%dma_start3A_251, %dma_start3A_252] : memref<10000x128xf32, #tpu.memory_space<hbm>> -> memref<10000x128xf32, #tpu.memory_space<hbm>>
        tpu.enqueue_indirect_dma source(%dma_start3A_253 : memref<10000x128xf32, #tpu.memory_space<hbm>>) target(%dma_start3A_247 : memref<64x128xf32, #tpu.memory_space<vmem>>) offsets(%dma_start3A_250 : memref<64xi32, #tpu.memory_space<vmem>>) semaphore(%arg23 : memref<!tpu.dma_semaphore, #tpu.memory_space<semaphore_mem>>)
        %mul3A_254 = arith.constant 2 : i32
        %mul3A_255 = arith.muli %mul3A_254, %while3A_130 : i32
        %add3A_256 = arith.constant 1 : i32
        %add3A_257 = arith.addi %mul3A_255, %add3A_256 : i32
        %gt3A_258 = arith.constant 0 : i32
        %gt3A_259 = arith.cmpi sgt, %while3A_130, %gt3A_258 : i32
        %convert_element_type3A_260 = arith.extui %gt3A_259 : i1 to i32
        %cond3A_261 = arith.constant 0 : i32
        %cond3A_262 = arith.cmpi ne, %convert_element_type3A_260, %cond3A_261 : i32
        scf.if %cond3A_262 {
          %dma_wait3A_441 = arith.constant 1 : i32
          %dma_wait3A_442 = arith.constant 1 : i32
          %dma_wait3A_443 = arith.constant 0 : i32
          %dma_wait3A_444 = arith.constant 0 : i32
          %dma_wait3A_445 = tpu.memref_slice %arg14[%dma_wait3A_441, %dma_wait3A_443, %dma_wait3A_444] : memref<2x64x128xf32, #tpu.memory_space<vmem>> -> memref<1x64x128xf32, #tpu.memory_space<vmem>>
          %dma_wait3A_446 = tpu.memref_squeeze %dma_wait3A_445 : memref<1x64x128xf32, #tpu.memory_space<vmem>> -> memref<64x128xf32, #tpu.memory_space<vmem>>
          %dma_wait3A_447 = arith.constant 0 : i32
          %dma_wait3A_448 = tpu.memref_slice %arg13[%dma_wait3A_442, %dma_wait3A_447] : memref<2x64xi32, #tpu.memory_space<vmem>> -> memref<1x64xi32, #tpu.memory_space<vmem>>
          %dma_wait3A_449 = tpu.memref_squeeze %dma_wait3A_448 : memref<1x64xi32, #tpu.memory_space<vmem>> -> memref<64xi32, #tpu.memory_space<vmem>>
          %dma_wait3A_450 = arith.constant 0 : i32
          %dma_wait3A_451 = arith.constant 0 : i32
          %dma_wait3A_452 = tpu.memref_slice %arg18[%dma_wait3A_450, %dma_wait3A_451] : memref<8080x128xf32, #tpu.memory_space<vmem_shared>> -> memref<8080x128xf32, #tpu.memory_space<vmem_shared>>
          tpu.wait_indirect_dma semaphore(%arg26 : memref<!tpu.dma_semaphore, #tpu.memory_space<semaphore_mem>>) src(%dma_wait3A_446 : memref<64x128xf32, #tpu.memory_space<vmem>>) dst(%dma_wait3A_452 : memref<8080x128xf32, #tpu.memory_space<vmem_shared>>)
          %dma_wait3A_453 = arith.constant 1 : i32
          %dma_wait3A_454 = arith.constant 0 : i32
          %dma_wait3A_455 = tpu.memref_slice %arg13[%dma_wait3A_453, %dma_wait3A_454] : memref<2x64xi32, #tpu.memory_space<vmem>> -> memref<1x64xi32, #tpu.memory_space<vmem>>
          %dma_wait3A_456 = tpu.memref_squeeze %dma_wait3A_455 : memref<1x64xi32, #tpu.memory_space<vmem>> -> memref<64xi32, #tpu.memory_space<vmem>>
          %dma_wait3A_457 = arith.constant 0 : i32
          %dma_wait3A_458 = tpu.memref_slice %arg19[%dma_wait3A_457] : memref<8080xf32, #tpu.memory_space<vmem_shared>> -> memref<8080xf32, #tpu.memory_space<vmem_shared>>
          tpu.wait_indirect_dma semaphore(%arg28 : memref<!tpu.dma_semaphore, #tpu.memory_space<semaphore_mem>>) src(%arg15 : memref<64xf32, #tpu.memory_space<vmem>>) dst(%dma_wait3A_458 : memref<8080xf32, #tpu.memory_space<vmem_shared>>)
        } else {
        }
        %mul3A_263 = arith.constant 64 : i32
        %mul3A_264 = arith.muli %add3A_257, %mul3A_263 : i32
        %add3A_265 = arith.constant 0 : i32
        %add3A_266 = arith.addi %mul3A_264, %add3A_265 : i32
        %add3A_267 = arith.constant 0 : i32
        %add3A_268 = arith.addi %mul3A_264, %add3A_267 : i32
        %add3A_269 = vector.broadcast %add3A_268 : i32 to vector<16xi32>
        %add3A_270 = arith.addi %add3A_269, %iota3A : vector<16xi32>
        %lt3A_271 = vector.broadcast %scan3A_55 : i32 to vector<16xi32>
        %lt3A_272 = arith.cmpi slt, %add3A_270, %lt3A_271 : vector<16xi32>
        %get3A_273 = arith.index_cast %add3A_266 : i32 to index
        %get3A_274 = tpu.vector_load %arg11[%get3A_273] {strides = array<i32>} : memref<6144xi32, #tpu.memory_space<vmem>>, vector<16xi32>,
        %shift_right_arithmetic3A_275 = arith.constant 13 : i32
        %shift_right_arithmetic3A_276 = vector.broadcast %shift_right_arithmetic3A_275 : i32 to vector<16xi32>
        %shift_right_arithmetic3A_277 = arith.shrsi %get3A_274, %shift_right_arithmetic3A_276 : vector<16xi32>
        %select_n3A_278 = arith.select %lt3A_272, %shift_right_arithmetic3A_277, %broadcast_in_dim3A_47 : vector<16xi1>, vector<16xi32>
        %swap3A_279 = arith.constant 1 : i32
        %swap3A_280 = arith.index_cast %swap3A_279 : i32 to index
        %swap3A_281 = arith.constant 0 : index
        %swap3A_282 = tpu.vector_load %arg12[%swap3A_280, %swap3A_281] {strides = array<i32>} : memref<2x64xi32, #tpu.memory_space<vmem>>, vector<16xi32>,
        tpu.vector_store %arg12[%swap3A_280, %swap3A_281], %select_n3A_278 {strides = array<i32>} : memref<2x64xi32, #tpu.memory_space<vmem>>, vector<16xi32>,
        %and3A_283 = arith.constant 8191 : i32
        %and3A_284 = vector.broadcast %and3A_283 : i32 to vector<16xi32>
        %and3A_285 = arith.andi %get3A_274, %and3A_284 : vector<16xi32>
        %select_n3A_286 = arith.select %lt3A_272, %and3A_285, %broadcast_in_dim3A_49 : vector<16xi1>, vector<16xi32>
        %swap3A_287 = arith.constant 1 : i32
        %swap3A_288 = arith.index_cast %swap3A_287 : i32 to index
        %swap3A_289 = arith.constant 0 : index
        %swap3A_290 = tpu.vector_load %arg13[%swap3A_288, %swap3A_289] {strides = array<i32>} : memref<2x64xi32, #tpu.memory_space<vmem>>, vector<16xi32>,
        tpu.vector_store %arg13[%swap3A_288, %swap3A_289], %select_n3A_286 {strides = array<i32>} : memref<2x64xi32, #tpu.memory_space<vmem>>, vector<16xi32>,
        %add3A_291 = arith.constant 16 : i32
        %add3A_292 = arith.addi %mul3A_264, %add3A_291 : i32
        %add3A_293 = arith.constant 16 : i32
        %add3A_294 = arith.addi %mul3A_264, %add3A_293 : i32
        %add3A_295 = vector.broadcast %add3A_294 : i32 to vector<16xi32>
        %add3A_296 = arith.addi %add3A_295, %iota3A : vector<16xi32>
        %lt3A_297 = vector.broadcast %scan3A_55 : i32 to vector<16xi32>
        %lt3A_298 = arith.cmpi slt, %add3A_296, %lt3A_297 : vector<16xi32>
        %get3A_299 = arith.index_cast %add3A_292 : i32 to index
        %get3A_300 = tpu.vector_load %arg11[%get3A_299] {strides = array<i32>} : memref<6144xi32, #tpu.memory_space<vmem>>, vector<16xi32>,
        %shift_right_arithmetic3A_301 = arith.constant 13 : i32
        %shift_right_arithmetic3A_302 = vector.broadcast %shift_right_arithmetic3A_301 : i32 to vector<16xi32>
        %shift_right_arithmetic3A_303 = arith.shrsi %get3A_300, %shift_right_arithmetic3A_302 : vector<16xi32>
        %select_n3A_304 = arith.select %lt3A_298, %shift_right_arithmetic3A_303, %broadcast_in_dim3A_47 : vector<16xi1>, vector<16xi32>
        %swap3A_305 = arith.constant 1 : i32
        %swap3A_306 = arith.index_cast %swap3A_305 : i32 to index
        %swap3A_307 = arith.constant 16 : index
        %swap3A_308 = tpu.vector_load %arg12[%swap3A_306, %swap3A_307] {strides = array<i32>} : memref<2x64xi32, #tpu.memory_space<vmem>>, vector<16xi32>,
        tpu.vector_store %arg12[%swap3A_306, %swap3A_307], %select_n3A_304 {strides = array<i32>} : memref<2x64xi32, #tpu.memory_space<vmem>>, vector<16xi32>,
        %and3A_309 = arith.constant 8191 : i32
        %and3A_310 = vector.broadcast %and3A_309 : i32 to vector<16xi32>
        %and3A_311 = arith.andi %get3A_300, %and3A_310 : vector<16xi32>
        %select_n3A_312 = arith.select %lt3A_298, %and3A_311, %broadcast_in_dim3A_49 : vector<16xi1>, vector<16xi32>
        %swap3A_313 = arith.constant 1 : i32
        %swap3A_314 = arith.index_cast %swap3A_313 : i32 to index
        %swap3A_315 = arith.constant 16 : index
        %swap3A_316 = tpu.vector_load %arg13[%swap3A_314, %swap3A_315] {strides = array<i32>} : memref<2x64xi32, #tpu.memory_space<vmem>>, vector<16xi32>,
        tpu.vector_store %arg13[%swap3A_314, %swap3A_315], %select_n3A_312 {strides = array<i32>} : memref<2x64xi32, #tpu.memory_space<vmem>>, vector<16xi32>,
        %add3A_317 = arith.constant 32 : i32
        %add3A_318 = arith.addi %mul3A_264, %add3A_317 : i32
        %add3A_319 = arith.constant 32 : i32
        %add3A_320 = arith.addi %mul3A_264, %add3A_319 : i32
        %add3A_321 = vector.broadcast %add3A_320 : i32 to vector<16xi32>
        %add3A_322 = arith.addi %add3A_321, %iota3A : vector<16xi32>
        %lt3A_323 = vector.broadcast %scan3A_55 : i32 to vector<16xi32>
        %lt3A_324 = arith.cmpi slt, %add3A_322, %lt3A_323 : vector<16xi32>
        %get3A_325 = arith.index_cast %add3A_318 : i32 to index
        %get3A_326 = tpu.vector_load %arg11[%get3A_325] {strides = array<i32>} : memref<6144xi32, #tpu.memory_space<vmem>>, vector<16xi32>,
        %shift_right_arithmetic3A_327 = arith.constant 13 : i32
        %shift_right_arithmetic3A_328 = vector.broadcast %shift_right_arithmetic3A_327 : i32 to vector<16xi32>
        %shift_right_arithmetic3A_329 = arith.shrsi %get3A_326, %shift_right_arithmetic3A_328 : vector<16xi32>
        %select_n3A_330 = arith.select %lt3A_324, %shift_right_arithmetic3A_329, %broadcast_in_dim3A_47 : vector<16xi1>, vector<16xi32>
        %swap3A_331 = arith.constant 1 : i32
        %swap3A_332 = arith.index_cast %swap3A_331 : i32 to index
        %swap3A_333 = arith.constant 32 : index
        %swap3A_334 = tpu.vector_load %arg12[%swap3A_332, %swap3A_333] {strides = array<i32>} : memref<2x64xi32, #tpu.memory_space<vmem>>, vector<16xi32>,
        tpu.vector_store %arg12[%swap3A_332, %swap3A_333], %select_n3A_330 {strides = array<i32>} : memref<2x64xi32, #tpu.memory_space<vmem>>, vector<16xi32>,
        %and3A_335 = arith.constant 8191 : i32
        %and3A_336 = vector.broadcast %and3A_335 : i32 to vector<16xi32>
        %and3A_337 = arith.andi %get3A_326, %and3A_336 : vector<16xi32>
        %select_n3A_338 = arith.select %lt3A_324, %and3A_337, %broadcast_in_dim3A_49 : vector<16xi1>, vector<16xi32>
        %swap3A_339 = arith.constant 1 : i32
        %swap3A_340 = arith.index_cast %swap3A_339 : i32 to index
        %swap3A_341 = arith.constant 32 : index
        %swap3A_342 = tpu.vector_load %arg13[%swap3A_340, %swap3A_341] {strides = array<i32>} : memref<2x64xi32, #tpu.memory_space<vmem>>, vector<16xi32>,
        tpu.vector_store %arg13[%swap3A_340, %swap3A_341], %select_n3A_338 {strides = array<i32>} : memref<2x64xi32, #tpu.memory_space<vmem>>, vector<16xi32>,
        %add3A_343 = arith.constant 48 : i32
        %add3A_344 = arith.addi %mul3A_264, %add3A_343 : i32
        %add3A_345 = arith.constant 48 : i32
        %add3A_346 = arith.addi %mul3A_264, %add3A_345 : i32
        %add3A_347 = vector.broadcast %add3A_346 : i32 to vector<16xi32>
        %add3A_348 = arith.addi %add3A_347, %iota3A : vector<16xi32>
        %lt3A_349 = vector.broadcast %scan3A_55 : i32 to vector<16xi32>
        %lt3A_350 = arith.cmpi slt, %add3A_348, %lt3A_349 : vector<16xi32>
        %get3A_351 = arith.index_cast %add3A_344 : i32 to index
        %get3A_352 = tpu.vector_load %arg11[%get3A_351] {strides = array<i32>} : memref<6144xi32, #tpu.memory_space<vmem>>, vector<16xi32>,
        %shift_right_arithmetic3A_353 = arith.constant 13 : i32
        %shift_right_arithmetic3A_354 = vector.broadcast %shift_right_arithmetic3A_353 : i32 to vector<16xi32>
        %shift_right_arithmetic3A_355 = arith.shrsi %get3A_352, %shift_right_arithmetic3A_354 : vector<16xi32>
        %select_n3A_356 = arith.select %lt3A_350, %shift_right_arithmetic3A_355, %broadcast_in_dim3A_47 : vector<16xi1>, vector<16xi32>
        %swap3A_357 = arith.constant 1 : i32
        %swap3A_358 = arith.index_cast %swap3A_357 : i32 to index
        %swap3A_359 = arith.constant 48 : index
        %swap3A_360 = tpu.vector_load %arg12[%swap3A_358, %swap3A_359] {strides = array<i32>} : memref<2x64xi32, #tpu.memory_space<vmem>>, vector<16xi32>,
        tpu.vector_store %arg12[%swap3A_358, %swap3A_359], %select_n3A_356 {strides = array<i32>} : memref<2x64xi32, #tpu.memory_space<vmem>>, vector<16xi32>,
        %and3A_361 = arith.constant 8191 : i32
        %and3A_362 = vector.broadcast %and3A_361 : i32 to vector<16xi32>
        %and3A_363 = arith.andi %get3A_352, %and3A_362 : vector<16xi32>
        %select_n3A_364 = arith.select %lt3A_350, %and3A_363, %broadcast_in_dim3A_49 : vector<16xi1>, vector<16xi32>
        %swap3A_365 = arith.constant 1 : i32
        %swap3A_366 = arith.index_cast %swap3A_365 : i32 to index
        %swap3A_367 = arith.constant 48 : index
        %swap3A_368 = tpu.vector_load %arg13[%swap3A_366, %swap3A_367] {strides = array<i32>} : memref<2x64xi32, #tpu.memory_space<vmem>>, vector<16xi32>,
        tpu.vector_store %arg13[%swap3A_366, %swap3A_367], %select_n3A_364 {strides = array<i32>} : memref<2x64xi32, #tpu.memory_space<vmem>>, vector<16xi32>,
        %dma_start3A_369 = arith.constant 1 : i32
        %dma_start3A_370 = arith.constant 1 : i32
        %dma_start3A_371 = arith.constant 0 : i32
        %dma_start3A_372 = arith.constant 0 : i32
        %dma_start3A_373 = tpu.memref_slice %arg14[%dma_start3A_370, %dma_start3A_371, %dma_start3A_372] : memref<2x64x128xf32, #tpu.memory_space<vmem>> -> memref<1x64x128xf32, #tpu.memory_space<vmem>>
        %dma_start3A_374 = tpu.memref_squeeze %dma_start3A_373 : memref<1x64x128xf32, #tpu.memory_space<vmem>> -> memref<64x128xf32, #tpu.memory_space<vmem>>
        %dma_start3A_375 = arith.constant 0 : i32
        %dma_start3A_376 = tpu.memref_slice %arg12[%dma_start3A_369, %dma_start3A_375] : memref<2x64xi32, #tpu.memory_space<vmem>> -> memref<1x64xi32, #tpu.memory_space<vmem>>
        %dma_start3A_377 = tpu.memref_squeeze %dma_start3A_376 : memref<1x64xi32, #tpu.memory_space<vmem>> -> memref<64xi32, #tpu.memory_space<vmem>>
        %dma_start3A_378 = arith.constant 0 : i32
        %dma_start3A_379 = arith.constant 0 : i32
        %dma_start3A_380 = tpu.memref_slice %arg2[%dma_start3A_378, %dma_start3A_379] : memref<10000x128xf32, #tpu.memory_space<hbm>> -> memref<10000x128xf32, #tpu.memory_space<hbm>>
        tpu.enqueue_indirect_dma source(%dma_start3A_380 : memref<10000x128xf32, #tpu.memory_space<hbm>>) target(%dma_start3A_374 : memref<64x128xf32, #tpu.memory_space<vmem>>) offsets(%dma_start3A_377 : memref<64xi32, #tpu.memory_space<vmem>>) semaphore(%arg24 : memref<!tpu.dma_semaphore, #tpu.memory_space<semaphore_mem>>)
        %dma_wait3A = arith.constant 0 : i32
        %dma_wait3A_381 = arith.constant 0 : i32
        %dma_wait3A_382 = arith.constant 0 : i32
        %dma_wait3A_383 = arith.constant 0 : i32
        %dma_wait3A_384 = tpu.memref_slice %arg14[%dma_wait3A_381, %dma_wait3A_382, %dma_wait3A_383] : memref<2x64x128xf32, #tpu.memory_space<vmem>> -> memref<1x64x128xf32, #tpu.memory_space<vmem>>
        %dma_wait3A_385 = tpu.memref_squeeze %dma_wait3A_384 : memref<1x64x128xf32, #tpu.memory_space<vmem>> -> memref<64x128xf32, #tpu.memory_space<vmem>>
        %dma_wait3A_386 = arith.constant 0 : i32
        %dma_wait3A_387 = tpu.memref_slice %arg12[%dma_wait3A, %dma_wait3A_386] : memref<2x64xi32, #tpu.memory_space<vmem>> -> memref<1x64xi32, #tpu.memory_space<vmem>>
        %dma_wait3A_388 = tpu.memref_squeeze %dma_wait3A_387 : memref<1x64xi32, #tpu.memory_space<vmem>> -> memref<64xi32, #tpu.memory_space<vmem>>
        %dma_wait3A_389 = arith.constant 0 : i32
        %dma_wait3A_390 = arith.constant 0 : i32
        %dma_wait3A_391 = tpu.memref_slice %arg2[%dma_wait3A_389, %dma_wait3A_390] : memref<10000x128xf32, #tpu.memory_space<hbm>> -> memref<10000x128xf32, #tpu.memory_space<hbm>>
        tpu.wait_indirect_dma semaphore(%arg23 : memref<!tpu.dma_semaphore, #tpu.memory_space<semaphore_mem>>) src(%dma_wait3A_391 : memref<10000x128xf32, #tpu.memory_space<hbm>>) dst(%dma_wait3A_385 : memref<64x128xf32, #tpu.memory_space<vmem>>)
        %dma_start3A_392 = arith.constant 0 : i32
        %dma_start3A_393 = arith.constant 0 : i32
        %dma_start3A_394 = arith.constant 0 : i32
        %dma_start3A_395 = arith.constant 0 : i32
        %dma_start3A_396 = tpu.memref_slice %arg14[%dma_start3A_392, %dma_start3A_394, %dma_start3A_395] : memref<2x64x128xf32, #tpu.memory_space<vmem>> -> memref<1x64x128xf32, #tpu.memory_space<vmem>>
        %dma_start3A_397 = tpu.memref_squeeze %dma_start3A_396 : memref<1x64x128xf32, #tpu.memory_space<vmem>> -> memref<64x128xf32, #tpu.memory_space<vmem>>
        %dma_start3A_398 = arith.constant 0 : i32
        %dma_start3A_399 = tpu.memref_slice %arg13[%dma_start3A_393, %dma_start3A_398] : memref<2x64xi32, #tpu.memory_space<vmem>> -> memref<1x64xi32, #tpu.memory_space<vmem>>
        %dma_start3A_400 = tpu.memref_squeeze %dma_start3A_399 : memref<1x64xi32, #tpu.memory_space<vmem>> -> memref<64xi32, #tpu.memory_space<vmem>>
        %dma_start3A_401 = arith.constant 0 : i32
        %dma_start3A_402 = arith.constant 0 : i32
        %dma_start3A_403 = tpu.memref_slice %arg18[%dma_start3A_401, %dma_start3A_402] : memref<8080x128xf32, #tpu.memory_space<vmem_shared>> -> memref<8080x128xf32, #tpu.memory_space<vmem_shared>>
        tpu.enqueue_indirect_dma source(%dma_start3A_397 : memref<64x128xf32, #tpu.memory_space<vmem>>) target(%dma_start3A_403 : memref<8080x128xf32, #tpu.memory_space<vmem_shared>>) offsets(%dma_start3A_400 : memref<64xi32, #tpu.memory_space<vmem>>) semaphore(%arg25 : memref<!tpu.dma_semaphore, #tpu.memory_space<semaphore_mem>>) {add = true}
        %dma_start3A_404 = arith.constant 0 : i32
        %dma_start3A_405 = arith.constant 0 : i32
        %dma_start3A_406 = tpu.memref_slice %arg13[%dma_start3A_404, %dma_start3A_405] : memref<2x64xi32, #tpu.memory_space<vmem>> -> memref<1x64xi32, #tpu.memory_space<vmem>>
        %dma_start3A_407 = tpu.memref_squeeze %dma_start3A_406 : memref<1x64xi32, #tpu.memory_space<vmem>> -> memref<64xi32, #tpu.memory_space<vmem>>
        %dma_start3A_408 = arith.constant 0 : i32
        %dma_start3A_409 = tpu.memref_slice %arg19[%dma_start3A_408] : memref<8080xf32, #tpu.memory_space<vmem_shared>> -> memref<8080xf32, #tpu.memory_space<vmem_shared>>
        tpu.enqueue_indirect_dma source(%arg15 : memref<64xf32, #tpu.memory_space<vmem>>) target(%dma_start3A_409 : memref<8080xf32, #tpu.memory_space<vmem_shared>>) offsets(%dma_start3A_407 : memref<64xi32, #tpu.memory_space<vmem>>) semaphore(%arg27 : memref<!tpu.dma_semaphore, #tpu.memory_space<semaphore_mem>>) {add = true}
        %dma_wait3A_410 = arith.constant 1 : i32
        %dma_wait3A_411 = arith.constant 1 : i32
        %dma_wait3A_412 = arith.constant 0 : i32
        %dma_wait3A_413 = arith.constant 0 : i32
        %dma_wait3A_414 = tpu.memref_slice %arg14[%dma_wait3A_411, %dma_wait3A_412, %dma_wait3A_413] : memref<2x64x128xf32, #tpu.memory_space<vmem>> -> memref<1x64x128xf32, #tpu.memory_space<vmem>>
        %dma_wait3A_415 = tpu.memref_squeeze %dma_wait3A_414 : memref<1x64x128xf32, #tpu.memory_space<vmem>> -> memref<64x128xf32, #tpu.memory_space<vmem>>
        %dma_wait3A_416 = arith.constant 0 : i32
        %dma_wait3A_417 = tpu.memref_slice %arg12[%dma_wait3A_410, %dma_wait3A_416] : memref<2x64xi32, #tpu.memory_space<vmem>> -> memref<1x64xi32, #tpu.memory_space<vmem>>
        %dma_wait3A_418 = tpu.memref_squeeze %dma_wait3A_417 : memref<1x64xi32, #tpu.memory_space<vmem>> -> memref<64xi32, #tpu.memory_space<vmem>>
        %dma_wait3A_419 = arith.constant 0 : i32
        %dma_wait3A_420 = arith.constant 0 : i32
        %dma_wait3A_421 = tpu.memref_slice %arg2[%dma_wait3A_419, %dma_wait3A_420] : memref<10000x128xf32, #tpu.memory_space<hbm>> -> memref<10000x128xf32, #tpu.memory_space<hbm>>
        tpu.wait_indirect_dma semaphore(%arg24 : memref<!tpu.dma_semaphore, #tpu.memory_space<semaphore_mem>>) src(%dma_wait3A_421 : memref<10000x128xf32, #tpu.memory_space<hbm>>) dst(%dma_wait3A_415 : memref<64x128xf32, #tpu.memory_space<vmem>>)
        %dma_start3A_422 = arith.constant 1 : i32
        %dma_start3A_423 = arith.constant 1 : i32
        %dma_start3A_424 = arith.constant 0 : i32
        %dma_start3A_425 = arith.constant 0 : i32
        %dma_start3A_426 = tpu.memref_slice %arg14[%dma_start3A_422, %dma_start3A_424, %dma_start3A_425] : memref<2x64x128xf32, #tpu.memory_space<vmem>> -> memref<1x64x128xf32, #tpu.memory_space<vmem>>
        %dma_start3A_427 = tpu.memref_squeeze %dma_start3A_426 : memref<1x64x128xf32, #tpu.memory_space<vmem>> -> memref<64x128xf32, #tpu.memory_space<vmem>>
        %dma_start3A_428 = arith.constant 0 : i32
        %dma_start3A_429 = tpu.memref_slice %arg13[%dma_start3A_423, %dma_start3A_428] : memref<2x64xi32, #tpu.memory_space<vmem>> -> memref<1x64xi32, #tpu.memory_space<vmem>>
        %dma_start3A_430 = tpu.memref_squeeze %dma_start3A_429 : memref<1x64xi32, #tpu.memory_space<vmem>> -> memref<64xi32, #tpu.memory_space<vmem>>
        %dma_start3A_431 = arith.constant 0 : i32
        %dma_start3A_432 = arith.constant 0 : i32
        %dma_start3A_433 = tpu.memref_slice %arg18[%dma_start3A_431, %dma_start3A_432] : memref<8080x128xf32, #tpu.memory_space<vmem_shared>> -> memref<8080x128xf32, #tpu.memory_space<vmem_shared>>
        tpu.enqueue_indirect_dma source(%dma_start3A_427 : memref<64x128xf32, #tpu.memory_space<vmem>>) target(%dma_start3A_433 : memref<8080x128xf32, #tpu.memory_space<vmem_shared>>) offsets(%dma_start3A_430 : memref<64xi32, #tpu.memory_space<vmem>>) semaphore(%arg26 : memref<!tpu.dma_semaphore, #tpu.memory_space<semaphore_mem>>) {add = true}
        %dma_start3A_434 = arith.constant 1 : i32
        %dma_start3A_435 = arith.constant 0 : i32
        %dma_start3A_436 = tpu.memref_slice %arg13[%dma_start3A_434, %dma_start3A_435] : memref<2x64xi32, #tpu.memory_space<vmem>> -> memref<1x64xi32, #tpu.memory_space<vmem>>
        %dma_start3A_437 = tpu.memref_squeeze %dma_start3A_436 : memref<1x64xi32, #tpu.memory_space<vmem>> -> memref<64xi32, #tpu.memory_space<vmem>>
        %dma_start3A_438 = arith.constant 0 : i32
        %dma_start3A_439 = tpu.memref_slice %arg19[%dma_start3A_438] : memref<8080xf32, #tpu.memory_space<vmem_shared>> -> memref<8080xf32, #tpu.memory_space<vmem_shared>>
        tpu.enqueue_indirect_dma source(%arg15 : memref<64xf32, #tpu.memory_space<vmem>>) target(%dma_start3A_439 : memref<8080xf32, #tpu.memory_space<vmem_shared>>) offsets(%dma_start3A_437 : memref<64xi32, #tpu.memory_space<vmem>>) semaphore(%arg28 : memref<!tpu.dma_semaphore, #tpu.memory_space<semaphore_mem>>) {add = true}
        %while3A_440 = arith.constant 0 : i32
        scf.yield %while3A_440 : i32
      }
      %while3A_112 = arith.constant 1 : i32
      %while3A_113 = scf.for %while3A_130 = %while3A_109 to %while3A_105 step %while3A_112 iter_args(%while3A_131 = %while3A_111) -> (i32)  : i32 {
        %mul3A_132 = arith.constant 2 : i32
        %mul3A_133 = arith.muli %mul3A_132, %while3A_130 : i32
        %add3A_134 = arith.constant 0 : i32
        %add3A_135 = arith.addi %mul3A_133, %add3A_134 : i32
        %gt3A_136 = arith.constant 0 : i32
        %gt3A_137 = arith.cmpi sgt, %while3A_130, %gt3A_136 : i32
        %convert_element_type3A_138 = arith.extui %gt3A_137 : i1 to i32
        %cond3A_139 = arith.constant 0 : i32
        %cond3A_140 = arith.cmpi ne, %convert_element_type3A_138, %cond3A_139 : i32
        scf.if %cond3A_140 {
          %dma_wait3A_441 = arith.constant 0 : i32
          %dma_wait3A_442 = arith.constant 0 : i32
          %dma_wait3A_443 = arith.constant 0 : i32
          %dma_wait3A_444 = arith.constant 0 : i32
          %dma_wait3A_445 = tpu.memref_slice %arg14[%dma_wait3A_441, %dma_wait3A_443, %dma_wait3A_444] : memref<2x64x128xf32, #tpu.memory_space<vmem>> -> memref<1x64x128xf32, #tpu.memory_space<vmem>>
          %dma_wait3A_446 = tpu.memref_squeeze %dma_wait3A_445 : memref<1x64x128xf32, #tpu.memory_space<vmem>> -> memref<64x128xf32, #tpu.memory_space<vmem>>
          %dma_wait3A_447 = arith.constant 0 : i32
          %dma_wait3A_448 = tpu.memref_slice %arg13[%dma_wait3A_442, %dma_wait3A_447] : memref<2x64xi32, #tpu.memory_space<vmem>> -> memref<1x64xi32, #tpu.memory_space<vmem>>
          %dma_wait3A_449 = tpu.memref_squeeze %dma_wait3A_448 : memref<1x64xi32, #tpu.memory_space<vmem>> -> memref<64xi32, #tpu.memory_space<vmem>>
          %dma_wait3A_450 = arith.constant 0 : i32
          %dma_wait3A_451 = arith.constant 0 : i32
          %dma_wait3A_452 = tpu.memref_slice %arg18[%dma_wait3A_450, %dma_wait3A_451] : memref<8080x128xf32, #tpu.memory_space<vmem_shared>> -> memref<8080x128xf32, #tpu.memory_space<vmem_shared>>
          tpu.wait_indirect_dma semaphore(%arg25 : memref<!tpu.dma_semaphore, #tpu.memory_space<semaphore_mem>>) src(%dma_wait3A_446 : memref<64x128xf32, #tpu.memory_space<vmem>>) dst(%dma_wait3A_452 : memref<8080x128xf32, #tpu.memory_space<vmem_shared>>)
          %dma_wait3A_453 = arith.constant 0 : i32
          %dma_wait3A_454 = arith.constant 0 : i32
          %dma_wait3A_455 = tpu.memref_slice %arg13[%dma_wait3A_453, %dma_wait3A_454] : memref<2x64xi32, #tpu.memory_space<vmem>> -> memref<1x64xi32, #tpu.memory_space<vmem>>
          %dma_wait3A_456 = tpu.memref_squeeze %dma_wait3A_455 : memref<1x64xi32, #tpu.memory_space<vmem>> -> memref<64xi32, #tpu.memory_space<vmem>>
          %dma_wait3A_457 = arith.constant 0 : i32
          %dma_wait3A_458 = tpu.memref_slice %arg19[%dma_wait3A_457] : memref<8080xf32, #tpu.memory_space<vmem_shared>> -> memref<8080xf32, #tpu.memory_space<vmem_shared>>
          tpu.wait_indirect_dma semaphore(%arg27 : memref<!tpu.dma_semaphore, #tpu.memory_space<semaphore_mem>>) src(%arg15 : memref<64xf32, #tpu.memory_space<vmem>>) dst(%dma_wait3A_458 : memref<8080xf32, #tpu.memory_space<vmem_shared>>)
        } else {
        }
        %mul3A_141 = arith.constant 64 : i32
        %mul3A_142 = arith.muli %add3A_135, %mul3A_141 : i32
        %add3A_143 = arith.constant 0 : i32
        %add3A_144 = arith.addi %mul3A_142, %add3A_143 : i32
        %add3A_145 = arith.constant 0 : i32
        %add3A_146 = arith.addi %mul3A_142, %add3A_145 : i32
        %add3A_147 = vector.broadcast %add3A_146 : i32 to vector<16xi32>
        %add3A_148 = arith.addi %add3A_147, %iota3A : vector<16xi32>
        %lt3A = vector.broadcast %scan3A_55 : i32 to vector<16xi32>
        %lt3A_149 = arith.cmpi slt, %add3A_148, %lt3A : vector<16xi32>
        %get3A = arith.index_cast %add3A_144 : i32 to index
        %get3A_150 = tpu.vector_load %arg11[%get3A] {strides = array<i32>} : memref<6144xi32, #tpu.memory_space<vmem>>, vector<16xi32>,
        %shift_right_arithmetic3A = arith.constant 13 : i32
        %shift_right_arithmetic3A_151 = vector.broadcast %shift_right_arithmetic3A : i32 to vector<16xi32>
        %shift_right_arithmetic3A_152 = arith.shrsi %get3A_150, %shift_right_arithmetic3A_151 : vector<16xi32>
        %select_n3A_153 = arith.select %lt3A_149, %shift_right_arithmetic3A_152, %broadcast_in_dim3A_47 : vector<16xi1>, vector<16xi32>
        %swap3A = arith.constant 0 : i32
        %swap3A_154 = arith.index_cast %swap3A : i32 to index
        %swap3A_155 = arith.constant 0 : index
        %swap3A_156 = tpu.vector_load %arg12[%swap3A_154, %swap3A_155] {strides = array<i32>} : memref<2x64xi32, #tpu.memory_space<vmem>>, vector<16xi32>,
        tpu.vector_store %arg12[%swap3A_154, %swap3A_155], %select_n3A_153 {strides = array<i32>} : memref<2x64xi32, #tpu.memory_space<vmem>>, vector<16xi32>,
        %and3A_157 = arith.constant 8191 : i32
        %and3A_158 = vector.broadcast %and3A_157 : i32 to vector<16xi32>
        %and3A_159 = arith.andi %get3A_150, %and3A_158 : vector<16xi32>
        %select_n3A_160 = arith.select %lt3A_149, %and3A_159, %broadcast_in_dim3A_49 : vector<16xi1>, vector<16xi32>
        %swap3A_161 = arith.constant 0 : i32
        %swap3A_162 = arith.index_cast %swap3A_161 : i32 to index
        %swap3A_163 = arith.constant 0 : index
        %swap3A_164 = tpu.vector_load %arg13[%swap3A_162, %swap3A_163] {strides = array<i32>} : memref<2x64xi32, #tpu.memory_space<vmem>>, vector<16xi32>,
        tpu.vector_store %arg13[%swap3A_162, %swap3A_163], %select_n3A_160 {strides = array<i32>} : memref<2x64xi32, #tpu.memory_space<vmem>>, vector<16xi32>,
        %add3A_165 = arith.constant 16 : i32
        %add3A_166 = arith.addi %mul3A_142, %add3A_165 : i32
        %add3A_167 = arith.constant 16 : i32
        %add3A_168 = arith.addi %mul3A_142, %add3A_167 : i32
        %add3A_169 = vector.broadcast %add3A_168 : i32 to vector<16xi32>
        %add3A_170 = arith.addi %add3A_169, %iota3A : vector<16xi32>
        %lt3A_171 = vector.broadcast %scan3A_55 : i32 to vector<16xi32>
        %lt3A_172 = arith.cmpi slt, %add3A_170, %lt3A_171 : vector<16xi32>
        %get3A_173 = arith.index_cast %add3A_166 : i32 to index
        %get3A_174 = tpu.vector_load %arg11[%get3A_173] {strides = array<i32>} : memref<6144xi32, #tpu.memory_space<vmem>>, vector<16xi32>,
        %shift_right_arithmetic3A_175 = arith.constant 13 : i32
        %shift_right_arithmetic3A_176 = vector.broadcast %shift_right_arithmetic3A_175 : i32 to vector<16xi32>
        %shift_right_arithmetic3A_177 = arith.shrsi %get3A_174, %shift_right_arithmetic3A_176 : vector<16xi32>
        %select_n3A_178 = arith.select %lt3A_172, %shift_right_arithmetic3A_177, %broadcast_in_dim3A_47 : vector<16xi1>, vector<16xi32>
        %swap3A_179 = arith.constant 0 : i32
        %swap3A_180 = arith.index_cast %swap3A_179 : i32 to index
        %swap3A_181 = arith.constant 16 : index
        %swap3A_182 = tpu.vector_load %arg12[%swap3A_180, %swap3A_181] {strides = array<i32>} : memref<2x64xi32, #tpu.memory_space<vmem>>, vector<16xi32>,
        tpu.vector_store %arg12[%swap3A_180, %swap3A_181], %select_n3A_178 {strides = array<i32>} : memref<2x64xi32, #tpu.memory_space<vmem>>, vector<16xi32>,
        %and3A_183 = arith.constant 8191 : i32
        %and3A_184 = vector.broadcast %and3A_183 : i32 to vector<16xi32>
        %and3A_185 = arith.andi %get3A_174, %and3A_184 : vector<16xi32>
        %select_n3A_186 = arith.select %lt3A_172, %and3A_185, %broadcast_in_dim3A_49 : vector<16xi1>, vector<16xi32>
        %swap3A_187 = arith.constant 0 : i32
        %swap3A_188 = arith.index_cast %swap3A_187 : i32 to index
        %swap3A_189 = arith.constant 16 : index
        %swap3A_190 = tpu.vector_load %arg13[%swap3A_188, %swap3A_189] {strides = array<i32>} : memref<2x64xi32, #tpu.memory_space<vmem>>, vector<16xi32>,
        tpu.vector_store %arg13[%swap3A_188, %swap3A_189], %select_n3A_186 {strides = array<i32>} : memref<2x64xi32, #tpu.memory_space<vmem>>, vector<16xi32>,
        %add3A_191 = arith.constant 32 : i32
        %add3A_192 = arith.addi %mul3A_142, %add3A_191 : i32
        %add3A_193 = arith.constant 32 : i32
        %add3A_194 = arith.addi %mul3A_142, %add3A_193 : i32
        %add3A_195 = vector.broadcast %add3A_194 : i32 to vector<16xi32>
        %add3A_196 = arith.addi %add3A_195, %iota3A : vector<16xi32>
        %lt3A_197 = vector.broadcast %scan3A_55 : i32 to vector<16xi32>
        %lt3A_198 = arith.cmpi slt, %add3A_196, %lt3A_197 : vector<16xi32>
        %get3A_199 = arith.index_cast %add3A_192 : i32 to index
        %get3A_200 = tpu.vector_load %arg11[%get3A_199] {strides = array<i32>} : memref<6144xi32, #tpu.memory_space<vmem>>, vector<16xi32>,
        %shift_right_arithmetic3A_201 = arith.constant 13 : i32
        %shift_right_arithmetic3A_202 = vector.broadcast %shift_right_arithmetic3A_201 : i32 to vector<16xi32>
        %shift_right_arithmetic3A_203 = arith.shrsi %get3A_200, %shift_right_arithmetic3A_202 : vector<16xi32>
        %select_n3A_204 = arith.select %lt3A_198, %shift_right_arithmetic3A_203, %broadcast_in_dim3A_47 : vector<16xi1>, vector<16xi32>
        %swap3A_205 = arith.constant 0 : i32
        %swap3A_206 = arith.index_cast %swap3A_205 : i32 to index
        %swap3A_207 = arith.constant 32 : index
        %swap3A_208 = tpu.vector_load %arg12[%swap3A_206, %swap3A_207] {strides = array<i32>} : memref<2x64xi32, #tpu.memory_space<vmem>>, vector<16xi32>,
        tpu.vector_store %arg12[%swap3A_206, %swap3A_207], %select_n3A_204 {strides = array<i32>} : memref<2x64xi32, #tpu.memory_space<vmem>>, vector<16xi32>,
        %and3A_209 = arith.constant 8191 : i32
        %and3A_210 = vector.broadcast %and3A_209 : i32 to vector<16xi32>
        %and3A_211 = arith.andi %get3A_200, %and3A_210 : vector<16xi32>
        %select_n3A_212 = arith.select %lt3A_198, %and3A_211, %broadcast_in_dim3A_49 : vector<16xi1>, vector<16xi32>
        %swap3A_213 = arith.constant 0 : i32
        %swap3A_214 = arith.index_cast %swap3A_213 : i32 to index
        %swap3A_215 = arith.constant 32 : index
        %swap3A_216 = tpu.vector_load %arg13[%swap3A_214, %swap3A_215] {strides = array<i32>} : memref<2x64xi32, #tpu.memory_space<vmem>>, vector<16xi32>,
        tpu.vector_store %arg13[%swap3A_214, %swap3A_215], %select_n3A_212 {strides = array<i32>} : memref<2x64xi32, #tpu.memory_space<vmem>>, vector<16xi32>,
        %add3A_217 = arith.constant 48 : i32
        %add3A_218 = arith.addi %mul3A_142, %add3A_217 : i32
        %add3A_219 = arith.constant 48 : i32
        %add3A_220 = arith.addi %mul3A_142, %add3A_219 : i32
        %add3A_221 = vector.broadcast %add3A_220 : i32 to vector<16xi32>
        %add3A_222 = arith.addi %add3A_221, %iota3A : vector<16xi32>
        %lt3A_223 = vector.broadcast %scan3A_55 : i32 to vector<16xi32>
        %lt3A_224 = arith.cmpi slt, %add3A_222, %lt3A_223 : vector<16xi32>
        %get3A_225 = arith.index_cast %add3A_218 : i32 to index
        %get3A_226 = tpu.vector_load %arg11[%get3A_225] {strides = array<i32>} : memref<6144xi32, #tpu.memory_space<vmem>>, vector<16xi32>,
        %shift_right_arithmetic3A_227 = arith.constant 13 : i32
        %shift_right_arithmetic3A_228 = vector.broadcast %shift_right_arithmetic3A_227 : i32 to vector<16xi32>
        %shift_right_arithmetic3A_229 = arith.shrsi %get3A_226, %shift_right_arithmetic3A_228 : vector<16xi32>
        %select_n3A_230 = arith.select %lt3A_224, %shift_right_arithmetic3A_229, %broadcast_in_dim3A_47 : vector<16xi1>, vector<16xi32>
        %swap3A_231 = arith.constant 0 : i32
        %swap3A_232 = arith.index_cast %swap3A_231 : i32 to index
        %swap3A_233 = arith.constant 48 : index
        %swap3A_234 = tpu.vector_load %arg12[%swap3A_232, %swap3A_233] {strides = array<i32>} : memref<2x64xi32, #tpu.memory_space<vmem>>, vector<16xi32>,
        tpu.vector_store %arg12[%swap3A_232, %swap3A_233], %select_n3A_230 {strides = array<i32>} : memref<2x64xi32, #tpu.memory_space<vmem>>, vector<16xi32>,
        %and3A_235 = arith.constant 8191 : i32
        %and3A_236 = vector.broadcast %and3A_235 : i32 to vector<16xi32>
        %and3A_237 = arith.andi %get3A_226, %and3A_236 : vector<16xi32>
        %select_n3A_238 = arith.select %lt3A_224, %and3A_237, %broadcast_in_dim3A_49 : vector<16xi1>, vector<16xi32>
        %swap3A_239 = arith.constant 0 : i32
        %swap3A_240 = arith.index_cast %swap3A_239 : i32 to index
        %swap3A_241 = arith.constant 48 : index
        %swap3A_242 = tpu.vector_load %arg13[%swap3A_240, %swap3A_241] {strides = array<i32>} : memref<2x64xi32, #tpu.memory_space<vmem>>, vector<16xi32>,
        tpu.vector_store %arg13[%swap3A_240, %swap3A_241], %select_n3A_238 {strides = array<i32>} : memref<2x64xi32, #tpu.memory_space<vmem>>, vector<16xi32>,
        %dma_start3A = arith.constant 0 : i32
        %dma_start3A_243 = arith.constant 0 : i32
        %dma_start3A_244 = arith.constant 0 : i32
        %dma_start3A_245 = arith.constant 0 : i32
        %dma_start3A_246 = tpu.memref_slice %arg14[%dma_start3A_243, %dma_start3A_244, %dma_start3A_245] : memref<2x64x128xf32, #tpu.memory_space<vmem>> -> memref<1x64x128xf32, #tpu.memory_space<vmem>>
        %dma_start3A_247 = tpu.memref_squeeze %dma_start3A_246 : memref<1x64x128xf32, #tpu.memory_space<vmem>> -> memref<64x128xf32, #tpu.memory_space<vmem>>
        %dma_start3A_248 = arith.constant 0 : i32
        %dma_start3A_249 = tpu.memref_slice %arg12[%dma_start3A, %dma_start3A_248] : memref<2x64xi32, #tpu.memory_space<vmem>> -> memref<1x64xi32, #tpu.memory_space<vmem>>
        %dma_start3A_250 = tpu.memref_squeeze %dma_start3A_249 : memref<1x64xi32, #tpu.memory_space<vmem>> -> memref<64xi32, #tpu.memory_space<vmem>>
        %dma_start3A_251 = arith.constant 0 : i32
        %dma_start3A_252 = arith.constant 0 : i32
        %dma_start3A_253 = tpu.memref_slice %arg2[%dma_start3A_251, %dma_start3A_252] : memref<10000x128xf32, #tpu.memory_space<hbm>> -> memref<10000x128xf32, #tpu.memory_space<hbm>>
        tpu.enqueue_indirect_dma source(%dma_start3A_253 : memref<10000x128xf32, #tpu.memory_space<hbm>>) target(%dma_start3A_247 : memref<64x128xf32, #tpu.memory_space<vmem>>) offsets(%dma_start3A_250 : memref<64xi32, #tpu.memory_space<vmem>>) semaphore(%arg23 : memref<!tpu.dma_semaphore, #tpu.memory_space<semaphore_mem>>)
        %mul3A_254 = arith.constant 2 : i32
        %mul3A_255 = arith.muli %mul3A_254, %while3A_130 : i32
        %add3A_256 = arith.constant 1 : i32
        %add3A_257 = arith.addi %mul3A_255, %add3A_256 : i32
        %gt3A_258 = arith.constant 0 : i32
        %gt3A_259 = arith.cmpi sgt, %while3A_130, %gt3A_258 : i32
        %convert_element_type3A_260 = arith.extui %gt3A_259 : i1 to i32
        %cond3A_261 = arith.constant 0 : i32
        %cond3A_262 = arith.cmpi ne, %convert_element_type3A_260, %cond3A_261 : i32
        scf.if %cond3A_262 {
          %dma_wait3A_441 = arith.constant 1 : i32
          %dma_wait3A_442 = arith.constant 1 : i32
          %dma_wait3A_443 = arith.constant 0 : i32
          %dma_wait3A_444 = arith.constant 0 : i32
          %dma_wait3A_445 = tpu.memref_slice %arg14[%dma_wait3A_441, %dma_wait3A_443, %dma_wait3A_444] : memref<2x64x128xf32, #tpu.memory_space<vmem>> -> memref<1x64x128xf32, #tpu.memory_space<vmem>>
          %dma_wait3A_446 = tpu.memref_squeeze %dma_wait3A_445 : memref<1x64x128xf32, #tpu.memory_space<vmem>> -> memref<64x128xf32, #tpu.memory_space<vmem>>
          %dma_wait3A_447 = arith.constant 0 : i32
          %dma_wait3A_448 = tpu.memref_slice %arg13[%dma_wait3A_442, %dma_wait3A_447] : memref<2x64xi32, #tpu.memory_space<vmem>> -> memref<1x64xi32, #tpu.memory_space<vmem>>
          %dma_wait3A_449 = tpu.memref_squeeze %dma_wait3A_448 : memref<1x64xi32, #tpu.memory_space<vmem>> -> memref<64xi32, #tpu.memory_space<vmem>>
          %dma_wait3A_450 = arith.constant 0 : i32
          %dma_wait3A_451 = arith.constant 0 : i32
          %dma_wait3A_452 = tpu.memref_slice %arg18[%dma_wait3A_450, %dma_wait3A_451] : memref<8080x128xf32, #tpu.memory_space<vmem_shared>> -> memref<8080x128xf32, #tpu.memory_space<vmem_shared>>
          tpu.wait_indirect_dma semaphore(%arg26 : memref<!tpu.dma_semaphore, #tpu.memory_space<semaphore_mem>>) src(%dma_wait3A_446 : memref<64x128xf32, #tpu.memory_space<vmem>>) dst(%dma_wait3A_452 : memref<8080x128xf32, #tpu.memory_space<vmem_shared>>)
          %dma_wait3A_453 = arith.constant 1 : i32
          %dma_wait3A_454 = arith.constant 0 : i32
          %dma_wait3A_455 = tpu.memref_slice %arg13[%dma_wait3A_453, %dma_wait3A_454] : memref<2x64xi32, #tpu.memory_space<vmem>> -> memref<1x64xi32, #tpu.memory_space<vmem>>
          %dma_wait3A_456 = tpu.memref_squeeze %dma_wait3A_455 : memref<1x64xi32, #tpu.memory_space<vmem>> -> memref<64xi32, #tpu.memory_space<vmem>>
          %dma_wait3A_457 = arith.constant 0 : i32
          %dma_wait3A_458 = tpu.memref_slice %arg19[%dma_wait3A_457] : memref<8080xf32, #tpu.memory_space<vmem_shared>> -> memref<8080xf32, #tpu.memory_space<vmem_shared>>
          tpu.wait_indirect_dma semaphore(%arg28 : memref<!tpu.dma_semaphore, #tpu.memory_space<semaphore_mem>>) src(%arg15 : memref<64xf32, #tpu.memory_space<vmem>>) dst(%dma_wait3A_458 : memref<8080xf32, #tpu.memory_space<vmem_shared>>)
        } else {
        }
        %mul3A_263 = arith.constant 64 : i32
        %mul3A_264 = arith.muli %add3A_257, %mul3A_263 : i32
        %add3A_265 = arith.constant 0 : i32
        %add3A_266 = arith.addi %mul3A_264, %add3A_265 : i32
        %add3A_267 = arith.constant 0 : i32
        %add3A_268 = arith.addi %mul3A_264, %add3A_267 : i32
        %add3A_269 = vector.broadcast %add3A_268 : i32 to vector<16xi32>
        %add3A_270 = arith.addi %add3A_269, %iota3A : vector<16xi32>
        %lt3A_271 = vector.broadcast %scan3A_55 : i32 to vector<16xi32>
        %lt3A_272 = arith.cmpi slt, %add3A_270, %lt3A_271 : vector<16xi32>
        %get3A_273 = arith.index_cast %add3A_266 : i32 to index
        %get3A_274 = tpu.vector_load %arg11[%get3A_273] {strides = array<i32>} : memref<6144xi32, #tpu.memory_space<vmem>>, vector<16xi32>,
        %shift_right_arithmetic3A_275 = arith.constant 13 : i32
        %shift_right_arithmetic3A_276 = vector.broadcast %shift_right_arithmetic3A_275 : i32 to vector<16xi32>
        %shift_right_arithmetic3A_277 = arith.shrsi %get3A_274, %shift_right_arithmetic3A_276 : vector<16xi32>
        %select_n3A_278 = arith.select %lt3A_272, %shift_right_arithmetic3A_277, %broadcast_in_dim3A_47 : vector<16xi1>, vector<16xi32>
        %swap3A_279 = arith.constant 1 : i32
        %swap3A_280 = arith.index_cast %swap3A_279 : i32 to index
        %swap3A_281 = arith.constant 0 : index
        %swap3A_282 = tpu.vector_load %arg12[%swap3A_280, %swap3A_281] {strides = array<i32>} : memref<2x64xi32, #tpu.memory_space<vmem>>, vector<16xi32>,
        tpu.vector_store %arg12[%swap3A_280, %swap3A_281], %select_n3A_278 {strides = array<i32>} : memref<2x64xi32, #tpu.memory_space<vmem>>, vector<16xi32>,
        %and3A_283 = arith.constant 8191 : i32
        %and3A_284 = vector.broadcast %and3A_283 : i32 to vector<16xi32>
        %and3A_285 = arith.andi %get3A_274, %and3A_284 : vector<16xi32>
        %select_n3A_286 = arith.select %lt3A_272, %and3A_285, %broadcast_in_dim3A_49 : vector<16xi1>, vector<16xi32>
        %swap3A_287 = arith.constant 1 : i32
        %swap3A_288 = arith.index_cast %swap3A_287 : i32 to index
        %swap3A_289 = arith.constant 0 : index
        %swap3A_290 = tpu.vector_load %arg13[%swap3A_288, %swap3A_289] {strides = array<i32>} : memref<2x64xi32, #tpu.memory_space<vmem>>, vector<16xi32>,
        tpu.vector_store %arg13[%swap3A_288, %swap3A_289], %select_n3A_286 {strides = array<i32>} : memref<2x64xi32, #tpu.memory_space<vmem>>, vector<16xi32>,
        %add3A_291 = arith.constant 16 : i32
        %add3A_292 = arith.addi %mul3A_264, %add3A_291 : i32
        %add3A_293 = arith.constant 16 : i32
        %add3A_294 = arith.addi %mul3A_264, %add3A_293 : i32
        %add3A_295 = vector.broadcast %add3A_294 : i32 to vector<16xi32>
        %add3A_296 = arith.addi %add3A_295, %iota3A : vector<16xi32>
        %lt3A_297 = vector.broadcast %scan3A_55 : i32 to vector<16xi32>
        %lt3A_298 = arith.cmpi slt, %add3A_296, %lt3A_297 : vector<16xi32>
        %get3A_299 = arith.index_cast %add3A_292 : i32 to index
        %get3A_300 = tpu.vector_load %arg11[%get3A_299] {strides = array<i32>} : memref<6144xi32, #tpu.memory_space<vmem>>, vector<16xi32>,
        %shift_right_arithmetic3A_301 = arith.constant 13 : i32
        %shift_right_arithmetic3A_302 = vector.broadcast %shift_right_arithmetic3A_301 : i32 to vector<16xi32>
        %shift_right_arithmetic3A_303 = arith.shrsi %get3A_300, %shift_right_arithmetic3A_302 : vector<16xi32>
        %select_n3A_304 = arith.select %lt3A_298, %shift_right_arithmetic3A_303, %broadcast_in_dim3A_47 : vector<16xi1>, vector<16xi32>
        %swap3A_305 = arith.constant 1 : i32
        %swap3A_306 = arith.index_cast %swap3A_305 : i32 to index
        %swap3A_307 = arith.constant 16 : index
        %swap3A_308 = tpu.vector_load %arg12[%swap3A_306, %swap3A_307] {strides = array<i32>} : memref<2x64xi32, #tpu.memory_space<vmem>>, vector<16xi32>,
        tpu.vector_store %arg12[%swap3A_306, %swap3A_307], %select_n3A_304 {strides = array<i32>} : memref<2x64xi32, #tpu.memory_space<vmem>>, vector<16xi32>,
        %and3A_309 = arith.constant 8191 : i32
        %and3A_310 = vector.broadcast %and3A_309 : i32 to vector<16xi32>
        %and3A_311 = arith.andi %get3A_300, %and3A_310 : vector<16xi32>
        %select_n3A_312 = arith.select %lt3A_298, %and3A_311, %broadcast_in_dim3A_49 : vector<16xi1>, vector<16xi32>
        %swap3A_313 = arith.constant 1 : i32
        %swap3A_314 = arith.index_cast %swap3A_313 : i32 to index
        %swap3A_315 = arith.constant 16 : index
        %swap3A_316 = tpu.vector_load %arg13[%swap3A_314, %swap3A_315] {strides = array<i32>} : memref<2x64xi32, #tpu.memory_space<vmem>>, vector<16xi32>,
        tpu.vector_store %arg13[%swap3A_314, %swap3A_315], %select_n3A_312 {strides = array<i32>} : memref<2x64xi32, #tpu.memory_space<vmem>>, vector<16xi32>,
        %add3A_317 = arith.constant 32 : i32
        %add3A_318 = arith.addi %mul3A_264, %add3A_317 : i32
        %add3A_319 = arith.constant 32 : i32
        %add3A_320 = arith.addi %mul3A_264, %add3A_319 : i32
        %add3A_321 = vector.broadcast %add3A_320 : i32 to vector<16xi32>
        %add3A_322 = arith.addi %add3A_321, %iota3A : vector<16xi32>
        %lt3A_323 = vector.broadcast %scan3A_55 : i32 to vector<16xi32>
        %lt3A_324 = arith.cmpi slt, %add3A_322, %lt3A_323 : vector<16xi32>
        %get3A_325 = arith.index_cast %add3A_318 : i32 to index
        %get3A_326 = tpu.vector_load %arg11[%get3A_325] {strides = array<i32>} : memref<6144xi32, #tpu.memory_space<vmem>>, vector<16xi32>,
        %shift_right_arithmetic3A_327 = arith.constant 13 : i32
        %shift_right_arithmetic3A_328 = vector.broadcast %shift_right_arithmetic3A_327 : i32 to vector<16xi32>
        %shift_right_arithmetic3A_329 = arith.shrsi %get3A_326, %shift_right_arithmetic3A_328 : vector<16xi32>
        %select_n3A_330 = arith.select %lt3A_324, %shift_right_arithmetic3A_329, %broadcast_in_dim3A_47 : vector<16xi1>, vector<16xi32>
        %swap3A_331 = arith.constant 1 : i32
        %swap3A_332 = arith.index_cast %swap3A_331 : i32 to index
        %swap3A_333 = arith.constant 32 : index
        %swap3A_334 = tpu.vector_load %arg12[%swap3A_332, %swap3A_333] {strides = array<i32>} : memref<2x64xi32, #tpu.memory_space<vmem>>, vector<16xi32>,
        tpu.vector_store %arg12[%swap3A_332, %swap3A_333], %select_n3A_330 {strides = array<i32>} : memref<2x64xi32, #tpu.memory_space<vmem>>, vector<16xi32>,
        %and3A_335 = arith.constant 8191 : i32
        %and3A_336 = vector.broadcast %and3A_335 : i32 to vector<16xi32>
        %and3A_337 = arith.andi %get3A_326, %and3A_336 : vector<16xi32>
        %select_n3A_338 = arith.select %lt3A_324, %and3A_337, %broadcast_in_dim3A_49 : vector<16xi1>, vector<16xi32>
        %swap3A_339 = arith.constant 1 : i32
        %swap3A_340 = arith.index_cast %swap3A_339 : i32 to index
        %swap3A_341 = arith.constant 32 : index
        %swap3A_342 = tpu.vector_load %arg13[%swap3A_340, %swap3A_341] {strides = array<i32>} : memref<2x64xi32, #tpu.memory_space<vmem>>, vector<16xi32>,
        tpu.vector_store %arg13[%swap3A_340, %swap3A_341], %select_n3A_338 {strides = array<i32>} : memref<2x64xi32, #tpu.memory_space<vmem>>, vector<16xi32>,
        %add3A_343 = arith.constant 48 : i32
        %add3A_344 = arith.addi %mul3A_264, %add3A_343 : i32
        %add3A_345 = arith.constant 48 : i32
        %add3A_346 = arith.addi %mul3A_264, %add3A_345 : i32
        %add3A_347 = vector.broadcast %add3A_346 : i32 to vector<16xi32>
        %add3A_348 = arith.addi %add3A_347, %iota3A : vector<16xi32>
        %lt3A_349 = vector.broadcast %scan3A_55 : i32 to vector<16xi32>
        %lt3A_350 = arith.cmpi slt, %add3A_348, %lt3A_349 : vector<16xi32>
        %get3A_351 = arith.index_cast %add3A_344 : i32 to index
        %get3A_352 = tpu.vector_load %arg11[%get3A_351] {strides = array<i32>} : memref<6144xi32, #tpu.memory_space<vmem>>, vector<16xi32>,
        %shift_right_arithmetic3A_353 = arith.constant 13 : i32
        %shift_right_arithmetic3A_354 = vector.broadcast %shift_right_arithmetic3A_353 : i32 to vector<16xi32>
        %shift_right_arithmetic3A_355 = arith.shrsi %get3A_352, %shift_right_arithmetic3A_354 : vector<16xi32>
        %select_n3A_356 = arith.select %lt3A_350, %shift_right_arithmetic3A_355, %broadcast_in_dim3A_47 : vector<16xi1>, vector<16xi32>
        %swap3A_357 = arith.constant 1 : i32
        %swap3A_358 = arith.index_cast %swap3A_357 : i32 to index
        %swap3A_359 = arith.constant 48 : index
        %swap3A_360 = tpu.vector_load %arg12[%swap3A_358, %swap3A_359] {strides = array<i32>} : memref<2x64xi32, #tpu.memory_space<vmem>>, vector<16xi32>,
        tpu.vector_store %arg12[%swap3A_358, %swap3A_359], %select_n3A_356 {strides = array<i32>} : memref<2x64xi32, #tpu.memory_space<vmem>>, vector<16xi32>,
        %and3A_361 = arith.constant 8191 : i32
        %and3A_362 = vector.broadcast %and3A_361 : i32 to vector<16xi32>
        %and3A_363 = arith.andi %get3A_352, %and3A_362 : vector<16xi32>
        %select_n3A_364 = arith.select %lt3A_350, %and3A_363, %broadcast_in_dim3A_49 : vector<16xi1>, vector<16xi32>
        %swap3A_365 = arith.constant 1 : i32
        %swap3A_366 = arith.index_cast %swap3A_365 : i32 to index
        %swap3A_367 = arith.constant 48 : index
        %swap3A_368 = tpu.vector_load %arg13[%swap3A_366, %swap3A_367] {strides = array<i32>} : memref<2x64xi32, #tpu.memory_space<vmem>>, vector<16xi32>,
        tpu.vector_store %arg13[%swap3A_366, %swap3A_367], %select_n3A_364 {strides = array<i32>} : memref<2x64xi32, #tpu.memory_space<vmem>>, vector<16xi32>,
        %dma_start3A_369 = arith.constant 1 : i32
        %dma_start3A_370 = arith.constant 1 : i32
        %dma_start3A_371 = arith.constant 0 : i32
        %dma_start3A_372 = arith.constant 0 : i32
        %dma_start3A_373 = tpu.memref_slice %arg14[%dma_start3A_370, %dma_start3A_371, %dma_start3A_372] : memref<2x64x128xf32, #tpu.memory_space<vmem>> -> memref<1x64x128xf32, #tpu.memory_space<vmem>>
        %dma_start3A_374 = tpu.memref_squeeze %dma_start3A_373 : memref<1x64x128xf32, #tpu.memory_space<vmem>> -> memref<64x128xf32, #tpu.memory_space<vmem>>
        %dma_start3A_375 = arith.constant 0 : i32
        %dma_start3A_376 = tpu.memref_slice %arg12[%dma_start3A_369, %dma_start3A_375] : memref<2x64xi32, #tpu.memory_space<vmem>> -> memref<1x64xi32, #tpu.memory_space<vmem>>
        %dma_start3A_377 = tpu.memref_squeeze %dma_start3A_376 : memref<1x64xi32, #tpu.memory_space<vmem>> -> memref<64xi32, #tpu.memory_space<vmem>>
        %dma_start3A_378 = arith.constant 0 : i32
        %dma_start3A_379 = arith.constant 0 : i32
        %dma_start3A_380 = tpu.memref_slice %arg2[%dma_start3A_378, %dma_start3A_379] : memref<10000x128xf32, #tpu.memory_space<hbm>> -> memref<10000x128xf32, #tpu.memory_space<hbm>>
        tpu.enqueue_indirect_dma source(%dma_start3A_380 : memref<10000x128xf32, #tpu.memory_space<hbm>>) target(%dma_start3A_374 : memref<64x128xf32, #tpu.memory_space<vmem>>) offsets(%dma_start3A_377 : memref<64xi32, #tpu.memory_space<vmem>>) semaphore(%arg24 : memref<!tpu.dma_semaphore, #tpu.memory_space<semaphore_mem>>)
        %dma_wait3A = arith.constant 0 : i32
        %dma_wait3A_381 = arith.constant 0 : i32
        %dma_wait3A_382 = arith.constant 0 : i32
        %dma_wait3A_383 = arith.constant 0 : i32
        %dma_wait3A_384 = tpu.memref_slice %arg14[%dma_wait3A_381, %dma_wait3A_382, %dma_wait3A_383] : memref<2x64x128xf32, #tpu.memory_space<vmem>> -> memref<1x64x128xf32, #tpu.memory_space<vmem>>
        %dma_wait3A_385 = tpu.memref_squeeze %dma_wait3A_384 : memref<1x64x128xf32, #tpu.memory_space<vmem>> -> memref<64x128xf32, #tpu.memory_space<vmem>>
        %dma_wait3A_386 = arith.constant 0 : i32
        %dma_wait3A_387 = tpu.memref_slice %arg12[%dma_wait3A, %dma_wait3A_386] : memref<2x64xi32, #tpu.memory_space<vmem>> -> memref<1x64xi32, #tpu.memory_space<vmem>>
        %dma_wait3A_388 = tpu.memref_squeeze %dma_wait3A_387 : memref<1x64xi32, #tpu.memory_space<vmem>> -> memref<64xi32, #tpu.memory_space<vmem>>
        %dma_wait3A_389 = arith.constant 0 : i32
        %dma_wait3A_390 = arith.constant 0 : i32
        %dma_wait3A_391 = tpu.memref_slice %arg2[%dma_wait3A_389, %dma_wait3A_390] : memref<10000x128xf32, #tpu.memory_space<hbm>> -> memref<10000x128xf32, #tpu.memory_space<hbm>>
        tpu.wait_indirect_dma semaphore(%arg23 : memref<!tpu.dma_semaphore, #tpu.memory_space<semaphore_mem>>) src(%dma_wait3A_391 : memref<10000x128xf32, #tpu.memory_space<hbm>>) dst(%dma_wait3A_385 : memref<64x128xf32, #tpu.memory_space<vmem>>)
        %dma_start3A_392 = arith.constant 0 : i32
        %dma_start3A_393 = arith.constant 0 : i32
        %dma_start3A_394 = arith.constant 0 : i32
        %dma_start3A_395 = arith.constant 0 : i32
        %dma_start3A_396 = tpu.memref_slice %arg14[%dma_start3A_392, %dma_start3A_394, %dma_start3A_395] : memref<2x64x128xf32, #tpu.memory_space<vmem>> -> memref<1x64x128xf32, #tpu.memory_space<vmem>>
        %dma_start3A_397 = tpu.memref_squeeze %dma_start3A_396 : memref<1x64x128xf32, #tpu.memory_space<vmem>> -> memref<64x128xf32, #tpu.memory_space<vmem>>
        %dma_start3A_398 = arith.constant 0 : i32
        %dma_start3A_399 = tpu.memref_slice %arg13[%dma_start3A_393, %dma_start3A_398] : memref<2x64xi32, #tpu.memory_space<vmem>> -> memref<1x64xi32, #tpu.memory_space<vmem>>
        %dma_start3A_400 = tpu.memref_squeeze %dma_start3A_399 : memref<1x64xi32, #tpu.memory_space<vmem>> -> memref<64xi32, #tpu.memory_space<vmem>>
        %dma_start3A_401 = arith.constant 0 : i32
        %dma_start3A_402 = arith.constant 0 : i32
        %dma_start3A_403 = tpu.memref_slice %arg18[%dma_start3A_401, %dma_start3A_402] : memref<8080x128xf32, #tpu.memory_space<vmem_shared>> -> memref<8080x128xf32, #tpu.memory_space<vmem_shared>>
        tpu.enqueue_indirect_dma source(%dma_start3A_397 : memref<64x128xf32, #tpu.memory_space<vmem>>) target(%dma_start3A_403 : memref<8080x128xf32, #tpu.memory_space<vmem_shared>>) offsets(%dma_start3A_400 : memref<64xi32, #tpu.memory_space<vmem>>) semaphore(%arg25 : memref<!tpu.dma_semaphore, #tpu.memory_space<semaphore_mem>>) {add = true}
        %dma_start3A_404 = arith.constant 0 : i32
        %dma_start3A_405 = arith.constant 0 : i32
        %dma_start3A_406 = tpu.memref_slice %arg13[%dma_start3A_404, %dma_start3A_405] : memref<2x64xi32, #tpu.memory_space<vmem>> -> memref<1x64xi32, #tpu.memory_space<vmem>>
        %dma_start3A_407 = tpu.memref_squeeze %dma_start3A_406 : memref<1x64xi32, #tpu.memory_space<vmem>> -> memref<64xi32, #tpu.memory_space<vmem>>
        %dma_start3A_408 = arith.constant 0 : i32
        %dma_start3A_409 = tpu.memref_slice %arg19[%dma_start3A_408] : memref<8080xf32, #tpu.memory_space<vmem_shared>> -> memref<8080xf32, #tpu.memory_space<vmem_shared>>
        tpu.enqueue_indirect_dma source(%arg15 : memref<64xf32, #tpu.memory_space<vmem>>) target(%dma_start3A_409 : memref<8080xf32, #tpu.memory_space<vmem_shared>>) offsets(%dma_start3A_407 : memref<64xi32, #tpu.memory_space<vmem>>) semaphore(%arg27 : memref<!tpu.dma_semaphore, #tpu.memory_space<semaphore_mem>>) {add = true}
        %dma_wait3A_410 = arith.constant 1 : i32
        %dma_wait3A_411 = arith.constant 1 : i32
        %dma_wait3A_412 = arith.constant 0 : i32
        %dma_wait3A_413 = arith.constant 0 : i32
        %dma_wait3A_414 = tpu.memref_slice %arg14[%dma_wait3A_411, %dma_wait3A_412, %dma_wait3A_413] : memref<2x64x128xf32, #tpu.memory_space<vmem>> -> memref<1x64x128xf32, #tpu.memory_space<vmem>>
        %dma_wait3A_415 = tpu.memref_squeeze %dma_wait3A_414 : memref<1x64x128xf32, #tpu.memory_space<vmem>> -> memref<64x128xf32, #tpu.memory_space<vmem>>
        %dma_wait3A_416 = arith.constant 0 : i32
        %dma_wait3A_417 = tpu.memref_slice %arg12[%dma_wait3A_410, %dma_wait3A_416] : memref<2x64xi32, #tpu.memory_space<vmem>> -> memref<1x64xi32, #tpu.memory_space<vmem>>
        %dma_wait3A_418 = tpu.memref_squeeze %dma_wait3A_417 : memref<1x64xi32, #tpu.memory_space<vmem>> -> memref<64xi32, #tpu.memory_space<vmem>>
        %dma_wait3A_419 = arith.constant 0 : i32
        %dma_wait3A_420 = arith.constant 0 : i32
        %dma_wait3A_421 = tpu.memref_slice %arg2[%dma_wait3A_419, %dma_wait3A_420] : memref<10000x128xf32, #tpu.memory_space<hbm>> -> memref<10000x128xf32, #tpu.memory_space<hbm>>
        tpu.wait_indirect_dma semaphore(%arg24 : memref<!tpu.dma_semaphore, #tpu.memory_space<semaphore_mem>>) src(%dma_wait3A_421 : memref<10000x128xf32, #tpu.memory_space<hbm>>) dst(%dma_wait3A_415 : memref<64x128xf32, #tpu.memory_space<vmem>>)
        %dma_start3A_422 = arith.constant 1 : i32
        %dma_start3A_423 = arith.constant 1 : i32
        %dma_start3A_424 = arith.constant 0 : i32
        %dma_start3A_425 = arith.constant 0 : i32
        %dma_start3A_426 = tpu.memref_slice %arg14[%dma_start3A_422, %dma_start3A_424, %dma_start3A_425] : memref<2x64x128xf32, #tpu.memory_space<vmem>> -> memref<1x64x128xf32, #tpu.memory_space<vmem>>
        %dma_start3A_427 = tpu.memref_squeeze %dma_start3A_426 : memref<1x64x128xf32, #tpu.memory_space<vmem>> -> memref<64x128xf32, #tpu.memory_space<vmem>>
        %dma_start3A_428 = arith.constant 0 : i32
        %dma_start3A_429 = tpu.memref_slice %arg13[%dma_start3A_423, %dma_start3A_428] : memref<2x64xi32, #tpu.memory_space<vmem>> -> memref<1x64xi32, #tpu.memory_space<vmem>>
        %dma_start3A_430 = tpu.memref_squeeze %dma_start3A_429 : memref<1x64xi32, #tpu.memory_space<vmem>> -> memref<64xi32, #tpu.memory_space<vmem>>
        %dma_start3A_431 = arith.constant 0 : i32
        %dma_start3A_432 = arith.constant 0 : i32
        %dma_start3A_433 = tpu.memref_slice %arg18[%dma_start3A_431, %dma_start3A_432] : memref<8080x128xf32, #tpu.memory_space<vmem_shared>> -> memref<8080x128xf32, #tpu.memory_space<vmem_shared>>
        tpu.enqueue_indirect_dma source(%dma_start3A_427 : memref<64x128xf32, #tpu.memory_space<vmem>>) target(%dma_start3A_433 : memref<8080x128xf32, #tpu.memory_space<vmem_shared>>) offsets(%dma_start3A_430 : memref<64xi32, #tpu.memory_space<vmem>>) semaphore(%arg26 : memref<!tpu.dma_semaphore, #tpu.memory_space<semaphore_mem>>) {add = true}
        %dma_start3A_434 = arith.constant 1 : i32
        %dma_start3A_435 = arith.constant 0 : i32
        %dma_start3A_436 = tpu.memref_slice %arg13[%dma_start3A_434, %dma_start3A_435] : memref<2x64xi32, #tpu.memory_space<vmem>> -> memref<1x64xi32, #tpu.memory_space<vmem>>
        %dma_start3A_437 = tpu.memref_squeeze %dma_start3A_436 : memref<1x64xi32, #tpu.memory_space<vmem>> -> memref<64xi32, #tpu.memory_space<vmem>>
        %dma_start3A_438 = arith.constant 0 : i32
        %dma_start3A_439 = tpu.memref_slice %arg19[%dma_start3A_438] : memref<8080xf32, #tpu.memory_space<vmem_shared>> -> memref<8080xf32, #tpu.memory_space<vmem_shared>>
        tpu.enqueue_indirect_dma source(%arg15 : memref<64xf32, #tpu.memory_space<vmem>>) target(%dma_start3A_439 : memref<8080xf32, #tpu.memory_space<vmem_shared>>) offsets(%dma_start3A_437 : memref<64xi32, #tpu.memory_space<vmem>>) semaphore(%arg28 : memref<!tpu.dma_semaphore, #tpu.memory_space<semaphore_mem>>) {add = true}
        %while3A_440 = arith.constant 0 : i32
        scf.yield %while3A_440 : i32
      }
      %gt3A = arith.constant 0 : i32
      %gt3A_114 = arith.cmpi sgt, %select_n3A_102, %gt3A : i32
      %convert_element_type3A = arith.extui %gt3A_114 : i1 to i32
      %cond3A = arith.constant 0 : i32
      %cond3A_115 = arith.cmpi ne, %convert_element_type3A, %cond3A : i32
      scf.if %cond3A_115 {
        %dma_wait3A = arith.constant 0 : i32
        %dma_wait3A_130 = arith.constant 0 : i32
        %dma_wait3A_131 = arith.constant 0 : i32
        %dma_wait3A_132 = arith.constant 0 : i32
        %dma_wait3A_133 = tpu.memref_slice %arg14[%dma_wait3A, %dma_wait3A_131, %dma_wait3A_132] : memref<2x64x128xf32, #tpu.memory_space<vmem>> -> memref<1x64x128xf32, #tpu.memory_space<vmem>>
        %dma_wait3A_134 = tpu.memref_squeeze %dma_wait3A_133 : memref<1x64x128xf32, #tpu.memory_space<vmem>> -> memref<64x128xf32, #tpu.memory_space<vmem>>
        %dma_wait3A_135 = arith.constant 0 : i32
        %dma_wait3A_136 = tpu.memref_slice %arg13[%dma_wait3A_130, %dma_wait3A_135] : memref<2x64xi32, #tpu.memory_space<vmem>> -> memref<1x64xi32, #tpu.memory_space<vmem>>
        %dma_wait3A_137 = tpu.memref_squeeze %dma_wait3A_136 : memref<1x64xi32, #tpu.memory_space<vmem>> -> memref<64xi32, #tpu.memory_space<vmem>>
        %dma_wait3A_138 = arith.constant 0 : i32
        %dma_wait3A_139 = arith.constant 0 : i32
        %dma_wait3A_140 = tpu.memref_slice %arg18[%dma_wait3A_138, %dma_wait3A_139] : memref<8080x128xf32, #tpu.memory_space<vmem_shared>> -> memref<8080x128xf32, #tpu.memory_space<vmem_shared>>
        tpu.wait_indirect_dma semaphore(%arg25 : memref<!tpu.dma_semaphore, #tpu.memory_space<semaphore_mem>>) src(%dma_wait3A_134 : memref<64x128xf32, #tpu.memory_space<vmem>>) dst(%dma_wait3A_140 : memref<8080x128xf32, #tpu.memory_space<vmem_shared>>)
        %dma_wait3A_141 = arith.constant 0 : i32
        %dma_wait3A_142 = arith.constant 0 : i32
        %dma_wait3A_143 = tpu.memref_slice %arg13[%dma_wait3A_141, %dma_wait3A_142] : memref<2x64xi32, #tpu.memory_space<vmem>> -> memref<1x64xi32, #tpu.memory_space<vmem>>
        %dma_wait3A_144 = tpu.memref_squeeze %dma_wait3A_143 : memref<1x64xi32, #tpu.memory_space<vmem>> -> memref<64xi32, #tpu.memory_space<vmem>>
        %dma_wait3A_145 = arith.constant 0 : i32
        %dma_wait3A_146 = tpu.memref_slice %arg19[%dma_wait3A_145] : memref<8080xf32, #tpu.memory_space<vmem_shared>> -> memref<8080xf32, #tpu.memory_space<vmem_shared>>
        tpu.wait_indirect_dma semaphore(%arg27 : memref<!tpu.dma_semaphore, #tpu.memory_space<semaphore_mem>>) src(%arg15 : memref<64xf32, #tpu.memory_space<vmem>>) dst(%dma_wait3A_146 : memref<8080xf32, #tpu.memory_space<vmem_shared>>)
        %dma_wait3A_147 = arith.constant 1 : i32
        %dma_wait3A_148 = arith.constant 1 : i32
        %dma_wait3A_149 = arith.constant 0 : i32
        %dma_wait3A_150 = arith.constant 0 : i32
        %dma_wait3A_151 = tpu.memref_slice %arg14[%dma_wait3A_147, %dma_wait3A_149, %dma_wait3A_150] : memref<2x64x128xf32, #tpu.memory_space<vmem>> -> memref<1x64x128xf32, #tpu.memory_space<vmem>>
        %dma_wait3A_152 = tpu.memref_squeeze %dma_wait3A_151 : memref<1x64x128xf32, #tpu.memory_space<vmem>> -> memref<64x128xf32, #tpu.memory_space<vmem>>
        %dma_wait3A_153 = arith.constant 0 : i32
        %dma_wait3A_154 = tpu.memref_slice %arg13[%dma_wait3A_148, %dma_wait3A_153] : memref<2x64xi32, #tpu.memory_space<vmem>> -> memref<1x64xi32, #tpu.memory_space<vmem>>
        %dma_wait3A_155 = tpu.memref_squeeze %dma_wait3A_154 : memref<1x64xi32, #tpu.memory_space<vmem>> -> memref<64xi32, #tpu.memory_space<vmem>>
        %dma_wait3A_156 = arith.constant 0 : i32
        %dma_wait3A_157 = arith.constant 0 : i32
        %dma_wait3A_158 = tpu.memref_slice %arg18[%dma_wait3A_156, %dma_wait3A_157] : memref<8080x128xf32, #tpu.memory_space<vmem_shared>> -> memref<8080x128xf32, #tpu.memory_space<vmem_shared>>
        tpu.wait_indirect_dma semaphore(%arg26 : memref<!tpu.dma_semaphore, #tpu.memory_space<semaphore_mem>>) src(%dma_wait3A_152 : memref<64x128xf32, #tpu.memory_space<vmem>>) dst(%dma_wait3A_158 : memref<8080x128xf32, #tpu.memory_space<vmem_shared>>)
        %dma_wait3A_159 = arith.constant 1 : i32
        %dma_wait3A_160 = arith.constant 0 : i32
        %dma_wait3A_161 = tpu.memref_slice %arg13[%dma_wait3A_159, %dma_wait3A_160] : memref<2x64xi32, #tpu.memory_space<vmem>> -> memref<1x64xi32, #tpu.memory_space<vmem>>
        %dma_wait3A_162 = tpu.memref_squeeze %dma_wait3A_161 : memref<1x64xi32, #tpu.memory_space<vmem>> -> memref<64xi32, #tpu.memory_space<vmem>>
        %dma_wait3A_163 = arith.constant 0 : i32
        %dma_wait3A_164 = tpu.memref_slice %arg19[%dma_wait3A_163] : memref<8080xf32, #tpu.memory_space<vmem_shared>> -> memref<8080xf32, #tpu.memory_space<vmem_shared>>
        tpu.wait_indirect_dma semaphore(%arg28 : memref<!tpu.dma_semaphore, #tpu.memory_space<semaphore_mem>>) src(%arg15 : memref<64xf32, #tpu.memory_space<vmem>>) dst(%dma_wait3A_164 : memref<8080xf32, #tpu.memory_space<vmem_shared>>)
      } else {
      }
      %barrier3A_116 = arith.constant 0 : index
      tpu.barrier barrier_id(%barrier3A_116)
      %scan3A_117 = arith.constant 0 : i32
      %scan3A_118 = arith.constant 0 : i32
      %scan3A_119 = arith.constant 31 : i32
      %scan3A_120 = arith.addi %scan3A_118, %scan3A_119 : i32
      %scan3A_121 = arith.constant 1 : i32
      %scan3A_122 = scf.for %scan3A_130 = %scan3A_118 to %scan3A_120 step %scan3A_121 iter_args(%scan3A_131 = %scan3A_117) -> (i32)  : i32 {
        %mul3A_132 = arith.constant 16 : i32
        %mul3A_133 = arith.muli %scan3A_130, %mul3A_132 : i32
        %add3A_134 = arith.addi %mul3A_6, %mul3A_133 : i32
        "tpu.region"() ({
          %run_scoped3A = tpu.sem_alloc : memref<!tpu.dma_semaphore, #tpu.memory_space<semaphore_mem>>
          %dma_start3A = arith.constant 0 : i32
          %dma_start3A_140 = tpu.memref_slice %arg18[%add3A_134, %dma_start3A] : memref<8080x128xf32, #tpu.memory_space<vmem_shared>> -> memref<16x128xf32, #tpu.memory_space<vmem_shared>>
          %dma_start3A_141 = arith.constant 0 : i32
          %dma_start3A_142 = tpu.memref_slice %arg18[%add3A_134, %dma_start3A_141] : memref<8080x128xf32, #tpu.memory_space<vmem_shared>> -> memref<16x128xf32, #tpu.memory_space<vmem_shared>>
          tpu.enqueue_dma source(%dma_start3A_142 : memref<16x128xf32, #tpu.memory_space<vmem_shared>>) target(%arg16 : memref<16x128xf32, #tpu.memory_space<vmem>>) target_semaphore(%run_scoped3A : memref<!tpu.dma_semaphore, #tpu.memory_space<semaphore_mem>>)
          %dma_wait3A = arith.constant 0 : i32
          %dma_wait3A_143 = tpu.memref_slice %arg18[%add3A_134, %dma_wait3A] : memref<8080x128xf32, #tpu.memory_space<vmem_shared>> -> memref<16x128xf32, #tpu.memory_space<vmem_shared>>
          %dma_wait3A_144 = arith.constant 0 : i32
          %dma_wait3A_145 = tpu.memref_slice %arg18[%add3A_134, %dma_wait3A_144] : memref<8080x128xf32, #tpu.memory_space<vmem_shared>> -> memref<16x128xf32, #tpu.memory_space<vmem_shared>>
          tpu.wait_dma2 semaphore(%run_scoped3A : memref<!tpu.dma_semaphore, #tpu.memory_space<semaphore_mem>>) src(%dma_wait3A_145 : memref<16x128xf32, #tpu.memory_space<vmem_shared>>) dst(%arg16 : memref<16x128xf32, #tpu.memory_space<vmem>>)
          tpu.yield
        }) : () -> ()
        %add3A_135 = arith.addi %mul3A_21, %mul3A_6 : i32
        %mul3A_136 = arith.constant 16 : i32
        %mul3A_137 = arith.muli %scan3A_130, %mul3A_136 : i32
        %add3A_138 = arith.addi %add3A_135, %mul3A_137 : i32
        "tpu.region"() ({
          %run_scoped3A = tpu.sem_alloc : memref<!tpu.dma_semaphore, #tpu.memory_space<semaphore_mem>>
          %dma_start3A = arith.constant 0 : i32
          %dma_start3A_140 = tpu.memref_slice %arg6[%add3A_138, %dma_start3A] : memref<80640x128xf32, #tpu.memory_space<hbm>> -> memref<16x128xf32, #tpu.memory_space<hbm>>
          %dma_start3A_141 = arith.constant 0 : i32
          %dma_start3A_142 = tpu.memref_slice %arg6[%add3A_138, %dma_start3A_141] : memref<80640x128xf32, #tpu.memory_space<hbm>> -> memref<16x128xf32, #tpu.memory_space<hbm>>
          tpu.enqueue_dma source(%arg16 : memref<16x128xf32, #tpu.memory_space<vmem>>) target(%dma_start3A_142 : memref<16x128xf32, #tpu.memory_space<hbm>>) target_semaphore(%run_scoped3A : memref<!tpu.dma_semaphore, #tpu.memory_space<semaphore_mem>>)
          %dma_wait3A = arith.constant 0 : i32
          %dma_wait3A_143 = tpu.memref_slice %arg6[%add3A_138, %dma_wait3A] : memref<80640x128xf32, #tpu.memory_space<hbm>> -> memref<16x128xf32, #tpu.memory_space<hbm>>
          %dma_wait3A_144 = arith.constant 0 : i32
          %dma_wait3A_145 = tpu.memref_slice %arg6[%add3A_138, %dma_wait3A_144] : memref<80640x128xf32, #tpu.memory_space<hbm>> -> memref<16x128xf32, #tpu.memory_space<hbm>>
          tpu.wait_dma2 semaphore(%run_scoped3A : memref<!tpu.dma_semaphore, #tpu.memory_space<semaphore_mem>>) src(%arg16 : memref<16x128xf32, #tpu.memory_space<vmem>>) dst(%dma_wait3A_145 : memref<16x128xf32, #tpu.memory_space<hbm>>)
          tpu.yield
        }) : () -> ()
        %scan3A_139 = arith.constant 0 : i32
        scf.yield %scan3A_139 : i32
      }
      %scan3A_123 = arith.constant 31 : i32
      %add3A_124 = arith.constant 496 : i32
      %add3A_125 = arith.addi %mul3A_6, %add3A_124 : i32
      "tpu.region"() ({
        %run_scoped3A = tpu.sem_alloc : memref<!tpu.dma_semaphore, #tpu.memory_space<semaphore_mem>>
        %dma_start3A = arith.constant 0 : i32
        %dma_start3A_130 = arith.constant 0 : i32
        %dma_start3A_131 = tpu.memref_slice %arg16[%dma_start3A, %dma_start3A_130] : memref<16x128xf32, #tpu.memory_space<vmem>> -> memref<8x128xf32, #tpu.memory_space<vmem>>
        %dma_start3A_132 = arith.constant 0 : i32
        %dma_start3A_133 = tpu.memref_slice %arg18[%add3A_125, %dma_start3A_132] : memref<8080x128xf32, #tpu.memory_space<vmem_shared>> -> memref<8x128xf32, #tpu.memory_space<vmem_shared>>
        %dma_start3A_134 = arith.constant 0 : i32
        %dma_start3A_135 = arith.constant 0 : i32
        %dma_start3A_136 = tpu.memref_slice %arg16[%dma_start3A_134, %dma_start3A_135] : memref<16x128xf32, #tpu.memory_space<vmem>> -> memref<8x128xf32, #tpu.memory_space<vmem>>
        %dma_start3A_137 = arith.constant 0 : i32
        %dma_start3A_138 = tpu.memref_slice %arg18[%add3A_125, %dma_start3A_137] : memref<8080x128xf32, #tpu.memory_space<vmem_shared>> -> memref<8x128xf32, #tpu.memory_space<vmem_shared>>
        tpu.enqueue_dma source(%dma_start3A_138 : memref<8x128xf32, #tpu.memory_space<vmem_shared>>) target(%dma_start3A_136 : memref<8x128xf32, #tpu.memory_space<vmem>>) target_semaphore(%run_scoped3A : memref<!tpu.dma_semaphore, #tpu.memory_space<semaphore_mem>>)
        %dma_wait3A = arith.constant 0 : i32
        %dma_wait3A_139 = arith.constant 0 : i32
        %dma_wait3A_140 = tpu.memref_slice %arg16[%dma_wait3A, %dma_wait3A_139] : memref<16x128xf32, #tpu.memory_space<vmem>> -> memref<8x128xf32, #tpu.memory_space<vmem>>
        %dma_wait3A_141 = arith.constant 0 : i32
        %dma_wait3A_142 = tpu.memref_slice %arg18[%add3A_125, %dma_wait3A_141] : memref<8080x128xf32, #tpu.memory_space<vmem_shared>> -> memref<8x128xf32, #tpu.memory_space<vmem_shared>>
        %dma_wait3A_143 = arith.constant 0 : i32
        %dma_wait3A_144 = arith.constant 0 : i32
        %dma_wait3A_145 = tpu.memref_slice %arg16[%dma_wait3A_143, %dma_wait3A_144] : memref<16x128xf32, #tpu.memory_space<vmem>> -> memref<8x128xf32, #tpu.memory_space<vmem>>
        %dma_wait3A_146 = arith.constant 0 : i32
        %dma_wait3A_147 = tpu.memref_slice %arg18[%add3A_125, %dma_wait3A_146] : memref<8080x128xf32, #tpu.memory_space<vmem_shared>> -> memref<8x128xf32, #tpu.memory_space<vmem_shared>>
        tpu.wait_dma2 semaphore(%run_scoped3A : memref<!tpu.dma_semaphore, #tpu.memory_space<semaphore_mem>>) src(%dma_wait3A_147 : memref<8x128xf32, #tpu.memory_space<vmem_shared>>) dst(%dma_wait3A_145 : memref<8x128xf32, #tpu.memory_space<vmem>>)
        tpu.yield
      }) : () -> ()
      %add3A_126 = arith.addi %mul3A_21, %add3A_125 : i32
      "tpu.region"() ({
        %run_scoped3A = tpu.sem_alloc : memref<!tpu.dma_semaphore, #tpu.memory_space<semaphore_mem>>
        %dma_start3A = arith.constant 0 : i32
        %dma_start3A_130 = arith.constant 0 : i32
        %dma_start3A_131 = tpu.memref_slice %arg16[%dma_start3A, %dma_start3A_130] : memref<16x128xf32, #tpu.memory_space<vmem>> -> memref<8x128xf32, #tpu.memory_space<vmem>>
        %dma_start3A_132 = arith.constant 0 : i32
        %dma_start3A_133 = tpu.memref_slice %arg6[%add3A_126, %dma_start3A_132] : memref<80640x128xf32, #tpu.memory_space<hbm>> -> memref<8x128xf32, #tpu.memory_space<hbm>>
        %dma_start3A_134 = arith.constant 0 : i32
        %dma_start3A_135 = tpu.memref_slice %arg6[%add3A_126, %dma_start3A_134] : memref<80640x128xf32, #tpu.memory_space<hbm>> -> memref<8x128xf32, #tpu.memory_space<hbm>>
        %dma_start3A_136 = arith.constant 0 : i32
        %dma_start3A_137 = arith.constant 0 : i32
        %dma_start3A_138 = tpu.memref_slice %arg16[%dma_start3A_136, %dma_start3A_137] : memref<16x128xf32, #tpu.memory_space<vmem>> -> memref<8x128xf32, #tpu.memory_space<vmem>>
        tpu.enqueue_dma source(%dma_start3A_138 : memref<8x128xf32, #tpu.memory_space<vmem>>) target(%dma_start3A_135 : memref<8x128xf32, #tpu.memory_space<hbm>>) target_semaphore(%run_scoped3A : memref<!tpu.dma_semaphore, #tpu.memory_space<semaphore_mem>>)
        %dma_wait3A = arith.constant 0 : i32
        %dma_wait3A_139 = arith.constant 0 : i32
        %dma_wait3A_140 = tpu.memref_slice %arg16[%dma_wait3A, %dma_wait3A_139] : memref<16x128xf32, #tpu.memory_space<vmem>> -> memref<8x128xf32, #tpu.memory_space<vmem>>
        %dma_wait3A_141 = arith.constant 0 : i32
        %dma_wait3A_142 = tpu.memref_slice %arg6[%add3A_126, %dma_wait3A_141] : memref<80640x128xf32, #tpu.memory_space<hbm>> -> memref<8x128xf32, #tpu.memory_space<hbm>>
        %dma_wait3A_143 = arith.constant 0 : i32
        %dma_wait3A_144 = tpu.memref_slice %arg6[%add3A_126, %dma_wait3A_143] : memref<80640x128xf32, #tpu.memory_space<hbm>> -> memref<8x128xf32, #tpu.memory_space<hbm>>
        %dma_wait3A_145 = arith.constant 0 : i32
        %dma_wait3A_146 = arith.constant 0 : i32
        %dma_wait3A_147 = tpu.memref_slice %arg16[%dma_wait3A_145, %dma_wait3A_146] : memref<16x128xf32, #tpu.memory_space<vmem>> -> memref<8x128xf32, #tpu.memory_space<vmem>>
        tpu.wait_dma2 semaphore(%run_scoped3A : memref<!tpu.dma_semaphore, #tpu.memory_space<semaphore_mem>>) src(%dma_wait3A_147 : memref<8x128xf32, #tpu.memory_space<vmem>>) dst(%dma_wait3A_144 : memref<8x128xf32, #tpu.memory_space<hbm>>)
        tpu.yield
      }) : () -> ()
      "tpu.region"() ({
        %run_scoped3A = tpu.sem_alloc : memref<!tpu.dma_semaphore, #tpu.memory_space<semaphore_mem>>
        %dma_start3A = arith.constant 0 : i32
        %dma_start3A_130 = tpu.memref_slice %arg17[%dma_start3A] : memref<512xf32, #tpu.memory_space<vmem>> -> memref<504xf32, #tpu.memory_space<vmem>>
        %dma_start3A_131 = tpu.memref_slice %arg19[%mul3A_6] : memref<8080xf32, #tpu.memory_space<vmem_shared>> -> memref<504xf32, #tpu.memory_space<vmem_shared>>
        %dma_start3A_132 = arith.constant 0 : i32
        %dma_start3A_133 = tpu.memref_slice %arg17[%dma_start3A_132] : memref<512xf32, #tpu.memory_space<vmem>> -> memref<504xf32, #tpu.memory_space<vmem>>
        %dma_start3A_134 = tpu.memref_slice %arg19[%mul3A_6] : memref<8080xf32, #tpu.memory_space<vmem_shared>> -> memref<504xf32, #tpu.memory_space<vmem_shared>>
        tpu.enqueue_dma source(%dma_start3A_134 : memref<504xf32, #tpu.memory_space<vmem_shared>>) target(%dma_start3A_133 : memref<504xf32, #tpu.memory_space<vmem>>) target_semaphore(%run_scoped3A : memref<!tpu.dma_semaphore, #tpu.memory_space<semaphore_mem>>)
        %dma_wait3A = arith.constant 0 : i32
        %dma_wait3A_135 = tpu.memref_slice %arg17[%dma_wait3A] : memref<512xf32, #tpu.memory_space<vmem>> -> memref<504xf32, #tpu.memory_space<vmem>>
        %dma_wait3A_136 = tpu.memref_slice %arg19[%mul3A_6] : memref<8080xf32, #tpu.memory_space<vmem_shared>> -> memref<504xf32, #tpu.memory_space<vmem_shared>>
        %dma_wait3A_137 = arith.constant 0 : i32
        %dma_wait3A_138 = tpu.memref_slice %arg17[%dma_wait3A_137] : memref<512xf32, #tpu.memory_space<vmem>> -> memref<504xf32, #tpu.memory_space<vmem>>
        %dma_wait3A_139 = tpu.memref_slice %arg19[%mul3A_6] : memref<8080xf32, #tpu.memory_space<vmem_shared>> -> memref<504xf32, #tpu.memory_space<vmem_shared>>
        tpu.wait_dma2 semaphore(%run_scoped3A : memref<!tpu.dma_semaphore, #tpu.memory_space<semaphore_mem>>) src(%dma_wait3A_139 : memref<504xf32, #tpu.memory_space<vmem_shared>>) dst(%dma_wait3A_138 : memref<504xf32, #tpu.memory_space<vmem>>)
        tpu.yield
      }) : () -> ()
      %add3A_127 = arith.addi %mul3A_21, %mul3A_6 : i32
      "tpu.region"() ({
        %run_scoped3A = tpu.sem_alloc : memref<!tpu.dma_semaphore, #tpu.memory_space<semaphore_mem>>
        %dma_start3A = arith.constant 0 : i32
        %dma_start3A_130 = tpu.memref_slice %arg17[%dma_start3A] : memref<512xf32, #tpu.memory_space<vmem>> -> memref<504xf32, #tpu.memory_space<vmem>>
        %dma_start3A_131 = tpu.memref_slice %arg7[%add3A_127] : memref<80640xf32, #tpu.memory_space<hbm>> -> memref<504xf32, #tpu.memory_space<hbm>>
        %dma_start3A_132 = tpu.memref_slice %arg7[%add3A_127] : memref<80640xf32, #tpu.memory_space<hbm>> -> memref<504xf32, #tpu.memory_space<hbm>>
        %dma_start3A_133 = arith.constant 0 : i32
        %dma_start3A_134 = tpu.memref_slice %arg17[%dma_start3A_133] : memref<512xf32, #tpu.memory_space<vmem>> -> memref<504xf32, #tpu.memory_space<vmem>>
        tpu.enqueue_dma source(%dma_start3A_134 : memref<504xf32, #tpu.memory_space<vmem>>) target(%dma_start3A_132 : memref<504xf32, #tpu.memory_space<hbm>>) target_semaphore(%run_scoped3A : memref<!tpu.dma_semaphore, #tpu.memory_space<semaphore_mem>>)
        %dma_wait3A = arith.constant 0 : i32
        %dma_wait3A_135 = tpu.memref_slice %arg17[%dma_wait3A] : memref<512xf32, #tpu.memory_space<vmem>> -> memref<504xf32, #tpu.memory_space<vmem>>
        %dma_wait3A_136 = tpu.memref_slice %arg7[%add3A_127] : memref<80640xf32, #tpu.memory_space<hbm>> -> memref<504xf32, #tpu.memory_space<hbm>>
        %dma_wait3A_137 = tpu.memref_slice %arg7[%add3A_127] : memref<80640xf32, #tpu.memory_space<hbm>> -> memref<504xf32, #tpu.memory_space<hbm>>
        %dma_wait3A_138 = arith.constant 0 : i32
        %dma_wait3A_139 = tpu.memref_slice %arg17[%dma_wait3A_138] : memref<512xf32, #tpu.memory_space<vmem>> -> memref<504xf32, #tpu.memory_space<vmem>>
        tpu.wait_dma2 semaphore(%run_scoped3A : memref<!tpu.dma_semaphore, #tpu.memory_space<semaphore_mem>>) src(%dma_wait3A_139 : memref<504xf32, #tpu.memory_space<vmem>>) dst(%dma_wait3A_137 : memref<504xf32, #tpu.memory_space<hbm>>)
        tpu.yield
      }) : () -> ()
      %barrier3A_128 = arith.constant 0 : index
      tpu.barrier barrier_id(%barrier3A_128)
      %scan3A_129 = arith.constant 0 : i32
      scf.yield %scan3A_129 : i32
    }
    %scan3A_15 = arith.constant 5 : i32
    return
  }
}

module attributes {stable_mosaic.version = 14 : i64} {
  func.func @_wm_body(%arg0: memref<8x4xf32, #tpu.memory_space<smem>>, %arg1: memref<128x4x128xf32, #tpu.memory_space<vmem>>, %arg2: memref<128x8x128xf32, #tpu.memory_space<vmem>>) attributes {dimension_semantics = [], scalar_prefetch = 0 : i64, scratch_operands = 0 : i64, tpu.core_type = #tpu.core_type<tc>} {
    %get3A = arith.constant 0 : index
    %get3A_0 = arith.constant 0 : index
    %get3A_1 = memref.load %arg0[%get3A, %get3A_0] : memref<8x4xf32, #tpu.memory_space<smem>>
    %get3A_2 = arith.constant 0 : index
    %get3A_3 = arith.constant 0 : index
    %get3A_4 = arith.constant 0 : index
    %get3A_5 = vector.load %arg1[%get3A_2, %get3A_3, %get3A_4] : memref<128x4x128xf32, #tpu.memory_space<vmem>>, vector<128x1x128xf32>
    %get3A_6 = vector.shape_cast %get3A_5 : vector<128x1x128xf32> to vector<128x128xf32>
    %mul3A = vector.broadcast %get3A_1 : f32 to vector<128x128xf32>
    %mul3A_7 = arith.mulf %mul3A, %get3A_6 : vector<128x128xf32>
    %get3A_8 = arith.constant 0 : index
    %get3A_9 = arith.constant 1 : index
    %get3A_10 = memref.load %arg0[%get3A_8, %get3A_9] : memref<8x4xf32, #tpu.memory_space<smem>>
    %get3A_11 = arith.constant 0 : index
    %get3A_12 = arith.constant 1 : index
    %get3A_13 = arith.constant 0 : index
    %get3A_14 = vector.load %arg1[%get3A_11, %get3A_12, %get3A_13] : memref<128x4x128xf32, #tpu.memory_space<vmem>>, vector<128x1x128xf32>
    %get3A_15 = vector.shape_cast %get3A_14 : vector<128x1x128xf32> to vector<128x128xf32>
    %mul3A_16 = vector.broadcast %get3A_10 : f32 to vector<128x128xf32>
    %mul3A_17 = arith.mulf %mul3A_16, %get3A_15 : vector<128x128xf32>
    %add3A = arith.addf %mul3A_7, %mul3A_17 : vector<128x128xf32>
    %get3A_18 = arith.constant 0 : index
    %get3A_19 = arith.constant 2 : index
    %get3A_20 = memref.load %arg0[%get3A_18, %get3A_19] : memref<8x4xf32, #tpu.memory_space<smem>>
    %get3A_21 = arith.constant 0 : index
    %get3A_22 = arith.constant 2 : index
    %get3A_23 = arith.constant 0 : index
    %get3A_24 = vector.load %arg1[%get3A_21, %get3A_22, %get3A_23] : memref<128x4x128xf32, #tpu.memory_space<vmem>>, vector<128x1x128xf32>
    %get3A_25 = vector.shape_cast %get3A_24 : vector<128x1x128xf32> to vector<128x128xf32>
    %mul3A_26 = vector.broadcast %get3A_20 : f32 to vector<128x128xf32>
    %mul3A_27 = arith.mulf %mul3A_26, %get3A_25 : vector<128x128xf32>
    %add3A_28 = arith.addf %add3A, %mul3A_27 : vector<128x128xf32>
    %get3A_29 = arith.constant 0 : index
    %get3A_30 = arith.constant 3 : index
    %get3A_31 = memref.load %arg0[%get3A_29, %get3A_30] : memref<8x4xf32, #tpu.memory_space<smem>>
    %get3A_32 = arith.constant 0 : index
    %get3A_33 = arith.constant 3 : index
    %get3A_34 = arith.constant 0 : index
    %get3A_35 = vector.load %arg1[%get3A_32, %get3A_33, %get3A_34] : memref<128x4x128xf32, #tpu.memory_space<vmem>>, vector<128x1x128xf32>
    %get3A_36 = vector.shape_cast %get3A_35 : vector<128x1x128xf32> to vector<128x128xf32>
    %mul3A_37 = vector.broadcast %get3A_31 : f32 to vector<128x128xf32>
    %mul3A_38 = arith.mulf %mul3A_37, %get3A_36 : vector<128x128xf32>
    %add3A_39 = arith.addf %add3A_28, %mul3A_38 : vector<128x128xf32>
    %swap3A = arith.constant 0 : index
    %swap3A_40 = arith.constant 0 : index
    %swap3A_41 = arith.constant 0 : index
    %swap3A_42 = vector.load %arg2[%swap3A, %swap3A_40, %swap3A_41] : memref<128x8x128xf32, #tpu.memory_space<vmem>>, vector<128x1x128xf32>
    %swap3A_43 = vector.shape_cast %swap3A_42 : vector<128x1x128xf32> to vector<128x128xf32>
    %swap3A_44 = vector.shape_cast %add3A_39 : vector<128x128xf32> to vector<128x1x128xf32>
    tpu.vector_store %arg2[%swap3A, %swap3A_40, %swap3A_41], %swap3A_44 {strides = array<i32>} : memref<128x8x128xf32, #tpu.memory_space<vmem>>, vector<128x1x128xf32>,
    %get3A_45 = arith.constant 1 : index
    %get3A_46 = arith.constant 0 : index
    %get3A_47 = memref.load %arg0[%get3A_45, %get3A_46] : memref<8x4xf32, #tpu.memory_space<smem>>
    %get3A_48 = arith.constant 0 : index
    %get3A_49 = arith.constant 0 : index
    %get3A_50 = arith.constant 0 : index
    %get3A_51 = vector.load %arg1[%get3A_48, %get3A_49, %get3A_50] : memref<128x4x128xf32, #tpu.memory_space<vmem>>, vector<128x1x128xf32>
    %get3A_52 = vector.shape_cast %get3A_51 : vector<128x1x128xf32> to vector<128x128xf32>
    %mul3A_53 = vector.broadcast %get3A_47 : f32 to vector<128x128xf32>
    %mul3A_54 = arith.mulf %mul3A_53, %get3A_52 : vector<128x128xf32>
    %get3A_55 = arith.constant 1 : index
    %get3A_56 = arith.constant 1 : index
    %get3A_57 = memref.load %arg0[%get3A_55, %get3A_56] : memref<8x4xf32, #tpu.memory_space<smem>>
    %get3A_58 = arith.constant 0 : index
    %get3A_59 = arith.constant 1 : index
    %get3A_60 = arith.constant 0 : index
    %get3A_61 = vector.load %arg1[%get3A_58, %get3A_59, %get3A_60] : memref<128x4x128xf32, #tpu.memory_space<vmem>>, vector<128x1x128xf32>
    %get3A_62 = vector.shape_cast %get3A_61 : vector<128x1x128xf32> to vector<128x128xf32>
    %mul3A_63 = vector.broadcast %get3A_57 : f32 to vector<128x128xf32>
    %mul3A_64 = arith.mulf %mul3A_63, %get3A_62 : vector<128x128xf32>
    %add3A_65 = arith.addf %mul3A_54, %mul3A_64 : vector<128x128xf32>
    %get3A_66 = arith.constant 1 : index
    %get3A_67 = arith.constant 2 : index
    %get3A_68 = memref.load %arg0[%get3A_66, %get3A_67] : memref<8x4xf32, #tpu.memory_space<smem>>
    %get3A_69 = arith.constant 0 : index
    %get3A_70 = arith.constant 2 : index
    %get3A_71 = arith.constant 0 : index
    %get3A_72 = vector.load %arg1[%get3A_69, %get3A_70, %get3A_71] : memref<128x4x128xf32, #tpu.memory_space<vmem>>, vector<128x1x128xf32>
    %get3A_73 = vector.shape_cast %get3A_72 : vector<128x1x128xf32> to vector<128x128xf32>
    %mul3A_74 = vector.broadcast %get3A_68 : f32 to vector<128x128xf32>
    %mul3A_75 = arith.mulf %mul3A_74, %get3A_73 : vector<128x128xf32>
    %add3A_76 = arith.addf %add3A_65, %mul3A_75 : vector<128x128xf32>
    %get3A_77 = arith.constant 1 : index
    %get3A_78 = arith.constant 3 : index
    %get3A_79 = memref.load %arg0[%get3A_77, %get3A_78] : memref<8x4xf32, #tpu.memory_space<smem>>
    %get3A_80 = arith.constant 0 : index
    %get3A_81 = arith.constant 3 : index
    %get3A_82 = arith.constant 0 : index
    %get3A_83 = vector.load %arg1[%get3A_80, %get3A_81, %get3A_82] : memref<128x4x128xf32, #tpu.memory_space<vmem>>, vector<128x1x128xf32>
    %get3A_84 = vector.shape_cast %get3A_83 : vector<128x1x128xf32> to vector<128x128xf32>
    %mul3A_85 = vector.broadcast %get3A_79 : f32 to vector<128x128xf32>
    %mul3A_86 = arith.mulf %mul3A_85, %get3A_84 : vector<128x128xf32>
    %add3A_87 = arith.addf %add3A_76, %mul3A_86 : vector<128x128xf32>
    %swap3A_88 = arith.constant 0 : index
    %swap3A_89 = arith.constant 1 : index
    %swap3A_90 = arith.constant 0 : index
    %swap3A_91 = vector.load %arg2[%swap3A_88, %swap3A_89, %swap3A_90] : memref<128x8x128xf32, #tpu.memory_space<vmem>>, vector<128x1x128xf32>
    %swap3A_92 = vector.shape_cast %swap3A_91 : vector<128x1x128xf32> to vector<128x128xf32>
    %swap3A_93 = vector.shape_cast %add3A_87 : vector<128x128xf32> to vector<128x1x128xf32>
    tpu.vector_store %arg2[%swap3A_88, %swap3A_89, %swap3A_90], %swap3A_93 {strides = array<i32>} : memref<128x8x128xf32, #tpu.memory_space<vmem>>, vector<128x1x128xf32>,
    %get3A_94 = arith.constant 2 : index
    %get3A_95 = arith.constant 0 : index
    %get3A_96 = memref.load %arg0[%get3A_94, %get3A_95] : memref<8x4xf32, #tpu.memory_space<smem>>
    %get3A_97 = arith.constant 0 : index
    %get3A_98 = arith.constant 0 : index
    %get3A_99 = arith.constant 0 : index
    %get3A_100 = vector.load %arg1[%get3A_97, %get3A_98, %get3A_99] : memref<128x4x128xf32, #tpu.memory_space<vmem>>, vector<128x1x128xf32>
    %get3A_101 = vector.shape_cast %get3A_100 : vector<128x1x128xf32> to vector<128x128xf32>
    %mul3A_102 = vector.broadcast %get3A_96 : f32 to vector<128x128xf32>
    %mul3A_103 = arith.mulf %mul3A_102, %get3A_101 : vector<128x128xf32>
    %get3A_104 = arith.constant 2 : index
    %get3A_105 = arith.constant 1 : index
    %get3A_106 = memref.load %arg0[%get3A_104, %get3A_105] : memref<8x4xf32, #tpu.memory_space<smem>>
    %get3A_107 = arith.constant 0 : index
    %get3A_108 = arith.constant 1 : index
    %get3A_109 = arith.constant 0 : index
    %get3A_110 = vector.load %arg1[%get3A_107, %get3A_108, %get3A_109] : memref<128x4x128xf32, #tpu.memory_space<vmem>>, vector<128x1x128xf32>
    %get3A_111 = vector.shape_cast %get3A_110 : vector<128x1x128xf32> to vector<128x128xf32>
    %mul3A_112 = vector.broadcast %get3A_106 : f32 to vector<128x128xf32>
    %mul3A_113 = arith.mulf %mul3A_112, %get3A_111 : vector<128x128xf32>
    %add3A_114 = arith.addf %mul3A_103, %mul3A_113 : vector<128x128xf32>
    %get3A_115 = arith.constant 2 : index
    %get3A_116 = arith.constant 2 : index
    %get3A_117 = memref.load %arg0[%get3A_115, %get3A_116] : memref<8x4xf32, #tpu.memory_space<smem>>
    %get3A_118 = arith.constant 0 : index
    %get3A_119 = arith.constant 2 : index
    %get3A_120 = arith.constant 0 : index
    %get3A_121 = vector.load %arg1[%get3A_118, %get3A_119, %get3A_120] : memref<128x4x128xf32, #tpu.memory_space<vmem>>, vector<128x1x128xf32>
    %get3A_122 = vector.shape_cast %get3A_121 : vector<128x1x128xf32> to vector<128x128xf32>
    %mul3A_123 = vector.broadcast %get3A_117 : f32 to vector<128x128xf32>
    %mul3A_124 = arith.mulf %mul3A_123, %get3A_122 : vector<128x128xf32>
    %add3A_125 = arith.addf %add3A_114, %mul3A_124 : vector<128x128xf32>
    %get3A_126 = arith.constant 2 : index
    %get3A_127 = arith.constant 3 : index
    %get3A_128 = memref.load %arg0[%get3A_126, %get3A_127] : memref<8x4xf32, #tpu.memory_space<smem>>
    %get3A_129 = arith.constant 0 : index
    %get3A_130 = arith.constant 3 : index
    %get3A_131 = arith.constant 0 : index
    %get3A_132 = vector.load %arg1[%get3A_129, %get3A_130, %get3A_131] : memref<128x4x128xf32, #tpu.memory_space<vmem>>, vector<128x1x128xf32>
    %get3A_133 = vector.shape_cast %get3A_132 : vector<128x1x128xf32> to vector<128x128xf32>
    %mul3A_134 = vector.broadcast %get3A_128 : f32 to vector<128x128xf32>
    %mul3A_135 = arith.mulf %mul3A_134, %get3A_133 : vector<128x128xf32>
    %add3A_136 = arith.addf %add3A_125, %mul3A_135 : vector<128x128xf32>
    %swap3A_137 = arith.constant 0 : index
    %swap3A_138 = arith.constant 2 : index
    %swap3A_139 = arith.constant 0 : index
    %swap3A_140 = vector.load %arg2[%swap3A_137, %swap3A_138, %swap3A_139] : memref<128x8x128xf32, #tpu.memory_space<vmem>>, vector<128x1x128xf32>
    %swap3A_141 = vector.shape_cast %swap3A_140 : vector<128x1x128xf32> to vector<128x128xf32>
    %swap3A_142 = vector.shape_cast %add3A_136 : vector<128x128xf32> to vector<128x1x128xf32>
    tpu.vector_store %arg2[%swap3A_137, %swap3A_138, %swap3A_139], %swap3A_142 {strides = array<i32>} : memref<128x8x128xf32, #tpu.memory_space<vmem>>, vector<128x1x128xf32>,
    %get3A_143 = arith.constant 3 : index
    %get3A_144 = arith.constant 0 : index
    %get3A_145 = memref.load %arg0[%get3A_143, %get3A_144] : memref<8x4xf32, #tpu.memory_space<smem>>
    %get3A_146 = arith.constant 0 : index
    %get3A_147 = arith.constant 0 : index
    %get3A_148 = arith.constant 0 : index
    %get3A_149 = vector.load %arg1[%get3A_146, %get3A_147, %get3A_148] : memref<128x4x128xf32, #tpu.memory_space<vmem>>, vector<128x1x128xf32>
    %get3A_150 = vector.shape_cast %get3A_149 : vector<128x1x128xf32> to vector<128x128xf32>
    %mul3A_151 = vector.broadcast %get3A_145 : f32 to vector<128x128xf32>
    %mul3A_152 = arith.mulf %mul3A_151, %get3A_150 : vector<128x128xf32>
    %get3A_153 = arith.constant 3 : index
    %get3A_154 = arith.constant 1 : index
    %get3A_155 = memref.load %arg0[%get3A_153, %get3A_154] : memref<8x4xf32, #tpu.memory_space<smem>>
    %get3A_156 = arith.constant 0 : index
    %get3A_157 = arith.constant 1 : index
    %get3A_158 = arith.constant 0 : index
    %get3A_159 = vector.load %arg1[%get3A_156, %get3A_157, %get3A_158] : memref<128x4x128xf32, #tpu.memory_space<vmem>>, vector<128x1x128xf32>
    %get3A_160 = vector.shape_cast %get3A_159 : vector<128x1x128xf32> to vector<128x128xf32>
    %mul3A_161 = vector.broadcast %get3A_155 : f32 to vector<128x128xf32>
    %mul3A_162 = arith.mulf %mul3A_161, %get3A_160 : vector<128x128xf32>
    %add3A_163 = arith.addf %mul3A_152, %mul3A_162 : vector<128x128xf32>
    %get3A_164 = arith.constant 3 : index
    %get3A_165 = arith.constant 2 : index
    %get3A_166 = memref.load %arg0[%get3A_164, %get3A_165] : memref<8x4xf32, #tpu.memory_space<smem>>
    %get3A_167 = arith.constant 0 : index
    %get3A_168 = arith.constant 2 : index
    %get3A_169 = arith.constant 0 : index
    %get3A_170 = vector.load %arg1[%get3A_167, %get3A_168, %get3A_169] : memref<128x4x128xf32, #tpu.memory_space<vmem>>, vector<128x1x128xf32>
    %get3A_171 = vector.shape_cast %get3A_170 : vector<128x1x128xf32> to vector<128x128xf32>
    %mul3A_172 = vector.broadcast %get3A_166 : f32 to vector<128x128xf32>
    %mul3A_173 = arith.mulf %mul3A_172, %get3A_171 : vector<128x128xf32>
    %add3A_174 = arith.addf %add3A_163, %mul3A_173 : vector<128x128xf32>
    %get3A_175 = arith.constant 3 : index
    %get3A_176 = arith.constant 3 : index
    %get3A_177 = memref.load %arg0[%get3A_175, %get3A_176] : memref<8x4xf32, #tpu.memory_space<smem>>
    %get3A_178 = arith.constant 0 : index
    %get3A_179 = arith.constant 3 : index
    %get3A_180 = arith.constant 0 : index
    %get3A_181 = vector.load %arg1[%get3A_178, %get3A_179, %get3A_180] : memref<128x4x128xf32, #tpu.memory_space<vmem>>, vector<128x1x128xf32>
    %get3A_182 = vector.shape_cast %get3A_181 : vector<128x1x128xf32> to vector<128x128xf32>
    %mul3A_183 = vector.broadcast %get3A_177 : f32 to vector<128x128xf32>
    %mul3A_184 = arith.mulf %mul3A_183, %get3A_182 : vector<128x128xf32>
    %add3A_185 = arith.addf %add3A_174, %mul3A_184 : vector<128x128xf32>
    %swap3A_186 = arith.constant 0 : index
    %swap3A_187 = arith.constant 3 : index
    %swap3A_188 = arith.constant 0 : index
    %swap3A_189 = vector.load %arg2[%swap3A_186, %swap3A_187, %swap3A_188] : memref<128x8x128xf32, #tpu.memory_space<vmem>>, vector<128x1x128xf32>
    %swap3A_190 = vector.shape_cast %swap3A_189 : vector<128x1x128xf32> to vector<128x128xf32>
    %swap3A_191 = vector.shape_cast %add3A_185 : vector<128x128xf32> to vector<128x1x128xf32>
    tpu.vector_store %arg2[%swap3A_186, %swap3A_187, %swap3A_188], %swap3A_191 {strides = array<i32>} : memref<128x8x128xf32, #tpu.memory_space<vmem>>, vector<128x1x128xf32>,
    %get3A_192 = arith.constant 4 : index
    %get3A_193 = arith.constant 0 : index
    %get3A_194 = memref.load %arg0[%get3A_192, %get3A_193] : memref<8x4xf32, #tpu.memory_space<smem>>
    %get3A_195 = arith.constant 0 : index
    %get3A_196 = arith.constant 0 : index
    %get3A_197 = arith.constant 0 : index
    %get3A_198 = vector.load %arg1[%get3A_195, %get3A_196, %get3A_197] : memref<128x4x128xf32, #tpu.memory_space<vmem>>, vector<128x1x128xf32>
    %get3A_199 = vector.shape_cast %get3A_198 : vector<128x1x128xf32> to vector<128x128xf32>
    %mul3A_200 = vector.broadcast %get3A_194 : f32 to vector<128x128xf32>
    %mul3A_201 = arith.mulf %mul3A_200, %get3A_199 : vector<128x128xf32>
    %get3A_202 = arith.constant 4 : index
    %get3A_203 = arith.constant 1 : index
    %get3A_204 = memref.load %arg0[%get3A_202, %get3A_203] : memref<8x4xf32, #tpu.memory_space<smem>>
    %get3A_205 = arith.constant 0 : index
    %get3A_206 = arith.constant 1 : index
    %get3A_207 = arith.constant 0 : index
    %get3A_208 = vector.load %arg1[%get3A_205, %get3A_206, %get3A_207] : memref<128x4x128xf32, #tpu.memory_space<vmem>>, vector<128x1x128xf32>
    %get3A_209 = vector.shape_cast %get3A_208 : vector<128x1x128xf32> to vector<128x128xf32>
    %mul3A_210 = vector.broadcast %get3A_204 : f32 to vector<128x128xf32>
    %mul3A_211 = arith.mulf %mul3A_210, %get3A_209 : vector<128x128xf32>
    %add3A_212 = arith.addf %mul3A_201, %mul3A_211 : vector<128x128xf32>
    %get3A_213 = arith.constant 4 : index
    %get3A_214 = arith.constant 2 : index
    %get3A_215 = memref.load %arg0[%get3A_213, %get3A_214] : memref<8x4xf32, #tpu.memory_space<smem>>
    %get3A_216 = arith.constant 0 : index
    %get3A_217 = arith.constant 2 : index
    %get3A_218 = arith.constant 0 : index
    %get3A_219 = vector.load %arg1[%get3A_216, %get3A_217, %get3A_218] : memref<128x4x128xf32, #tpu.memory_space<vmem>>, vector<128x1x128xf32>
    %get3A_220 = vector.shape_cast %get3A_219 : vector<128x1x128xf32> to vector<128x128xf32>
    %mul3A_221 = vector.broadcast %get3A_215 : f32 to vector<128x128xf32>
    %mul3A_222 = arith.mulf %mul3A_221, %get3A_220 : vector<128x128xf32>
    %add3A_223 = arith.addf %add3A_212, %mul3A_222 : vector<128x128xf32>
    %get3A_224 = arith.constant 4 : index
    %get3A_225 = arith.constant 3 : index
    %get3A_226 = memref.load %arg0[%get3A_224, %get3A_225] : memref<8x4xf32, #tpu.memory_space<smem>>
    %get3A_227 = arith.constant 0 : index
    %get3A_228 = arith.constant 3 : index
    %get3A_229 = arith.constant 0 : index
    %get3A_230 = vector.load %arg1[%get3A_227, %get3A_228, %get3A_229] : memref<128x4x128xf32, #tpu.memory_space<vmem>>, vector<128x1x128xf32>
    %get3A_231 = vector.shape_cast %get3A_230 : vector<128x1x128xf32> to vector<128x128xf32>
    %mul3A_232 = vector.broadcast %get3A_226 : f32 to vector<128x128xf32>
    %mul3A_233 = arith.mulf %mul3A_232, %get3A_231 : vector<128x128xf32>
    %add3A_234 = arith.addf %add3A_223, %mul3A_233 : vector<128x128xf32>
    %swap3A_235 = arith.constant 0 : index
    %swap3A_236 = arith.constant 4 : index
    %swap3A_237 = arith.constant 0 : index
    %swap3A_238 = vector.load %arg2[%swap3A_235, %swap3A_236, %swap3A_237] : memref<128x8x128xf32, #tpu.memory_space<vmem>>, vector<128x1x128xf32>
    %swap3A_239 = vector.shape_cast %swap3A_238 : vector<128x1x128xf32> to vector<128x128xf32>
    %swap3A_240 = vector.shape_cast %add3A_234 : vector<128x128xf32> to vector<128x1x128xf32>
    tpu.vector_store %arg2[%swap3A_235, %swap3A_236, %swap3A_237], %swap3A_240 {strides = array<i32>} : memref<128x8x128xf32, #tpu.memory_space<vmem>>, vector<128x1x128xf32>,
    %get3A_241 = arith.constant 5 : index
    %get3A_242 = arith.constant 0 : index
    %get3A_243 = memref.load %arg0[%get3A_241, %get3A_242] : memref<8x4xf32, #tpu.memory_space<smem>>
    %get3A_244 = arith.constant 0 : index
    %get3A_245 = arith.constant 0 : index
    %get3A_246 = arith.constant 0 : index
    %get3A_247 = vector.load %arg1[%get3A_244, %get3A_245, %get3A_246] : memref<128x4x128xf32, #tpu.memory_space<vmem>>, vector<128x1x128xf32>
    %get3A_248 = vector.shape_cast %get3A_247 : vector<128x1x128xf32> to vector<128x128xf32>
    %mul3A_249 = vector.broadcast %get3A_243 : f32 to vector<128x128xf32>
    %mul3A_250 = arith.mulf %mul3A_249, %get3A_248 : vector<128x128xf32>
    %get3A_251 = arith.constant 5 : index
    %get3A_252 = arith.constant 1 : index
    %get3A_253 = memref.load %arg0[%get3A_251, %get3A_252] : memref<8x4xf32, #tpu.memory_space<smem>>
    %get3A_254 = arith.constant 0 : index
    %get3A_255 = arith.constant 1 : index
    %get3A_256 = arith.constant 0 : index
    %get3A_257 = vector.load %arg1[%get3A_254, %get3A_255, %get3A_256] : memref<128x4x128xf32, #tpu.memory_space<vmem>>, vector<128x1x128xf32>
    %get3A_258 = vector.shape_cast %get3A_257 : vector<128x1x128xf32> to vector<128x128xf32>
    %mul3A_259 = vector.broadcast %get3A_253 : f32 to vector<128x128xf32>
    %mul3A_260 = arith.mulf %mul3A_259, %get3A_258 : vector<128x128xf32>
    %add3A_261 = arith.addf %mul3A_250, %mul3A_260 : vector<128x128xf32>
    %get3A_262 = arith.constant 5 : index
    %get3A_263 = arith.constant 2 : index
    %get3A_264 = memref.load %arg0[%get3A_262, %get3A_263] : memref<8x4xf32, #tpu.memory_space<smem>>
    %get3A_265 = arith.constant 0 : index
    %get3A_266 = arith.constant 2 : index
    %get3A_267 = arith.constant 0 : index
    %get3A_268 = vector.load %arg1[%get3A_265, %get3A_266, %get3A_267] : memref<128x4x128xf32, #tpu.memory_space<vmem>>, vector<128x1x128xf32>
    %get3A_269 = vector.shape_cast %get3A_268 : vector<128x1x128xf32> to vector<128x128xf32>
    %mul3A_270 = vector.broadcast %get3A_264 : f32 to vector<128x128xf32>
    %mul3A_271 = arith.mulf %mul3A_270, %get3A_269 : vector<128x128xf32>
    %add3A_272 = arith.addf %add3A_261, %mul3A_271 : vector<128x128xf32>
    %get3A_273 = arith.constant 5 : index
    %get3A_274 = arith.constant 3 : index
    %get3A_275 = memref.load %arg0[%get3A_273, %get3A_274] : memref<8x4xf32, #tpu.memory_space<smem>>
    %get3A_276 = arith.constant 0 : index
    %get3A_277 = arith.constant 3 : index
    %get3A_278 = arith.constant 0 : index
    %get3A_279 = vector.load %arg1[%get3A_276, %get3A_277, %get3A_278] : memref<128x4x128xf32, #tpu.memory_space<vmem>>, vector<128x1x128xf32>
    %get3A_280 = vector.shape_cast %get3A_279 : vector<128x1x128xf32> to vector<128x128xf32>
    %mul3A_281 = vector.broadcast %get3A_275 : f32 to vector<128x128xf32>
    %mul3A_282 = arith.mulf %mul3A_281, %get3A_280 : vector<128x128xf32>
    %add3A_283 = arith.addf %add3A_272, %mul3A_282 : vector<128x128xf32>
    %swap3A_284 = arith.constant 0 : index
    %swap3A_285 = arith.constant 5 : index
    %swap3A_286 = arith.constant 0 : index
    %swap3A_287 = vector.load %arg2[%swap3A_284, %swap3A_285, %swap3A_286] : memref<128x8x128xf32, #tpu.memory_space<vmem>>, vector<128x1x128xf32>
    %swap3A_288 = vector.shape_cast %swap3A_287 : vector<128x1x128xf32> to vector<128x128xf32>
    %swap3A_289 = vector.shape_cast %add3A_283 : vector<128x128xf32> to vector<128x1x128xf32>
    tpu.vector_store %arg2[%swap3A_284, %swap3A_285, %swap3A_286], %swap3A_289 {strides = array<i32>} : memref<128x8x128xf32, #tpu.memory_space<vmem>>, vector<128x1x128xf32>,
    %get3A_290 = arith.constant 6 : index
    %get3A_291 = arith.constant 0 : index
    %get3A_292 = memref.load %arg0[%get3A_290, %get3A_291] : memref<8x4xf32, #tpu.memory_space<smem>>
    %get3A_293 = arith.constant 0 : index
    %get3A_294 = arith.constant 0 : index
    %get3A_295 = arith.constant 0 : index
    %get3A_296 = vector.load %arg1[%get3A_293, %get3A_294, %get3A_295] : memref<128x4x128xf32, #tpu.memory_space<vmem>>, vector<128x1x128xf32>
    %get3A_297 = vector.shape_cast %get3A_296 : vector<128x1x128xf32> to vector<128x128xf32>
    %mul3A_298 = vector.broadcast %get3A_292 : f32 to vector<128x128xf32>
    %mul3A_299 = arith.mulf %mul3A_298, %get3A_297 : vector<128x128xf32>
    %get3A_300 = arith.constant 6 : index
    %get3A_301 = arith.constant 1 : index
    %get3A_302 = memref.load %arg0[%get3A_300, %get3A_301] : memref<8x4xf32, #tpu.memory_space<smem>>
    %get3A_303 = arith.constant 0 : index
    %get3A_304 = arith.constant 1 : index
    %get3A_305 = arith.constant 0 : index
    %get3A_306 = vector.load %arg1[%get3A_303, %get3A_304, %get3A_305] : memref<128x4x128xf32, #tpu.memory_space<vmem>>, vector<128x1x128xf32>
    %get3A_307 = vector.shape_cast %get3A_306 : vector<128x1x128xf32> to vector<128x128xf32>
    %mul3A_308 = vector.broadcast %get3A_302 : f32 to vector<128x128xf32>
    %mul3A_309 = arith.mulf %mul3A_308, %get3A_307 : vector<128x128xf32>
    %add3A_310 = arith.addf %mul3A_299, %mul3A_309 : vector<128x128xf32>
    %get3A_311 = arith.constant 6 : index
    %get3A_312 = arith.constant 2 : index
    %get3A_313 = memref.load %arg0[%get3A_311, %get3A_312] : memref<8x4xf32, #tpu.memory_space<smem>>
    %get3A_314 = arith.constant 0 : index
    %get3A_315 = arith.constant 2 : index
    %get3A_316 = arith.constant 0 : index
    %get3A_317 = vector.load %arg1[%get3A_314, %get3A_315, %get3A_316] : memref<128x4x128xf32, #tpu.memory_space<vmem>>, vector<128x1x128xf32>
    %get3A_318 = vector.shape_cast %get3A_317 : vector<128x1x128xf32> to vector<128x128xf32>
    %mul3A_319 = vector.broadcast %get3A_313 : f32 to vector<128x128xf32>
    %mul3A_320 = arith.mulf %mul3A_319, %get3A_318 : vector<128x128xf32>
    %add3A_321 = arith.addf %add3A_310, %mul3A_320 : vector<128x128xf32>
    %get3A_322 = arith.constant 6 : index
    %get3A_323 = arith.constant 3 : index
    %get3A_324 = memref.load %arg0[%get3A_322, %get3A_323] : memref<8x4xf32, #tpu.memory_space<smem>>
    %get3A_325 = arith.constant 0 : index
    %get3A_326 = arith.constant 3 : index
    %get3A_327 = arith.constant 0 : index
    %get3A_328 = vector.load %arg1[%get3A_325, %get3A_326, %get3A_327] : memref<128x4x128xf32, #tpu.memory_space<vmem>>, vector<128x1x128xf32>
    %get3A_329 = vector.shape_cast %get3A_328 : vector<128x1x128xf32> to vector<128x128xf32>
    %mul3A_330 = vector.broadcast %get3A_324 : f32 to vector<128x128xf32>
    %mul3A_331 = arith.mulf %mul3A_330, %get3A_329 : vector<128x128xf32>
    %add3A_332 = arith.addf %add3A_321, %mul3A_331 : vector<128x128xf32>
    %swap3A_333 = arith.constant 0 : index
    %swap3A_334 = arith.constant 6 : index
    %swap3A_335 = arith.constant 0 : index
    %swap3A_336 = vector.load %arg2[%swap3A_333, %swap3A_334, %swap3A_335] : memref<128x8x128xf32, #tpu.memory_space<vmem>>, vector<128x1x128xf32>
    %swap3A_337 = vector.shape_cast %swap3A_336 : vector<128x1x128xf32> to vector<128x128xf32>
    %swap3A_338 = vector.shape_cast %add3A_332 : vector<128x128xf32> to vector<128x1x128xf32>
    tpu.vector_store %arg2[%swap3A_333, %swap3A_334, %swap3A_335], %swap3A_338 {strides = array<i32>} : memref<128x8x128xf32, #tpu.memory_space<vmem>>, vector<128x1x128xf32>,
    %get3A_339 = arith.constant 7 : index
    %get3A_340 = arith.constant 0 : index
    %get3A_341 = memref.load %arg0[%get3A_339, %get3A_340] : memref<8x4xf32, #tpu.memory_space<smem>>
    %get3A_342 = arith.constant 0 : index
    %get3A_343 = arith.constant 0 : index
    %get3A_344 = arith.constant 0 : index
    %get3A_345 = vector.load %arg1[%get3A_342, %get3A_343, %get3A_344] : memref<128x4x128xf32, #tpu.memory_space<vmem>>, vector<128x1x128xf32>
    %get3A_346 = vector.shape_cast %get3A_345 : vector<128x1x128xf32> to vector<128x128xf32>
    %mul3A_347 = vector.broadcast %get3A_341 : f32 to vector<128x128xf32>
    %mul3A_348 = arith.mulf %mul3A_347, %get3A_346 : vector<128x128xf32>
    %get3A_349 = arith.constant 7 : index
    %get3A_350 = arith.constant 1 : index
    %get3A_351 = memref.load %arg0[%get3A_349, %get3A_350] : memref<8x4xf32, #tpu.memory_space<smem>>
    %get3A_352 = arith.constant 0 : index
    %get3A_353 = arith.constant 1 : index
    %get3A_354 = arith.constant 0 : index
    %get3A_355 = vector.load %arg1[%get3A_352, %get3A_353, %get3A_354] : memref<128x4x128xf32, #tpu.memory_space<vmem>>, vector<128x1x128xf32>
    %get3A_356 = vector.shape_cast %get3A_355 : vector<128x1x128xf32> to vector<128x128xf32>
    %mul3A_357 = vector.broadcast %get3A_351 : f32 to vector<128x128xf32>
    %mul3A_358 = arith.mulf %mul3A_357, %get3A_356 : vector<128x128xf32>
    %add3A_359 = arith.addf %mul3A_348, %mul3A_358 : vector<128x128xf32>
    %get3A_360 = arith.constant 7 : index
    %get3A_361 = arith.constant 2 : index
    %get3A_362 = memref.load %arg0[%get3A_360, %get3A_361] : memref<8x4xf32, #tpu.memory_space<smem>>
    %get3A_363 = arith.constant 0 : index
    %get3A_364 = arith.constant 2 : index
    %get3A_365 = arith.constant 0 : index
    %get3A_366 = vector.load %arg1[%get3A_363, %get3A_364, %get3A_365] : memref<128x4x128xf32, #tpu.memory_space<vmem>>, vector<128x1x128xf32>
    %get3A_367 = vector.shape_cast %get3A_366 : vector<128x1x128xf32> to vector<128x128xf32>
    %mul3A_368 = vector.broadcast %get3A_362 : f32 to vector<128x128xf32>
    %mul3A_369 = arith.mulf %mul3A_368, %get3A_367 : vector<128x128xf32>
    %add3A_370 = arith.addf %add3A_359, %mul3A_369 : vector<128x128xf32>
    %get3A_371 = arith.constant 7 : index
    %get3A_372 = arith.constant 3 : index
    %get3A_373 = memref.load %arg0[%get3A_371, %get3A_372] : memref<8x4xf32, #tpu.memory_space<smem>>
    %get3A_374 = arith.constant 0 : index
    %get3A_375 = arith.constant 3 : index
    %get3A_376 = arith.constant 0 : index
    %get3A_377 = vector.load %arg1[%get3A_374, %get3A_375, %get3A_376] : memref<128x4x128xf32, #tpu.memory_space<vmem>>, vector<128x1x128xf32>
    %get3A_378 = vector.shape_cast %get3A_377 : vector<128x1x128xf32> to vector<128x128xf32>
    %mul3A_379 = vector.broadcast %get3A_373 : f32 to vector<128x128xf32>
    %mul3A_380 = arith.mulf %mul3A_379, %get3A_378 : vector<128x128xf32>
    %add3A_381 = arith.addf %add3A_370, %mul3A_380 : vector<128x128xf32>
    %swap3A_382 = arith.constant 0 : index
    %swap3A_383 = arith.constant 7 : index
    %swap3A_384 = arith.constant 0 : index
    %swap3A_385 = vector.load %arg2[%swap3A_382, %swap3A_383, %swap3A_384] : memref<128x8x128xf32, #tpu.memory_space<vmem>>, vector<128x1x128xf32>
    %swap3A_386 = vector.shape_cast %swap3A_385 : vector<128x1x128xf32> to vector<128x128xf32>
    %swap3A_387 = vector.shape_cast %add3A_381 : vector<128x128xf32> to vector<128x1x128xf32>
    tpu.vector_store %arg2[%swap3A_382, %swap3A_383, %swap3A_384], %swap3A_387 {strides = array<i32>} : memref<128x8x128xf32, #tpu.memory_space<vmem>>, vector<128x1x128xf32>,
    return
  }
}

module attributes {stable_mosaic.version = 14 : i64} {
  func.func @_tc_body(%arg0: i32, %arg1: i32, %arg2: memref<1x128x128xf32, #tpu.memory_space<vmem>>, %arg3: memref<400x128xf32, #tpu.memory_space<vmem>>, %arg4: memref<400x1xf32, #tpu.memory_space<vmem>>, %arg5: memref<400x128xf32, #tpu.memory_space<vmem>>) attributes {dimension_semantics = [#tpu.dimension_semantics<arbitrary>, #tpu.dimension_semantics<arbitrary>], iteration_bounds = array<i64: 25, 8>, scalar_prefetch = 0 : i64, scratch_operands = 0 : i64, tpu.core_type = #tpu.core_type<tc>, window_params = [{transform_indices = @transform_0, window_bounds = array<i64: 1, 128, 128>}, {transform_indices = @transform_1, window_bounds = array<i64: 400, 128>}, {transform_indices = @transform_2, window_bounds = array<i64: 400, 1>}, {transform_indices = @transform_3, window_bounds = array<i64: 400, 128>}]} {
    %get3A = arith.constant 0 : index
    %get3A_0 = arith.constant 0 : index
    %get3A_1 = arith.constant 0 : index
    %get3A_2 = vector.load %arg2[%get3A, %get3A_0, %get3A_1] : memref<1x128x128xf32, #tpu.memory_space<vmem>>, vector<1x128x128xf32>
    %get3A_3 = vector.shape_cast %get3A_2 : vector<1x128x128xf32> to vector<128x128xf32>
    %get3A_4 = arith.constant 0 : index
    %get3A_5 = arith.constant 0 : index
    %get3A_6 = vector.load %arg4[%get3A_4, %get3A_5] : memref<400x1xf32, #tpu.memory_space<vmem>>, vector<400x1xf32>
    %max3A = arith.constant 1.000000e+00 : f32
    %max3A_7 = vector.broadcast %max3A : f32 to vector<400x1xf32>
    %max3A_8 = arith.maximumf %get3A_6, %max3A_7 : vector<400x1xf32>
    %div3A = arith.constant 1.000000e+00 : f32
    %div3A_9 = vector.broadcast %div3A : f32 to vector<400x1xf32>
    %div3A_10 = arith.divf %div3A_9, %max3A_8 : vector<400x1xf32>
    %get3A_11 = arith.constant 0 : index
    %get3A_12 = arith.constant 0 : index
    %get3A_13 = vector.load %arg3[%get3A_11, %get3A_12] : memref<400x128xf32, #tpu.memory_space<vmem>>, vector<400x128xf32>
    %mul3A = vector.broadcast %div3A_10 : vector<400x1xf32> to vector<400x128xf32>
    %mul3A_14 = arith.mulf %get3A_13, %mul3A : vector<400x128xf32>
    %dot_general3A = arith.constant dense<0.000000e+00> : vector<400x128xf32>
    %dot_general3A_15 = tpu.matmul %mul3A_14, %get3A_3, %dot_general3A {dimension_numbers = #tpu.dot_dimension_numbers<[1], [0], [0], [1], [0, 0, 1, 1], [], []>, transpose_lhs_hint = false} : vector<400x128xf32>, vector<128x128xf32>, vector<400x128xf32> -> vector<400x128xf32>
    %eq3A = arith.constant 0 : i32
    %eq3A_16 = arith.cmpi eq, %arg1, %eq3A : i32
    %convert_element_type3A = arith.extui %eq3A_16 : i1 to i32
    %cond3A = arith.constant 0 : i32
    %cond3A_17 = arith.cmpi ne, %convert_element_type3A, %cond3A : i32
    scf.if %cond3A_17 {
      %swap3A = arith.constant 0 : index
      %swap3A_22 = arith.constant 0 : index
      %swap3A_23 = vector.load %arg5[%swap3A, %swap3A_22] : memref<400x128xf32, #tpu.memory_space<vmem>>, vector<400x128xf32>
      tpu.vector_store %arg5[%swap3A, %swap3A_22], %dot_general3A_15 {strides = array<i32>} : memref<400x128xf32, #tpu.memory_space<vmem>>, vector<400x128xf32>,
    } else {
    }
    %ne3A = arith.constant 0 : i32
    %ne3A_18 = arith.cmpi ne, %arg1, %ne3A : i32
    %convert_element_type3A_19 = arith.extui %ne3A_18 : i1 to i32
    %cond3A_20 = arith.constant 0 : i32
    %cond3A_21 = arith.cmpi ne, %convert_element_type3A_19, %cond3A_20 : i32
    scf.if %cond3A_21 {
      %get3A_22 = arith.constant 0 : index
      %get3A_23 = arith.constant 0 : index
      %get3A_24 = vector.load %arg5[%get3A_22, %get3A_23] : memref<400x128xf32, #tpu.memory_space<vmem>>, vector<400x128xf32>
      %add3A = arith.addf %get3A_24, %dot_general3A_15 : vector<400x128xf32>
      %swap3A = arith.constant 0 : index
      %swap3A_25 = arith.constant 0 : index
      %swap3A_26 = vector.load %arg5[%swap3A, %swap3A_25] : memref<400x128xf32, #tpu.memory_space<vmem>>, vector<400x128xf32>
      tpu.vector_store %arg5[%swap3A, %swap3A_25], %add3A {strides = array<i32>} : memref<400x128xf32, #tpu.memory_space<vmem>>, vector<400x128xf32>,
    } else {
    }
    return
  }
  func.func @transform_0(%arg0: i32, %arg1: i32) -> (i32, i32, i32) {
    %c0_i32 = arith.constant 0 : i32
    %c0_i32_0 = arith.constant 0 : i32
    %c0_i32_1 = arith.constant 0 : i32
    return %arg1, %c0_i32, %c0_i32_0 : i32, i32, i32
  }
  func.func @transform_1(%arg0: i32, %arg1: i32) -> (i32, i32) {
    %mul3A = arith.constant 25 : i32
    %mul3A_0 = arith.muli %arg1, %mul3A : i32
    %add3A = arith.addi %mul3A_0, %arg0 : i32
    %c0_i32 = arith.constant 0 : i32
    %c0_i32_1 = arith.constant 0 : i32
    return %add3A, %c0_i32 : i32, i32
  }
  func.func @transform_2(%arg0: i32, %arg1: i32) -> (i32, i32) {
    %mul3A = arith.constant 25 : i32
    %mul3A_0 = arith.muli %arg1, %mul3A : i32
    %add3A = arith.addi %mul3A_0, %arg0 : i32
    %c0_i32 = arith.constant 0 : i32
    %c0_i32_1 = arith.constant 0 : i32
    return %add3A, %c0_i32 : i32, i32
  }
  func.func @transform_3(%arg0: i32, %arg1: i32) -> (i32, i32) {
    %c0_i32 = arith.constant 0 : i32
    %c0_i32_0 = arith.constant 0 : i32
    return %arg0, %c0_i32 : i32, i32
  }
}

</mosaic_0001>

<sc_bundles>
// kernel: kernel.5.cloned.1.call-start
scs
__scs_entry_jumppad:
0x0: {  	(pc) =	sbr.rel $0x88, $3  }
0x1: {  	(tag) =	ssettag $0x0;
	lr =	simm.s32 $0x1  }
0x2: {  	[smem:$0x3F9D] =	sst lr;
	_ =	strace $0xD0000000  }
0x3: {  	_ = 	snop  }
0x4: {  	_ = 	snop  }
0x5: {  	_ = 	snop  }
0x6: {  	_ = 	snop  }
0x7: {  	_ = 	snop  }
__scs_overlays_trampoline_lowered:
0x8: {  	[smem:$0x3FAC] =	sst s0  }
0x9: {  	[smem:$0x3FAD] =	sst s1  }
0xa: {  	[smem:$0x3FAE] =	sst s2  }
0xb: {  	[smem:$0x3FAF] =	sst s3  }
0xc: {  	[smem:$0x3FB0] =	sst s4  }
0xd: {  	[smem:$0x3FB1] =	sst s5  }
0xe: {  	[smem:$0x3FB2] =	sst s6  }
0xf: {  	[smem:$0x3FB3] =	sst s7  }
0x10: {  	[smem:$0x3FB4] =	sst s8  }
0x11: {  	[smem:$0x3FB5] =	sst s9;
	s0 =	simm.s32 @!p0 $0x0  }
0x12: {  	s1 =	sld [smem:$0x3F9B];
	s0 =	simm.s32 @p0 $0x1  }
0x13: {  	[smem:$0x3FB6] =	sst s0;
	s0 =	simm.s32 @!p1 $0x0  }
0x14: {  	s2 =	sld [smem:$0x3F9A];
	s0 =	simm.s32 @p1 $0x1  }
0x15: {  	[smem:$0x3FB7] =	sst s0;
	s0 =	simm.s32 @!p2 $0x0  }
0x16: {  	s3 =	sld [smem:$0x3FDB];
	s0 =	simm.s32 @p2 $0x1  }
0x17: {  	s4 =	simm.s32 $0x1BF5;
	[smem:$0x3FB9] =	sst s0  }
0x18: {  	s0 =	sld [smem:$0x3F9C];
	_ =	swait.ge [sflag:s4], $0x0  }
0x19: {  	s7 =	sld [smem:$0x3F9D]  }
0x1a: {  	s8 =	sadd.s32 $0xFFFFE003, lr  }
0x1b: {  	s9 =	sadd.s32 $0xFFFFFEF7, lr;
	s5 =	simm.s32 $0xFFFFFFFF;
	p2 =	slt.u32 s8, $0xFFFFF086  }
0x1c: {  	p1 =	slt.u32 s9, $0xF7A;
	s5 =	simm.s32 @!p2 $0x0  }
0x1d: {  	s5 =	simm.s32 @p1 $0x1;
	p0 =	seq.s32 s7, s2  }
0x1e: {  	s7 =	smul.u32 @!p0 $0xF7A, s2;
	p2 =	seq.s32 @!p0 s5, $0x0  }
0x1f: {  	s9 =	smul.u32 $0xF7A, s1;
	s8 =	simm.s32 @!p0 $0x1BF5;
	p2 =	por !p2, p0  }
0x20: {  	[sflag:s8] =	ssyncset.s32 @!p0 $0xFFFFF086;
	s6 =	sadd.s32 @!p0 s3, s7;
	s7 =	simm.s32 @!p0 $0x108  }
0x21: {  	s3 =	sadd.s32 s3, s9;
	s6 =	sadd.s32 @!p0 $0x88, s6;
	s7 =	simm.s32 @p2 $0x1082  }
0x22: {  	[simem:s7], [sflag:s8] =	dma.local @!p0 [hbm:s6], $0xF7A  }
0x23: {  	s9 =	sor.u32 $0xD0000000, s2;
	s6 =	simm.s32 $0x108;
	_ =	swait.ge @!p0 [sflag:s8], $0x0  }
0x24: {  	s3 =	sadd.s32 $0x88, s3;
	s6 =	simm.s32 @!p1 $0x1082;
	[sflag:s4] =	ssyncset.s32 $0xFFFFF086  }
0x25: {  	[simem:s6], [sflag:s4] =	dma.local [hbm:s3], $0xF7A  }
0x26: {  	[smem:$0x3F9D] =	sst s1;
	(tag) =	ssettag s2;
	_ =	strace s9  }
0x27: {  	s1 =	sld [smem:$0x3FAD]  }
0x28: {  	s2 =	sld [smem:$0x3FAE]  }
0x29: {  	s4 =	sld [smem:$0x3FB0]  }
0x2a: {  	p0 =	seq.s32 s5, $0x0;
	s5 =	sld [smem:$0x3FB1]  }
0x2b: {  	s6 =	sld [smem:$0x3FB2]  }
0x2c: {  	s7 =	sld [smem:$0x3FB3]  }
0x2d: {  	s3 =	simm.s32 $0x108;
	s8 =	sld [smem:$0x3FB4]  }
0x2e: {  	s3 =	simm.s32 @!p0 $0x1082;
	s9 =	sld [smem:$0x3FB5]  }
0x2f: {  	lr =	sadd.s32 s0, s3;
	s0 =	sld [smem:$0x3FAC]  }
0x30: {  	s3 =	sld [smem:$0x3FAF]  }
0x31: {  	[smem:$0x3FB8] =	sst s10  }
0x32: {  	s10 =	sld [smem:$0x3FB6];
	_ =	sdelay $0x3  }
0x33: {  	p0 =	seq.s32 s10, $0x1;
	s10 =	sld [smem:$0x3FB8];
	_ =	sdelay $0x3  }
0x34: {  	[smem:$0x3FB8] =	sst s10  }
0x35: {  	s10 =	sld [smem:$0x3FB7];
	_ =	sdelay $0x3  }
0x36: {  	p1 =	seq.s32 s10, $0x1;
	s10 =	sld [smem:$0x3FB8];
	_ =	sdelay $0x3  }
0x37: {  	[smem:$0x3FB8] =	sst s10  }
0x38: {  	s10 =	sld [smem:$0x3FB9]  }
0x39: {  	_ = 	snop;
	(pc) =	sbr.ind lr, $3  }
0x3a: {  	_ = 	snop  }
0x3b: {  	_ = 	snop  }
0x3c: {  	p2 =	seq.s32 s10, $0x1;
	s10 =	sld [smem:$0x3FB8]  }
0x3d: {  	_ =	shalt  }
0x3e: {  	_ =	shalt  }
0x3f: {  	_ =	shalt  }
0x40: {  	_ =	shalt  }
0x41: {  	_ =	shalt  }
0x42: {  	_ =	shalt  }
0x43: {  	_ =	shalt  }
0x44: {  	_ =	shalt  }
0x45: {  	_ =	shalt  }
0x46: {  	_ =	shalt  }
0x47: {  	_ =	shalt  }
0x48: {  	_ =	shalt  }
0x49: {  	_ =	shalt  }
0x4a: {  	_ =	shalt  }
0x4b: {  	_ =	shalt  }
0x4c: {  	_ =	shalt  }
0x4d: {  	_ =	shalt  }
0x4e: {  	_ =	shalt  }
0x4f: {  	_ =	shalt  }
0x50: {  	_ =	shalt  }
0x51: {  	_ =	shalt  }
0x52: {  	_ =	shalt  }
0x53: {  	_ =	shalt  }
0x54: {  	_ =	shalt  }
0x55: {  	_ =	shalt  }
0x56: {  	_ =	shalt  }
0x57: {  	_ =	shalt  }
0x58: {  	_ =	shalt  }
0x59: {  	_ =	shalt  }
0x5a: {  	_ =	shalt  }
0x5b: {  	_ =	shalt  }
0x5c: {  	_ =	shalt  }
0x5d: {  	_ =	shalt  }
0x5e: {  	_ =	shalt  }
0x5f: {  	_ =	shalt  }
0x60: {  	_ =	shalt  }
0x61: {  	_ =	shalt  }
0x62: {  	_ =	shalt  }
0x63: {  	_ =	shalt  }
0x64: {  	_ =	shalt  }
0x65: {  	_ =	shalt  }
0x66: {  	_ =	shalt  }
0x67: {  	_ =	shalt  }
0x68: {  	_ =	shalt  }
0x69: {  	_ =	shalt  }
0x6a: {  	_ =	shalt  }
0x6b: {  	_ =	shalt  }
0x6c: {  	_ =	shalt  }
0x6d: {  	_ =	shalt  }
0x6e: {  	_ =	shalt  }
0x6f: {  	_ =	shalt  }
0x70: {  	_ =	shalt  }
0x71: {  	_ =	shalt  }
0x72: {  	_ =	shalt  }
0x73: {  	_ =	shalt  }
0x74: {  	_ =	shalt  }
0x75: {  	_ =	shalt  }
0x76: {  	_ =	shalt  }
0x77: {  	_ =	shalt  }
0x78: {  	_ =	shalt  }
0x79: {  	_ =	shalt  }
0x7a: {  	_ =	shalt  }
0x7b: {  	_ =	shalt  }
0x7c: {  	_ =	shalt  }
0x7d: {  	_ =	shalt  }
0x7e: {  	_ =	shalt  }
0x7f: {  	_ =	shalt  }
0x80: {  	_ =	shalt  }
0x81: {  	_ =	shalt  }
0x82: {  	_ =	shalt  }
0x83: {  	_ =	shalt  }
0x84: {  	_ =	shalt  }
0x85: {  	_ =	shalt  }
0x86: {  	_ =	shalt  }
0x87: {  	_ =	shalt  }
.Lfunc_end0:
.L_simem_size_0:
called_computation_lowered:
.L_overlay_start_0:
0x88: {  	s2 =	sld [smem:$0x3FD9]  }
0x89: {  	s3 =	sld [smem:$0x3FFE];
	_ =	sdelay $0x1  }
0x8a: {  	s1 =	srdreg.scid  }
0x8b: {  	s0 =	sand.u32 $0x1, s1  }
0x8c: {  	s17 =	sshll.u32 s0, $0xA;
	s2 =	sadd.s32 s3, s2  }
0x8d: {  	s2 =	sadd.s32 s2, s17  }
0x8e: {  	[smem:$0x3FC4] =	sst s2  }
0x8f: {  	_ = 	snop  }
0x90: {  	s2 =	sld [smem:$0x3FC9]  }
0x91: {  	s18 =	sld [smem:$0x3FD0];
	(tm) =	ssettm $0x1  }
0x92: {  	s4 =	sld [smem:$0x3FFB];
	_ =	sdelay $0x3  }
0x93: {  	_ =	strace s4  }
0x94: {  	s4 =	sld [smem:$0x3FFC];
	_ =	sdelay $0x3  }
0x95: {  	_ =	strace s4  }
0x96: {  	s4 =	sld [smem:$0x3FFD];
	_ =	sdelay $0x3  }
0x97: {  	_ =	strace s4  }
0x98: {  	_ =	strace $0x8FFFFFFF  }
0x99: {  	s19 =	sld [smem:$0x3FDB];
	_ =	sdelay $0x1  }
0x9a: {  	s5 =	simm.s32 $_scs_section_size  }
0x9b: {  	s6 =	simm.s32 $_size__tile_overlayer_lowered;
	s7 =	simm.s32 $_tile_overlayer_lowered  }
0x9c: {  	s22 =	simm.s32 $0x1BFF;
	s21 =	sshll.u32 s7, $0x1;
	s4 =	sadd.s32 s5, s19  }
0x9d: {  	s8 =	simm.s32 $0x0;
	s20 =	sshll.u32 s6, $0x1;
	s6 =	sadd.s32 s21, s4  }
0x9e: {  	[timem:s8], [sflag:s22] =	dma.local [hbm:s6], s20  }
0x9f: {  	_ =	swait.ge [sflag:s22], s20  }
0xa0: {  	s5 =	ssub.s32 $0x0, s20;
	[sflag:s22] =	ssyncset.done $0x0  }
0xa1: {  	[sflag:s22] =	ssyncadd.s32 s5;
	_ =	sdelay $0x1  }
0xa2: {  	s23 =	simm.s32 $0x1B8B  }
0xa3: {  	_ =	swait.ge [sflag:s23], $0x1  }
0xa4: {  	[sflag:s23] =	ssyncset.done $0x0  }
0xa5: {  	s25 =	simm.s32 $0x1B8E;
	s24 =	sld [smem:$0x3FFE];
	[sflag:s23] =	ssyncadd.s32 $0xFFFFFFFF  }
0xa6: {  	s26 =	simm.s32 $execute0_lowered;
	[smem:$0x3FD2] =	sst s25  }
0xa7: {  	s6 =	sshll.u32 s26, $0x1;
	_ =	strace $0x80000046;
	[dreg:$0x1] =	wrdreg $0xFFFFFFFF  }
0xa8: {  	s28 =	simm.s32 $_size_execute0_lowered;
	s4 =	sadd.s32 s4, s6;
	[dreg:$0x0] =	wrdreg $0x0  }
0xa9: {  	s6 =	sshll.u32 s28, $0x1;
	[dreg:$0x2] =	wrdreg s4  }
0xaa: {  	[dreg:$0x3] =	wrdreg s6  }
0xab: {  	[dreg:$0x4] =	wrdreg $0xC0  }
0xac: {  	_ =	task [dreg:s8], $0x5FFFF  }
0xad: {  	[dreg:$0x1] =	wrdreg $0xFFFFFFFF  }
0xae: {  	[dreg:$0x0] =	wrdreg $0x60  }
0xaf: {  	[dreg:$0x2] =	wrdreg s2  }
0xb0: {  	[dreg:$0x3] =	wrdreg s24  }
0xb1: {  	[dreg:$0x4] =	wrdreg s18  }
0xb2: {  	[dreg:$0x5] =	wrdreg $0x7C800  }
0xb3: {  	[dreg:$0x6] =	wrdreg $0x179000  }
0xb4: {  	[dreg:$0x7] =	wrdreg $0x9  }
0xb5: {  	_ =	task.clear_ibuf [dreg:s8], $0x8FFFF;
	_ =	strace $0x90000046  }
0xb6: {  	s29 =	simm.s32 $0x9;
	_ =	strace $0x80000048  }
0xb7: {  	_ =	swait.ge [sflag:s29], $0x1  }
0xb8: {  	[sflag:s29] =	ssyncadd.s32 $0xFFFFFFFF  }
0xb9: {  	_ =	strace $0x90000048  }
0xba: {  	_ =	sfence  }
0xbb: {  	s30 =	sld [smem:$0x0];
	_ =	sdelay $0x2  }
0xbc: {  	s31 =	sshll.u32 s1, $0xD;
	s1 =	sshrl.u32 s1, $0x2  }
0xbd: {  	s3 =	sand.u32 $0x4000, s31;
	s1 =	sadd.s32 s1, s30  }
0xbe: {  	s0 =	sor.u32 s3, s0;
	s1 =	sshll.u32 s1, $0x11  }
0xbf: {  	s0 =	sor.u32 s1, s0  }
0xc0: {  	s0 =	sadd.s32 $0x8F2B, s0  }
0xc1: {  	[sflag:s0] =	ssyncadd.remote.s32 $0x1  }
0xc2: {  	_ =	sfence.sel $0xFFFF  }
0xc3: {  	[dreg:$0x0] =	wrdreg $0xFFFFFFFF;
	(pc) =	sbr.abs _section_cstart, $3  }
0xc4: {  	[dreg:$0x1] =	wrdreg $0xFFFFFFFF  }
0xc5: {  	_ =	task.clear_ibuf [dreg:s8], $0x2FFFF;
	_ =	strace $0x9FFFFFFF  }
0xc6: {  	(tm) =	ssettm $0x7FFFFFFF  }
0xc7: {  	_ =	shalt  }
tec
execute0_lowered:
.L_overlay_start_1:
0x0: {  	(tag) =	ssettag $0x1  }
0x1: {  	s1 =	rddreg [dreg:$0x0]  }
0x2: {  	s3 =	rddreg [dreg:$0x1]  }
0x3: {  	s4 =	rddreg [dreg:$0x3]  }
0x4: {  	s5 =	rddreg [dreg:$0x4]  }
0x5: {  	s7 =	simm.s32 $0x0;
	s0 =	srdreg.scid;
	s8 =	stileid.u32  }
0x6: {  	s13 =	simm.s32 $0x7A80;
	s28 =	simm.s32 $0x3;
	s29 =	simm.s32 $0x40  }
0x7: {  	s30 =	simm.s32 $0x3000;
	s31 =	simm.s32 $0x3200;
	s18 =	simm.s32 $0x4  }
0x8: {  	s19 =	simm.s32 $0x3100;
	s12 =	simm.s32 $0x3180;
	s16 =	simm.s32 $0x9  }
0x9: {  	[smem:$0x7FF] =	sst s7;
	s2 =	sadd.s32 $0x9E00, s3;
	s9 =	smul.u32 $0x1F8, s8  }
0xa: {  	s10 =	sadd.s32 $0x16400, s3;
	s6 =	smul.u32 $0x4E20, s8;
	s3 =	sadd.s32 $0x13C00, s3  }
0xb: {  	s22 =	smul.u32 $0x3F000, s8;
	_ =	strace $0x80000047;
	[dreg:$0x6] =	wrdreg s2  }
0xc: {  	s0 =	sand.u32 $0x1, s0;
	s26 =	smul.u32 $0x1F80, s8;
	[dreg:$0xa] =	wrdreg s3  }
0xd: {  	s20 =	ssub.s32 $0x2, s0;
	s23 =	smul.u32 $0x5, s0;
	[dreg:$0x8] =	wrdreg s10  }
0xe: {  	s0 =	smul.u32 $0x9D800, s0;
	s3 =	simm.s32 $0x0;
	[dreg:$0x9] =	wrdreg s6  }
0xf: {  	s21 =	sshrl.u32 s20, $0x1;
	s11 =	sadd.s32 $0x1F0, s9;
	s24 =	sshrl.u32 s22, $0x2  }
0x10: {  	[dreg:$0x7] =	wrdreg s9;
	s8 =	sadd.s32 s9, s5;
	s6 =	simm.s32 $0x5200  }
0x11: {  	s9 =	simm.s32 $0x5;
	s22 =	simm.s32 $0x7;
	[dreg:$0xb] =	wrdreg s23  }
0x12: {  	s2 =	ssub.s32 s20, s21;
	[dreg:$0xc] =	wrdreg s11;
	s25 =	sshll.u32 s11, $0x7  }
0x13: {  	s15 =	sadd.s32 s24, s4;
	s0 =	sadd.s32 s0, s10;
	s20 =	simm.s32 $0x7280  }
0x14: {  	s21 =	simm.s32 $0xA;
	[dreg:$0xe] =	wrdreg s8;
	s2 =	smax.u32 s2, $0x1  }
0x15: {  	s10 =	simm.s32 $0x7200;
	s0 =	sadd.s32 s26, s0;
	[dreg:$0xf] =	wrdreg s2  }
0x16: {  	v0 =	vimm.f32 $1.000000000e+00;
	s11 =	sadd.s32 s25, s4;
	s25 =	simm.s32 $0x1;
	[dreg:$0x10] =	wrdreg s0  }
0x17: {  	v1 =	vimm.f32 $0.0e+00;
	v2 =	vimm.s32 $0x0;
	v3 =	vlaneseq.u32;
	s26 =	simm.s32 $0x2;
	s0 =	simm.s32 $0x3080;
	[dreg:$0xd] =	wrdreg s11  }
.LBB2_1:
0x18: {  	[tilespmem:$0x7200] =	vst v0  }
0x19: {  	[tilespmem:$0x7210] =	vst v0  }
0x1a: {  	[dreg:$0x11] =	wrdreg s3;
	[tilespmem:$0x7220] =	vst v0  }
0x1b: {  	[tilespmem:$0x7230] =	vst v0;
	s17 =	rddreg [dreg:$0x10];
	s14 =	simm.s32 $0x0  }
.LBB2_2:
0x1c: {  	s2 =	simm.s32 $0x0;
	s3 =	simm.s32 $0x200  }
.LBB2_3:
0x1d: {  	p0 =	sne.s32 s3, $0x1E00;
	[tilespmem:s2+$0x72F0] =	vst v1  }
0x1e: {  	[tilespmem:s2+$0x7280] =	vst v1  }
0x1f: {  	[tilespmem:s2+$0x7290] =	vst v1  }
.Ltmp0:
0x20: {  	[tilespmem:s2+$0x72A0] =	vst v1;
	(pc) =	sbr.rel @p0 .LBB2_3-.Ltmp0, $4  }
0x21: {  	[tilespmem:s2+$0x72B0] =	vst v1  }
0x22: {  	[tilespmem:s2+$0x72C0] =	vst v1  }
0x23: {  	[tilespmem:s2+$0x72D0] =	vst v1  }
0x24: {  	[tilespmem:s2+$0x72E0] =	vst v1;
	s2 =	sshra.s32 s3, $0x2;
	s3 =	sadd.s32 $0x200, s3  }
0x25: {  	[tilespmem:s2+$0x72F0] =	vst v1  }
0x26: {  	[tilespmem:s2+$0x7280] =	vst v1  }
0x27: {  	[tilespmem:s2+$0x7290] =	vst v1  }
0x28: {  	[tilespmem:s2+$0x72A0] =	vst v1  }
0x29: {  	[tilespmem:s2+$0x72B0] =	vst v1  }
0x2a: {  	[tilespmem:s2+$0x72C0] =	vst v1  }
0x2b: {  	[tilespmem:s2+$0x72D0] =	vst v1  }
0x2c: {  	[tilespmem:s2+$0x72E0] =	vst v1  }
0x2d: {  	[tilespmem:$0x7A80] =	vst v1  }
0x2e: {  	[tilespmem:$0x7A90] =	vst v1  }
0x2f: {  	[tilespmem:$0x7AA0] =	vst v1  }
0x30: {  	[tilespmem:$0x7AB0] =	vst v1  }
0x31: {  	[tilespmem:$0x7AC0] =	vst v1  }
0x32: {  	[tilespmem:$0x7AD0] =	vst v1  }
0x33: {  	[tilespmem:$0x7AE0] =	vst v1  }
0x34: {  	[tilespmem:$0x7AF0] =	vst v1  }
0x35: {  	[tilespmem:$0x7B00] =	vst v1  }
0x36: {  	[tilespmem:$0x7B10] =	vst v1  }
0x37: {  	[tilespmem:$0x7B20] =	vst v1  }
0x38: {  	[tilespmem:$0x7B30] =	vst v1  }
0x39: {  	[tilespmem:$0x7B40] =	vst v1  }
0x3a: {  	[tilespmem:$0x7B50] =	vst v1  }
0x3b: {  	[tilespmem:$0x7B60] =	vst v1  }
0x3c: {  	[tilespmem:$0x7B70] =	vst v1  }
0x3d: {  	[tilespmem:$0x7B80] =	vst v1  }
0x3e: {  	[tilespmem:$0x7B90] =	vst v1  }
0x3f: {  	[tilespmem:$0x7BA0] =	vst v1  }
0x40: {  	[tilespmem:$0x7BB0] =	vst v1  }
0x41: {  	[tilespmem:$0x7BC0] =	vst v1  }
0x42: {  	[tilespmem:$0x7BD0] =	vst v1  }
0x43: {  	[tilespmem:$0x7BE0] =	vst v1  }
0x44: {  	[tilespmem:$0x7BF0] =	vst v1  }
0x45: {  	[tilespmem:$0x7C00] =	vst v1  }
0x46: {  	[tilespmem:$0x7C10] =	vst v1  }
0x47: {  	[tilespmem:$0x7C20] =	vst v1  }
0x48: {  	[tilespmem:$0x7C30] =	vst v1  }
0x49: {  	[tilespmem:$0x7C40] =	vst v1  }
0x4a: {  	[tilespmem:$0x7C50] =	vst v1  }
0x4b: {  	[tilespmem:$0x7C60] =	vst v1  }
0x4c: {  	s24 =	sadd.s32 $0x0, s15;
	[tilespmem:$0x7C70] =	vst v1  }
0x4d: {  	[spmem:s24] =	stream.linear.scatter [tilespmem:s20], [sflag:$0xA], $0x800, $0x38;
	[tilespmem:$0x17B00] =	vst v63  }
0x4e: {  	s2 =	simm.s32 $0x2000;
	_ =	swait.ge [sflag:s21], $0x800  }
.LBB2_5:
0x4f: {  	s3 =	sshra.s32 s2, $0x2;
	[sflag:s21] =	ssyncset.done $0x0;
	p0 =	sne.s32 s2, $0x3C000  }
.Ltmp1:
0x50: {  	s3 =	sadd.s32 s3, s15;
	[sflag:s21] =	ssyncadd.s32 $0xFFFFF800;
	(pc) =	sbr.rel @p0 .LBB2_5-.Ltmp1, $3  }
0x51: {  	[spmem:s3] =	stream.linear.scatter [tilespmem:s20], [sflag:$0xA], $0x800, $0x38;
	[tilespmem:$0x17B00] =	vst v63  }
0x52: {  	s2 =	sadd.s32 $0x2000, s2;
	_ =	sdelay $0x1  }
0x53: {  	_ =	swait.ge [sflag:s21], $0x800  }
0x54: {  	[sflag:s21] =	ssyncset.done $0x0  }
0x55: {  	[sflag:s21] =	ssyncadd.s32 $0xFFFFF800  }
0x56: {  	[spmem:s11] =	stream.linear.scatter [tilespmem:s20], [sflag:$0xA], $0x400, $0x38;
	[tilespmem:$0x17B00] =	vst v63  }
0x57: {  	_ =	swait.ge [sflag:s21], $0x400  }
0x58: {  	[dreg:$0x12] =	wrdreg s14;
	[sflag:s21] =	ssyncset.done $0x0  }
0x59: {  	s2 =	rddreg [dreg:$0xb];
	[sflag:s21] =	ssyncadd.s32 $0xFFFFFC00  }
0x5a: {  	[spmem:s8] =	stream.linear.scatter [tilespmem:s13], [sflag:$0xA], $0x1F8, $0x38;
	[tilespmem:$0x17B00] =	vst v63  }
.Ltmp2:
0x5b: {  	s2 =	sadd.s32 s2, s14;
	_ =	swait.ge [sflag:s21], $0x1F8;
	(pc) =	sbr.rel .LBB2_7-.Ltmp2, $4  }
0x5c: {  	s3 =	smul.u32 $0x1F80, s2;
	[sflag:s21] =	ssyncset.done $0x0  }
0x5d: {  	[sflag:s21] =	ssyncadd.s32 $0xFFFFFE08  }
0x5e: {  	s23 =	simm.s32 $0x0;
	s2 =	sadd.s32 $0x1F80, s3;
	[bflag:$0x0] =	sbarrier.arrive $0xFFFF  }
0x5f: {  	v4 =	vmov s3;
	v5 =	vmov s2;
	s2 =	simm.s32 $0x0;
	[dreg:$0x13] =	wrdreg s3;
	s3 =	simm.s32 $0x0  }
.LBB2_10:
0x60: {  	s23 =	simm.s32 @!p0 $0x0  }
.LBB2_14:
0x61: {  	s3 =	sadd.s32 $0x1, s3  }
0x62: {  	p0 =	sne.s32 s3, $0xA  }
.Ltmp3:
0x63: {  	_ = 	snop;
	(pc) =	sbr.rel @!p0 .LBB2_15-.Ltmp3, $1  }
0x64: {  	_ =	sdelay $0x3  }
.LBB2_7:
0x65: {  	s8 =	smul.u32 $0x7D0, s3  }
0x66: {  	s11 =	rddreg [dreg:$0x9]  }
0x67: {  	s8 =	sadd.s32 s11, s8  }
0x68: {  	s24 =	rddreg [dreg:$0x6];
	s8 =	sshrl.u32 s8, $0x3  }
0x69: {  	s13 =	sadd.s32 s24, s8  }
0x6a: {  	[tilespmem:s2], [sflag:$0x1] =	stream.linear.gather [hbm4b:s13+s2], $0x7D0, $0x38;
	[tilespmem:$0x17B00] =	vst v63  }
0x6b: {  	s13 =	rddreg [dreg:$0x1]  }
0x6c: {  	s24 =	simm.s32 $0x800;
	s14 =	sadd.s32 s13, s8;
	s13 =	rddreg [dreg:$0x2]  }
0x6d: {  	[tilespmem:s24], [sflag:$0x2] =	stream.linear.gather [hbm4b:s14+s2], $0x7D0, $0x38;
	[tilespmem:$0x17B00] =	vst v63  }
0x6e: {  	s8 =	sadd.s32 s13, s8;
	s14 =	simm.s32 $0x1000  }
0x6f: {  	[tilespmem:s14], [sflag:$0x3] =	stream.linear.gather [hbm4b:s8+s2], $0x7D0, $0x38;
	[tilespmem:$0x17B00] =	vst v63  }
0x70: {  	_ =	swait.ge [sflag:s25], $0x7D0  }
0x71: {  	[sflag:s25] =	ssyncset.done $0x0  }
0x72: {  	[sflag:s25] =	ssyncadd.s32 $0xFFFFF830  }
0x73: {  	_ =	swait.ge [sflag:s26], $0x7D0  }
0x74: {  	[sflag:s26] =	ssyncset.done $0x0  }
0x75: {  	[sflag:s26] =	ssyncadd.s32 $0xFFFFF830  }
0x76: {  	_ =	swait.ge [sflag:s28], $0x7D0  }
0x77: {  	[sflag:s28] =	ssyncset.done $0x0  }
0x78: {  	s24 =	simm.s32 $0x0;
	[sflag:s28] =	ssyncadd.s32 $0xFFFFF830  }
0x79: {  	v6 =	vld [tilespmem:s24+$0x1000];
	_ =	sdelay $0x2  }
0x7a: {  	v7 =	vld [tilespmem:s24+$0x800];
	_ =	sdelay $0x1  }
0x7b: {  	v6 =	vand.u32 $0x7, v6  }
0x7c: {  	v8 =	vld [tilespmem:s24+$0x0];
	v6 =	vmul.u32 $0x2710, v6;
	_ =	sdelay $0x1  }
0x7d: {  	v6 =	vadd.s32 v7, v6  }
0x7e: {  	vm0 =	vge.s32 v6, v4;
	vm1 =	vlt.s32 v6, v5  }
0x7f: {  	vm0 =	vmand vm0, vm1  }
0x80: {  	v7 =	vshll.u32 v8, $0xD;
	v6 =	vsub.s32 v6, v4;
	v8 =	vsel vm0, $0x1, v2  }
0x81: {  	v6 =	vor.u32 v7, v6;
	v7 =	vxor.u32 $0x80000001, v8  }
0x82: {  	(xrf1) =	vsort.ascd.msk.u32 $0xffff, v7, v6;
	v6 =	vmpcnt.ones.xlane vm0;
	_ =	sdelay $0x1  }
0x83: {  	(v2sf) =	vpush v6, $0x0;
	_ =	sdelay $0xd  }
0x84: {  	s13 =	simm.s32 $0x40;
	s8 =	simm.s32 $0x80;
	_, v6, _ =	vpop (xrf1)  }
.LBB2_8:
0x85: {  	p0 =	sne.s32 s8, $0x1F00;
	s14 =	sshra.s32 s13, $0x2;
	[tilespmem:s23+$0x1800] =	vst v6;
	s13 =	spop (v2sf)  }
0x86: {  	v6 =	vld [tilespmem:s14+$0x1000];
	s23 =	sadd.s32 s23, s13;
	s13 =	smov.u32 s8;
	_ =	sdelay $0x2  }
0x87: {  	v7 =	vld [tilespmem:s14+$0x800];
	_ =	sdelay $0x1  }
0x88: {  	v8 =	vld [tilespmem:s14+$0x0];
	v6 =	vand.u32 $0x7, v6  }
0x89: {  	v6 =	vmul.u32 $0x2710, v6;
	_ =	sdelay $0x1  }
0x8a: {  	v6 =	vadd.s32 v7, v6  }
0x8b: {  	vm0 =	vge.s32 v6, v4;
	vm1 =	vlt.s32 v6, v5  }
0x8c: {  	vm0 =	vmand vm0, vm1;
	v7 =	vshll.u32 v8, $0xD  }
0x8d: {  	v6 =	vsub.s32 v6, v4;
	v8 =	vsel vm0, $0x1, v2;
	v9 =	vmpcnt.ones.xlane vm0  }
0x8e: {  	v6 =	vor.u32 v7, v6;
	v7 =	vxor.u32 $0x80000001, v8  }
0x8f: {  	(xrf1) =	vsort.ascd.msk.u32 $0xffff, v7, v6;
	(v2sf) =	vpush v9, $0x0;
	_ =	sdelay $0x9  }
.Ltmp4:
0x90: {  	(pc) =	sbr.rel @p0 .LBB2_8-.Ltmp4, $2  }
0x91: {  	_ =	sdelay $0x2  }
0x92: {  	s8 =	sadd.s32 $0x40, s8;
	_, v6, _ =	vpop (xrf1)  }
0x93: {  	s8 =	sshra.s32 s13, $0x2;
	[tilespmem:s23+$0x1800] =	vst v6  }
0x94: {  	v6 =	vld [tilespmem:s8+$0x1000];
	_ =	sdelay $0x2  }
0x95: {  	v7 =	vld [tilespmem:s8+$0x800];
	_ =	sdelay $0x1  }
0x96: {  	v6 =	vand.u32 $0x7, v6  }
0x97: {  	v6 =	vmul.u32 $0x2710, v6;
	_ =	sdelay $0x1  }
0x98: {  	v6 =	vadd.s32 v7, v6  }
0x99: {  	vm0 =	vge.s32 v6, v4;
	vm1 =	vlt.s32 v6, v5  }
0x9a: {  	vm0 =	vmand vm0, vm1  }
0x9b: {  	v7 =	vmpcnt.ones.xlane vm0;
	_ =	sdelay $0x1  }
0x9c: {  	(v2sf) =	vpush v7, $0x0;
	_ =	sdelay $0xd  }
0x9d: {  	s14 =	spop (v2sf)  }
0x9e: {  	s13 =	sadd.s32 s23, s14;
	s24 =	spop (v2sf)  }
0x9f: {  	s23 =	sadd.s32 s13, s24  }
0xa0: {  	p0 =	slt.s32 s23, $0xFB0  }
0xa1: {  	v7 =	vld [tilespmem:s8+$0x0];
	s8 =	sadd.s32 @!p0 $0x3F, s23  }
0xa2: {  	s14 =	sand.u32 @!p0 $0x3F, s8  }
0xa3: {  	p1 =	slt.s32 @!p0 s8, $0x0;
	p2 =	sne.s32 @!p0 s14, $0x0  }
0xa4: {  	s14 =	sshra.s32 @!p0 s8, $0x1F;
	p1 =	por @!p0 !p1, !p2  }
0xa5: {  	s14 =	sshrl.u32 @!p0 s14, $0x1A;
	p1 =	por @!p0 !p1, !p1  }
0xa6: {  	v6 =	vsub.s32 v6, v4;
	v8 =	vsel vm0, $0x1, v2;
	v7 =	vshll.u32 v7, $0xD;
	s8 =	sadd.s32 @!p0 s14, s8;
	s14 =	simm.s32 @!p0 $0x1;
	p1 =	por !p1, p0  }
0xa7: {  	v6 =	vor.u32 v7, v6;
	v7 =	vxor.u32 $0x80000001, v8;
	s8 =	sshra.s32 @!p0 s8, $0x6;
	s14 =	simm.s32 @p1 $0x0  }
0xa8: {  	(xrf1) =	vsort.ascd.msk.u32 $0xffff, v7, v6;
	s8 =	ssub.s32 @!p0 s8, s14  }
0xa9: {  	s14 =	sadd.s32 @!p0 $0x1, s8  }
0xaa: {  	s24 =	sand.u32 @!p0 $0x1, s14  }
0xab: {  	p1 =	slt.s32 @!p0 s8, $0x0;
	p2 =	seq.s32 @!p0 s24, $0x1  }
0xac: {  	p1 =	por @!p0 !p1, !p2  }
0xad: {  	s8 =	sshrl.u32 @!p0 s14, $0x1F;
	p1 =	por @!p0 !p1, !p1  }
0xae: {  	s24 =	simm.s32 @!p0 $0x1;
	s8 =	sadd.s32 @!p0 s8, s14;
	p1 =	por !p1, p0  }
0xaf: {  	s8 =	sshra.s32 @!p0 s8, $0x1;
	s24 =	simm.s32 @p1 $0x0  }
0xb0: {  	s8 =	ssub.s32 @!p0 s8, s24  }
0xb1: {  	p1 =	slt.s32 @!p0 s8, $0x1  }
0xb2: {  	p1 =	por p0, p1  }
.Ltmp5:
0xb3: {  	_ = 	snop;
	(pc) =	sbr.rel @p1 .LBB2_10-.Ltmp5, $3  }
0xb4: {  	_ =	sdelay $0x1  }
0xb5: {  	_, v6, _ =	vpop (xrf1)  }
0xb6: {  	[tilespmem:s13+$0x1800] =	vst v6  }
0xb7: {  	p0 =	por $0x1, $0x1  }
0xb8: {  	s13 =	simm.s32 @!p0 $0x6  }
0xb9: {  	_ =	swait.ge @!p0 [sflag:s13], $0x2000  }
0xba: {  	[sflag:s13] =	ssyncset.done @!p0 $0x0  }
0xbb: {  	s14 =	simm.s32 @!p0 $0x8;
	[sflag:s13] =	ssyncadd.s32 @!p0 $0xFFFFE000  }
0xbc: {  	_ =	swait.ge @!p0 [sflag:s14], $0x40  }
0xbd: {  	[sflag:s14] =	ssyncset.done @!p0 $0x0  }
0xbe: {  	s13 =	simm.s32 $0x1840;
	[sflag:s14] =	ssyncadd.s32 @!p0 $0xFFFFFFC0  }
0xbf: {  	v7 =	vld [tilespmem:s13+$0xFFFFFFC0];
	_ =	sdelay $0x2  }
0xc0: {  	s11 =	simm.s32 $0x0  }
0xc1: {  	v6 =	vmov s23;
	v8 =	vor.u32 s11, v3  }
0xc2: {  	vm0 =	vlt.s32 v8, v6;
	v8 =	vshra.s32 v7, $0xD  }
0xc3: {  	v7 =	vand.u32 $0x1FFF, v7;
	v8 =	vnsel vm0, $0x0, v8  }
0xc4: {  	v7 =	vnsel vm0, $0x1F80, v7;
	[tilespmem:$0x3000] =	vst v8  }
0xc5: {  	[tilespmem:$0x3100] =	vst v7  }
0xc6: {  	v7 =	vld [tilespmem:s13+$0xFFFFFFD0];
	_ =	sdelay $0x2  }
0xc7: {  	s23 =	simm.s32 $0x10  }
0xc8: {  	v8 =	vor.u32 s23, v3  }
0xc9: {  	vm9 =	vlt.s32 v8, v6;
	v8 =	vshra.s32 v7, $0xD  }
0xca: {  	v7 =	vand.u32 $0x1FFF, v7;
	v8 =	vnsel vm9, $0x0, v8  }
0xcb: {  	v7 =	vnsel vm9, $0x1F80, v7;
	[tilespmem:$0x3010] =	vst v8  }
0xcc: {  	[tilespmem:$0x3110] =	vst v7  }
0xcd: {  	v7 =	vld [tilespmem:s13+$0xFFFFFFE0];
	_ =	sdelay $0x2  }
0xce: {  	s24 =	simm.s32 $0x20  }
0xcf: {  	v8 =	vor.u32 s24, v3  }
0xd0: {  	vm10 =	vlt.s32 v8, v6;
	v8 =	vshra.s32 v7, $0xD  }
0xd1: {  	v7 =	vand.u32 $0x1FFF, v7;
	v8 =	vnsel vm10, $0x0, v8  }
0xd2: {  	v7 =	vnsel vm10, $0x1F80, v7;
	[tilespmem:$0x3020] =	vst v8  }
0xd3: {  	[tilespmem:$0x3120] =	vst v7  }
0xd4: {  	v7 =	vld [tilespmem:s13+$0xFFFFFFF0];
	_ =	sdelay $0x2  }
0xd5: {  	s11 =	simm.s32 $0x30  }
0xd6: {  	v8 =	vor.u32 s11, v3  }
0xd7: {  	vm11 =	vlt.s32 v8, v6;
	v8 =	vshra.s32 v7, $0xD  }
0xd8: {  	v7 =	vand.u32 $0x1FFF, v7;
	v8 =	vnsel vm11, $0x0, v8  }
0xd9: {  	v7 =	vnsel vm11, $0x1F80, v7;
	[tilespmem:$0x3030] =	vst v8  }
0xda: {  	s14 =	simm.s32 @!p0 $0x7;
	[tilespmem:$0x3130] =	vst v7  }
0xdb: {  	[tilespmem:s31], [sflag:$0x4] =	stream.indirect.gather [hbm4b:s1+s29], $0x80, s30, s29, $0xb8;
	[tilespmem:$0x17B00] =	vst v63  }
0xdc: {  	_ =	swait.ge @!p0 [sflag:s14], $0x2000  }
0xdd: {  	[sflag:s14] =	ssyncset.done @!p0 $0x0  }
0xde: {  	[sflag:s14] =	ssyncadd.s32 @!p0 $0xFFFFE000;
	s14 =	simm.s32 @!p0 $0x9  }
0xdf: {  	_ =	swait.ge @!p0 [sflag:s14], $0x40  }
0xe0: {  	[sflag:s14] =	ssyncset.done @!p0 $0x0  }
0xe1: {  	[sflag:s14] =	ssyncadd.s32 @!p0 $0xFFFFFFC0  }
0xe2: {  	v7 =	vld [tilespmem:s13+$0x0];
	_ =	sdelay $0x2  }
0xe3: {  	s24 =	simm.s32 $0x40  }
0xe4: {  	v8 =	vor.u32 s24, v3  }
0xe5: {  	vm12 =	vlt.s32 v8, v6;
	v8 =	vshra.s32 v7, $0xD  }
0xe6: {  	v7 =	vand.u32 $0x1FFF, v7;
	v8 =	vnsel vm12, $0x0, v8  }
0xe7: {  	v7 =	vnsel vm12, $0x1F80, v7;
	[tilespmem:$0x3080] =	vst v8  }
0xe8: {  	[tilespmem:$0x3180] =	vst v7  }
0xe9: {  	v7 =	vld [tilespmem:s13+$0x10];
	_ =	sdelay $0x2  }
0xea: {  	s23 =	simm.s32 $0x50  }
0xeb: {  	v8 =	vor.u32 s23, v3  }
0xec: {  	vm13 =	vlt.s32 v8, v6;
	v8 =	vshra.s32 v7, $0xD  }
0xed: {  	v7 =	vand.u32 $0x1FFF, v7;
	v8 =	vnsel vm13, $0x0, v8  }
0xee: {  	v7 =	vnsel vm13, $0x1F80, v7;
	[tilespmem:$0x3090] =	vst v8  }
0xef: {  	[tilespmem:$0x3190] =	vst v7  }
0xf0: {  	v7 =	vld [tilespmem:s13+$0x20];
	_ =	sdelay $0x2  }
0xf1: {  	s11 =	simm.s32 $0x60  }
0xf2: {  	v8 =	vor.u32 s11, v3  }
0xf3: {  	vm14 =	vlt.s32 v8, v6;
	v8 =	vshra.s32 v7, $0xD  }
0xf4: {  	v7 =	vand.u32 $0x1FFF, v7;
	v8 =	vnsel vm14, $0x0, v8  }
0xf5: {  	v7 =	vnsel vm14, $0x1F80, v7;
	[tilespmem:$0x30A0] =	vst v8  }
0xf6: {  	[tilespmem:$0x31A0] =	vst v7  }
0xf7: {  	v7 =	vld [tilespmem:s13+$0x30];
	_ =	sdelay $0x2  }
0xf8: {  	s23 =	simm.s32 $0x70  }
0xf9: {  	v8 =	vor.u32 s23, v3  }
0xfa: {  	s8 =	ssub.s32 $0x0, s8;
	vm15 =	vlt.s32 v8, v6;
	v8 =	vshra.s32 v7, $0xD  }
0xfb: {  	p0 =	sne.s32 s8, $0xFFFFFFFF;
	v7 =	vand.u32 $0x1FFF, v7;
	v8 =	vnsel vm15, $0x0, v8  }
.Ltmp6:
0xfc: {  	v7 =	vnsel vm15, $0x1F80, v7;
	[tilespmem:$0x30B0] =	vst v8;
	(pc) =	sbr.rel @!p0 .LBB2_13-.Ltmp6, $4  }
0xfd: {  	[tilespmem:$0x31B0] =	vst v7  }
0xfe: {  	[tilespmem:s6], [sflag:$0x5] =	stream.indirect.gather [hbm4b:s1+s29], $0x80, s0, s29, $0xb8;
	[tilespmem:$0x17B00] =	vst v63  }
0xff: {  	s14 =	simm.s32 $0x18C0;
	_ =	swait.ge [sflag:s18], $0x2000  }
0x100: {  	s23 =	simm.s32 $0x0;
	s13 =	simm.s32 $0xFFFFFFFF;
	[sflag:s18] =	ssyncset.done $0x0  }
.LBB2_12:
0x101: {  	[sflag:s18] =	ssyncadd.s32 $0xFFFFE000  }
0x102: {  	s24 =	sadd.s32 $0x80, s24;
	s11 =	smov.u32 s13;
	s13 =	sadd.s32 $0xFFFFFFFF, s13  }
0x103: {  	[spmem:s4] =	stream.indirect.scatter.add.f32 [tilespmem:s31], [sflag:$0x6], $0x80, s19, s29, $0xb8;
	[tilespmem:$0x17B00] =	vst v63  }
0x104: {  	p0 =	sne.s32 s8, s13  }
0x105: {  	[spmem:s5] =	stream.indirect.scatter.add.f32 [tilespmem:s10], [sflag:$0x8], $0x1, s19, s29, $0xb8;
	[tilespmem:$0x17B00] =	vst v63  }
0x106: {  	_ =	swait.ge [sflag:s9], $0x2000  }
0x107: {  	[sflag:s9] =	ssyncset.done $0x0  }
0x108: {  	p1 =	seq.s32 s11, $0x0;
	[sflag:s9] =	ssyncadd.s32 $0xFFFFE000  }
0x109: {  	[spmem:s4] =	stream.indirect.scatter.add.f32 [tilespmem:s6], [sflag:$0x7], $0x80, s12, s29, $0xb8;
	[tilespmem:$0x17B00] =	vst v63  }
0x10a: {  	s11 =	simm.s32 @!p1 $0x6  }
0x10b: {  	[spmem:s5] =	stream.indirect.scatter.add.f32 [tilespmem:s10], [sflag:$0x9], $0x1, s12, s29, $0xb8;
	[tilespmem:$0x17B00] =	vst v63  }
0x10c: {  	_ =	swait.ge @!p1 [sflag:s11], $0x2000  }
0x10d: {  	[sflag:s11] =	ssyncset.done @!p1 $0x0  }
0x10e: {  	[sflag:s11] =	ssyncadd.s32 @!p1 $0xFFFFE000;
	s11 =	simm.s32 @!p1 $0x8  }
0x10f: {  	_ =	swait.ge @!p1 [sflag:s11], $0x40  }
0x110: {  	[sflag:s11] =	ssyncset.done @!p1 $0x0  }
0x111: {  	[sflag:s11] =	ssyncadd.s32 @!p1 $0xFFFFFFC0  }
0x112: {  	v7 =	vld [tilespmem:s14+$0xFFFFFFC0];
	_ =	sdelay $0x2  }
0x113: {  	s11 =	sadd.s32 $0xFFFFFFC0, s24  }
0x114: {  	v8 =	vor.u32 s11, v3  }
0x115: {  	vm0 =	vlt.s32 v8, v6;
	v8 =	vshra.s32 v7, $0xD;
	v7 =	vand.u32 $0x1FFF, v7  }
0x116: {  	v8 =	vnsel vm0, $0x0, v8;
	v7 =	vnsel vm0, $0x1F80, v7  }
0x117: {  	[tilespmem:$0x3000] =	vst v8  }
0x118: {  	[tilespmem:$0x3100] =	vst v7  }
0x119: {  	v7 =	vld [tilespmem:s14+$0xFFFFFFD0];
	_ =	sdelay $0x2  }
0x11a: {  	s11 =	sadd.s32 $0xFFFFFFD0, s24  }
0x11b: {  	v8 =	vor.u32 s11, v3  }
0x11c: {  	vm0 =	vlt.s32 v8, v6;
	v8 =	vshra.s32 v7, $0xD;
	v7 =	vand.u32 $0x1FFF, v7  }
0x11d: {  	v8 =	vnsel vm0, $0x0, v8;
	v7 =	vnsel vm0, $0x1F80, v7  }
0x11e: {  	[tilespmem:$0x3010] =	vst v8  }
0x11f: {  	[tilespmem:$0x3110] =	vst v7  }
0x120: {  	v7 =	vld [tilespmem:s14+$0xFFFFFFE0];
	_ =	sdelay $0x2  }
0x121: {  	s11 =	sadd.s32 $0xFFFFFFE0, s24  }
0x122: {  	v8 =	vor.u32 s11, v3  }
0x123: {  	vm0 =	vlt.s32 v8, v6;
	v8 =	vshra.s32 v7, $0xD;
	v7 =	vand.u32 $0x1FFF, v7  }
0x124: {  	v8 =	vnsel vm0, $0x0, v8;
	v7 =	vnsel vm0, $0x1F80, v7  }
0x125: {  	[tilespmem:$0x3020] =	vst v8  }
0x126: {  	[tilespmem:$0x3120] =	vst v7  }
0x127: {  	v7 =	vld [tilespmem:s14+$0xFFFFFFF0];
	_ =	sdelay $0x2  }
0x128: {  	s11 =	sadd.s32 $0xFFFFFFF0, s24  }
0x129: {  	v8 =	vor.u32 s11, v3  }
0x12a: {  	vm0 =	vlt.s32 v8, v6;
	v8 =	vshra.s32 v7, $0xD;
	v7 =	vand.u32 $0x1FFF, v7  }
0x12b: {  	v8 =	vnsel vm0, $0x0, v8;
	v7 =	vnsel vm0, $0x1F80, v7  }
0x12c: {  	[tilespmem:$0x3030] =	vst v8  }
0x12d: {  	s11 =	simm.s32 @!p1 $0x7;
	[tilespmem:$0x3130] =	vst v7  }
0x12e: {  	[tilespmem:s31], [sflag:$0x4] =	stream.indirect.gather [hbm4b:s1+s29], $0x80, s30, s29, $0xb8;
	[tilespmem:$0x17B00] =	vst v63  }
0x12f: {  	_ =	swait.ge @!p1 [sflag:s11], $0x2000  }
0x130: {  	[sflag:s11] =	ssyncset.done @!p1 $0x0  }
0x131: {  	[sflag:s11] =	ssyncadd.s32 @!p1 $0xFFFFE000;
	s11 =	simm.s32 @!p1 $0x9  }
0x132: {  	_ =	swait.ge @!p1 [sflag:s11], $0x40  }
0x133: {  	[sflag:s11] =	ssyncset.done @!p1 $0x0  }
0x134: {  	[sflag:s11] =	ssyncadd.s32 @!p1 $0xFFFFFFC0  }
0x135: {  	v7 =	vld [tilespmem:s14+$0x0];
	_ =	sdelay $0x3  }
0x136: {  	v8 =	vor.u32 s24, v3  }
0x137: {  	vm0 =	vlt.s32 v8, v6;
	v8 =	vshra.s32 v7, $0xD;
	v7 =	vand.u32 $0x1FFF, v7  }
0x138: {  	v8 =	vnsel vm0, $0x0, v8;
	v7 =	vnsel vm0, $0x1F80, v7  }
0x139: {  	[tilespmem:$0x3080] =	vst v8  }
0x13a: {  	[tilespmem:$0x3180] =	vst v7  }
0x13b: {  	v7 =	vld [tilespmem:s14+$0x10];
	_ =	sdelay $0x2  }
0x13c: {  	s11 =	sadd.s32 $0x10, s24  }
0x13d: {  	v8 =	vor.u32 s11, v3  }
0x13e: {  	vm0 =	vlt.s32 v8, v6;
	v8 =	vshra.s32 v7, $0xD;
	v7 =	vand.u32 $0x1FFF, v7  }
0x13f: {  	v8 =	vnsel vm0, $0x0, v8;
	v7 =	vnsel vm0, $0x1F80, v7  }
0x140: {  	[tilespmem:$0x3090] =	vst v8  }
0x141: {  	[tilespmem:$0x3190] =	vst v7  }
0x142: {  	v7 =	vld [tilespmem:s14+$0x20];
	_ =	sdelay $0x2  }
0x143: {  	s11 =	sadd.s32 $0x20, s24  }
0x144: {  	v8 =	vor.u32 s11, v3  }
0x145: {  	vm0 =	vlt.s32 v8, v6;
	v8 =	vshra.s32 v7, $0xD;
	v7 =	vand.u32 $0x1FFF, v7  }
0x146: {  	v8 =	vnsel vm0, $0x0, v8;
	v7 =	vnsel vm0, $0x1F80, v7  }
0x147: {  	[tilespmem:$0x30A0] =	vst v8  }
0x148: {  	[tilespmem:$0x31A0] =	vst v7  }
0x149: {  	v7 =	vld [tilespmem:s14+$0x30];
	_ =	sdelay $0x2  }
0x14a: {  	s11 =	sadd.s32 $0x30, s24  }
0x14b: {  	v8 =	vor.u32 s11, v3  }
0x14c: {  	vm0 =	vlt.s32 v8, v6;
	v8 =	vshra.s32 v7, $0xD;
	v7 =	vand.u32 $0x1FFF, v7  }
0x14d: {  	v8 =	vnsel vm0, $0x0, v8;
	v7 =	vnsel vm0, $0x1F80, v7  }
.Ltmp7:
0x14e: {  	[tilespmem:$0x30B0] =	vst v8;
	(pc) =	sbr.rel @p0 .LBB2_12-.Ltmp7, $4  }
0x14f: {  	[tilespmem:$0x31B0] =	vst v7  }
0x150: {  	[tilespmem:s6], [sflag:$0x5] =	stream.indirect.gather [hbm4b:s1+s29], $0x80, s0, s29, $0xb8;
	[tilespmem:$0x17B00] =	vst v63  }
0x151: {  	_ =	swait.ge [sflag:s18], $0x2000  }
0x152: {  	s14 =	sadd.s32 $0x80, s14;
	[sflag:s18] =	ssyncset.done $0x0  }
.LBB2_13:
0x153: {  	[sflag:s18] =	ssyncadd.s32 $0xFFFFE000  }
0x154: {  	[spmem:s4] =	stream.indirect.scatter.add.f32 [tilespmem:s31], [sflag:$0x6], $0x80, s19, s29, $0xb8;
	[tilespmem:$0x17B00] =	vst v63  }
0x155: {  	_ = 	snop  }
0x156: {  	[spmem:s5] =	stream.indirect.scatter.add.f32 [tilespmem:s10], [sflag:$0x8], $0x1, s19, s29, $0xb8;
	[tilespmem:$0x17B00] =	vst v63  }
0x157: {  	_ =	swait.ge [sflag:s9], $0x2000  }
0x158: {  	[sflag:s9] =	ssyncset.done $0x0  }
0x159: {  	[sflag:s9] =	ssyncadd.s32 $0xFFFFE000  }
0x15a: {  	[spmem:s4] =	stream.indirect.scatter.add.f32 [tilespmem:s6], [sflag:$0x7], $0x80, s12, s29, $0xb8;
	[tilespmem:$0x17B00] =	vst v63  }
0x15b: {  	s8 =	simm.s32 $0x6  }
0x15c: {  	[spmem:s5] =	stream.indirect.scatter.add.f32 [tilespmem:s10], [sflag:$0x9], $0x1, s12, s29, $0xb8;
	[tilespmem:$0x17B00] =	vst v63  }
0x15d: {  	_ =	swait.ge [sflag:s8], $0x2000  }
0x15e: {  	[sflag:s8] =	ssyncset.done $0x0  }
0x15f: {  	s24 =	simm.s32 $0x8;
	[sflag:s8] =	ssyncadd.s32 $0xFFFFE000  }
0x160: {  	_ =	swait.ge [sflag:s24], $0x40  }
0x161: {  	[sflag:s24] =	ssyncset.done $0x0  }
0x162: {  	[sflag:s24] =	ssyncadd.s32 $0xFFFFFFC0  }
0x163: {  	_ =	swait.ge [sflag:s22], $0x2000  }
.Ltmp8:
0x164: {  	[sflag:s22] =	ssyncset.done $0x0;
	(pc) =	sbr.rel .LBB2_14-.Ltmp8, $4  }
0x165: {  	[sflag:s22] =	ssyncadd.s32 $0xFFFFE000  }
0x166: {  	_ =	swait.ge [sflag:s16], $0x40  }
0x167: {  	[sflag:s16] =	ssyncset.done $0x0  }
0x168: {  	[sflag:s16] =	ssyncadd.s32 $0xFFFFFFC0  }
.LBB2_15:
0x169: {  	s2 =	sadd.s32 $0x3F, s23  }
0x16a: {  	s3 =	sand.u32 $0x3F, s2  }
0x16b: {  	p0 =	slt.s32 s23, $0xFFFFFFC2;
	s8 =	sshra.s32 s2, $0x1F;
	p1 =	sne.s32 s3, $0x0  }
0x16c: {  	s13 =	sshrl.u32 s8, $0x1A;
	p0 =	por !p0, !p1  }
0x16d: {  	s3 =	simm.s32 $0x1;
	s2 =	sadd.s32 s13, s2;
	p0 =	por !p0, !p0  }
0x16e: {  	s2 =	sshra.s32 s2, $0x6;
	s3 =	simm.s32 @!p0 $0x0  }
0x16f: {  	s2 =	ssub.s32 s2, s3  }
0x170: {  	s3 =	sadd.s32 $0x1, s2  }
0x171: {  	s14 =	sand.u32 $0x1, s3  }
0x172: {  	p5 =	slt.s32 s2, $0x0;
	p6 =	seq.s32 s14, $0x1  }
0x173: {  	s24 =	sshrl.u32 s3, $0x1F;
	p0 =	por !p5, !p6  }
0x174: {  	s2 =	sadd.s32 s24, s3;
	s3 =	simm.s32 $0x1;
	p0 =	por !p0, !p0  }
0x175: {  	s2 =	sshra.s32 s2, $0x1;
	s3 =	simm.s32 @!p0 $0x0  }
0x176: {  	s3 =	ssub.s32 s2, s3  }
0x177: {  	p0 =	slt.s32 s3, $0x1  }
.Ltmp9:
0x178: {  	_ = 	snop;
	(pc) =	sbr.rel @p0 .LBB2_19-.Ltmp9, $2  }
0x179: {  	_ =	sdelay $0x2  }
0x17a: {  	s14 =	rddreg [dreg:$0x12]  }
0x17b: {  	p0 =	por $0x1, $0x1  }
0x17c: {  	s2 =	simm.s32 @!p0 $0x6  }
0x17d: {  	_ =	swait.ge @!p0 [sflag:s2], $0x2000  }
0x17e: {  	[sflag:s2] =	ssyncset.done @!p0 $0x0  }
0x17f: {  	[sflag:s2] =	ssyncadd.s32 @!p0 $0xFFFFE000;
	s2 =	simm.s32 @!p0 $0x8  }
0x180: {  	_ =	swait.ge @!p0 [sflag:s2], $0x40  }
0x181: {  	[sflag:s2] =	ssyncset.done @!p0 $0x0  }
0x182: {  	s8 =	simm.s32 $0x1840;
	[sflag:s2] =	ssyncadd.s32 @!p0 $0xFFFFFFC0  }
0x183: {  	v5 =	vld [tilespmem:s8+$0xFFFFFFC0];
	_ =	sdelay $0x2  }
0x184: {  	s13 =	simm.s32 $0x0  }
0x185: {  	v4 =	vmov s23;
	v6 =	vor.u32 s13, v3  }
0x186: {  	vm0 =	vlt.s32 v6, v4;
	v6 =	vshra.s32 v5, $0xD  }
0x187: {  	v5 =	vand.u32 $0x1FFF, v5;
	v6 =	vnsel vm0, $0x0, v6  }
0x188: {  	v5 =	vnsel vm0, $0x1F80, v5;
	[tilespmem:$0x3000] =	vst v6  }
0x189: {  	[tilespmem:$0x3100] =	vst v5  }
0x18a: {  	v5 =	vld [tilespmem:s8+$0xFFFFFFD0];
	_ =	sdelay $0x2  }
0x18b: {  	s24 =	simm.s32 $0x10  }
0x18c: {  	v6 =	vor.u32 s24, v3  }
0x18d: {  	vm9 =	vlt.s32 v6, v4;
	v6 =	vshra.s32 v5, $0xD  }
0x18e: {  	v5 =	vand.u32 $0x1FFF, v5;
	v6 =	vnsel vm9, $0x0, v6  }
0x18f: {  	v5 =	vnsel vm9, $0x1F80, v5;
	[tilespmem:$0x3010] =	vst v6  }
0x190: {  	[tilespmem:$0x3110] =	vst v5  }
0x191: {  	v5 =	vld [tilespmem:s8+$0xFFFFFFE0];
	_ =	sdelay $0x2  }
0x192: {  	s11 =	simm.s32 $0x20  }
0x193: {  	v6 =	vor.u32 s11, v3  }
0x194: {  	vm10 =	vlt.s32 v6, v4;
	v6 =	vshra.s32 v5, $0xD  }
0x195: {  	v5 =	vand.u32 $0x1FFF, v5;
	v6 =	vnsel vm10, $0x0, v6  }
0x196: {  	v5 =	vnsel vm10, $0x1F80, v5;
	[tilespmem:$0x3020] =	vst v6  }
0x197: {  	[tilespmem:$0x3120] =	vst v5  }
0x198: {  	v5 =	vld [tilespmem:s8+$0xFFFFFFF0];
	_ =	sdelay $0x2  }
0x199: {  	s13 =	simm.s32 $0x30  }
0x19a: {  	v6 =	vor.u32 s13, v3  }
0x19b: {  	vm11 =	vlt.s32 v6, v4;
	v6 =	vshra.s32 v5, $0xD  }
0x19c: {  	v5 =	vand.u32 $0x1FFF, v5;
	v6 =	vnsel vm11, $0x0, v6  }
0x19d: {  	v5 =	vnsel vm11, $0x1F80, v5;
	[tilespmem:$0x3030] =	vst v6  }
0x19e: {  	s2 =	simm.s32 @!p0 $0x7;
	[tilespmem:$0x3130] =	vst v5  }
0x19f: {  	[tilespmem:s31], [sflag:$0x4] =	stream.indirect.gather [hbm4b:s1+s29], $0x80, s30, s29, $0xb8;
	[tilespmem:$0x17B00] =	vst v63  }
0x1a0: {  	_ =	swait.ge @!p0 [sflag:s2], $0x2000  }
0x1a1: {  	[sflag:s2] =	ssyncset.done @!p0 $0x0  }
0x1a2: {  	[sflag:s2] =	ssyncadd.s32 @!p0 $0xFFFFE000;
	s2 =	simm.s32 @!p0 $0x9  }
0x1a3: {  	_ =	swait.ge @!p0 [sflag:s2], $0x40  }
0x1a4: {  	[sflag:s2] =	ssyncset.done @!p0 $0x0  }
0x1a5: {  	[sflag:s2] =	ssyncadd.s32 @!p0 $0xFFFFFFC0  }
0x1a6: {  	v5 =	vld [tilespmem:s8+$0x0];
	_ =	sdelay $0x2  }
0x1a7: {  	s2 =	simm.s32 $0x40  }
0x1a8: {  	v6 =	vor.u32 s2, v3  }
0x1a9: {  	vm12 =	vlt.s32 v6, v4;
	v6 =	vshra.s32 v5, $0xD  }
0x1aa: {  	v5 =	vand.u32 $0x1FFF, v5;
	v6 =	vnsel vm12, $0x0, v6  }
0x1ab: {  	v5 =	vnsel vm12, $0x1F80, v5;
	[tilespmem:$0x3080] =	vst v6  }
0x1ac: {  	[tilespmem:$0x3180] =	vst v5  }
0x1ad: {  	v5 =	vld [tilespmem:s8+$0x10];
	_ =	sdelay $0x2  }
0x1ae: {  	s11 =	simm.s32 $0x50  }
0x1af: {  	v6 =	vor.u32 s11, v3  }
0x1b0: {  	vm13 =	vlt.s32 v6, v4;
	v6 =	vshra.s32 v5, $0xD  }
0x1b1: {  	v5 =	vand.u32 $0x1FFF, v5;
	v6 =	vnsel vm13, $0x0, v6  }
0x1b2: {  	v5 =	vnsel vm13, $0x1F80, v5;
	[tilespmem:$0x3090] =	vst v6  }
0x1b3: {  	[tilespmem:$0x3190] =	vst v5  }
0x1b4: {  	v5 =	vld [tilespmem:s8+$0x20];
	_ =	sdelay $0x2  }
0x1b5: {  	s23 =	simm.s32 $0x60  }
0x1b6: {  	v6 =	vor.u32 s23, v3  }
0x1b7: {  	vm14 =	vlt.s32 v6, v4;
	v6 =	vshra.s32 v5, $0xD  }
0x1b8: {  	v5 =	vand.u32 $0x1FFF, v5;
	v6 =	vnsel vm14, $0x0, v6  }
0x1b9: {  	v5 =	vnsel vm14, $0x1F80, v5;
	[tilespmem:$0x30A0] =	vst v6  }
0x1ba: {  	[tilespmem:$0x31A0] =	vst v5  }
0x1bb: {  	v5 =	vld [tilespmem:s8+$0x30];
	_ =	sdelay $0x2  }
0x1bc: {  	s24 =	simm.s32 $0x70  }
0x1bd: {  	v6 =	vor.u32 s24, v3  }
0x1be: {  	s3 =	ssub.s32 $0x0, s3;
	vm15 =	vlt.s32 v6, v4;
	v6 =	vshra.s32 v5, $0xD  }
0x1bf: {  	p0 =	sne.s32 s3, $0xFFFFFFFF;
	v5 =	vand.u32 $0x1FFF, v5;
	v6 =	vnsel vm15, $0x0, v6  }
.Ltmp10:
0x1c0: {  	v5 =	vnsel vm15, $0x1F80, v5;
	[tilespmem:$0x30B0] =	vst v6;
	(pc) =	sbr.rel @!p0 .LBB2_18-.Ltmp10, $4  }
0x1c1: {  	[tilespmem:$0x31B0] =	vst v5  }
0x1c2: {  	[tilespmem:s6], [sflag:$0x5] =	stream.indirect.gather [hbm4b:s1+s29], $0x80, s0, s29, $0xb8;
	[tilespmem:$0x17B00] =	vst v63  }
0x1c3: {  	_ =	swait.ge [sflag:s18], $0x2000  }
0x1c4: {  	s13 =	simm.s32 $0x18C0;
	s8 =	simm.s32 $0xFFFFFFFF;
	[sflag:s18] =	ssyncset.done $0x0  }
.LBB2_17:
0x1c5: {  	[sflag:s18] =	ssyncadd.s32 $0xFFFFE000  }
0x1c6: {  	s2 =	sadd.s32 $0x80, s2;
	s11 =	smov.u32 s8;
	s8 =	sadd.s32 $0xFFFFFFFF, s8  }
0x1c7: {  	[spmem:s4] =	stream.indirect.scatter.add.f32 [tilespmem:s31], [sflag:$0x6], $0x80, s19, s29, $0xb8;
	[tilespmem:$0x17B00] =	vst v63  }
0x1c8: {  	p0 =	sne.s32 s3, s8  }
0x1c9: {  	[spmem:s5] =	stream.indirect.scatter.add.f32 [tilespmem:s10], [sflag:$0x8], $0x1, s19, s29, $0xb8;
	[tilespmem:$0x17B00] =	vst v63  }
0x1ca: {  	_ =	swait.ge [sflag:s9], $0x2000  }
0x1cb: {  	[sflag:s9] =	ssyncset.done $0x0  }
0x1cc: {  	p1 =	seq.s32 s11, $0x0;
	[sflag:s9] =	ssyncadd.s32 $0xFFFFE000  }
0x1cd: {  	[spmem:s4] =	stream.indirect.scatter.add.f32 [tilespmem:s6], [sflag:$0x7], $0x80, s12, s29, $0xb8;
	[tilespmem:$0x17B00] =	vst v63  }
0x1ce: {  	s11 =	simm.s32 @!p1 $0x6  }
0x1cf: {  	[spmem:s5] =	stream.indirect.scatter.add.f32 [tilespmem:s10], [sflag:$0x9], $0x1, s12, s29, $0xb8;
	[tilespmem:$0x17B00] =	vst v63  }
0x1d0: {  	_ =	swait.ge @!p1 [sflag:s11], $0x2000  }
0x1d1: {  	[sflag:s11] =	ssyncset.done @!p1 $0x0  }
0x1d2: {  	[sflag:s11] =	ssyncadd.s32 @!p1 $0xFFFFE000;
	s11 =	simm.s32 @!p1 $0x8  }
0x1d3: {  	_ =	swait.ge @!p1 [sflag:s11], $0x40  }
0x1d4: {  	[sflag:s11] =	ssyncset.done @!p1 $0x0  }
0x1d5: {  	[sflag:s11] =	ssyncadd.s32 @!p1 $0xFFFFFFC0  }
0x1d6: {  	v5 =	vld [tilespmem:s13+$0xFFFFFFC0];
	_ =	sdelay $0x2  }
0x1d7: {  	s11 =	sadd.s32 $0xFFFFFFC0, s2  }
0x1d8: {  	v6 =	vor.u32 s11, v3  }
0x1d9: {  	vm0 =	vlt.s32 v6, v4;
	v6 =	vshra.s32 v5, $0xD;
	v5 =	vand.u32 $0x1FFF, v5  }
0x1da: {  	v6 =	vnsel vm0, $0x0, v6;
	v5 =	vnsel vm0, $0x1F80, v5  }
0x1db: {  	[tilespmem:$0x3000] =	vst v6  }
0x1dc: {  	[tilespmem:$0x3100] =	vst v5  }
0x1dd: {  	v5 =	vld [tilespmem:s13+$0xFFFFFFD0];
	_ =	sdelay $0x2  }
0x1de: {  	s11 =	sadd.s32 $0xFFFFFFD0, s2  }
0x1df: {  	v6 =	vor.u32 s11, v3  }
0x1e0: {  	vm0 =	vlt.s32 v6, v4;
	v6 =	vshra.s32 v5, $0xD;
	v5 =	vand.u32 $0x1FFF, v5  }
0x1e1: {  	v6 =	vnsel vm0, $0x0, v6;
	v5 =	vnsel vm0, $0x1F80, v5  }
0x1e2: {  	[tilespmem:$0x3010] =	vst v6  }
0x1e3: {  	[tilespmem:$0x3110] =	vst v5  }
0x1e4: {  	v5 =	vld [tilespmem:s13+$0xFFFFFFE0];
	_ =	sdelay $0x2  }
0x1e5: {  	s11 =	sadd.s32 $0xFFFFFFE0, s2  }
0x1e6: {  	v6 =	vor.u32 s11, v3  }
0x1e7: {  	vm0 =	vlt.s32 v6, v4;
	v6 =	vshra.s32 v5, $0xD;
	v5 =	vand.u32 $0x1FFF, v5  }
0x1e8: {  	v6 =	vnsel vm0, $0x0, v6;
	v5 =	vnsel vm0, $0x1F80, v5  }
0x1e9: {  	[tilespmem:$0x3020] =	vst v6  }
0x1ea: {  	[tilespmem:$0x3120] =	vst v5  }
0x1eb: {  	v5 =	vld [tilespmem:s13+$0xFFFFFFF0];
	_ =	sdelay $0x2  }
0x1ec: {  	s11 =	sadd.s32 $0xFFFFFFF0, s2  }
0x1ed: {  	v6 =	vor.u32 s11, v3  }
0x1ee: {  	vm0 =	vlt.s32 v6, v4;
	v6 =	vshra.s32 v5, $0xD;
	v5 =	vand.u32 $0x1FFF, v5  }
0x1ef: {  	v6 =	vnsel vm0, $0x0, v6;
	v5 =	vnsel vm0, $0x1F80, v5  }
0x1f0: {  	[tilespmem:$0x3030] =	vst v6  }
0x1f1: {  	s11 =	simm.s32 @!p1 $0x7;
	[tilespmem:$0x3130] =	vst v5  }
0x1f2: {  	[tilespmem:s31], [sflag:$0x4] =	stream.indirect.gather [hbm4b:s1+s29], $0x80, s30, s29, $0xb8;
	[tilespmem:$0x17B00] =	vst v63  }
0x1f3: {  	_ =	swait.ge @!p1 [sflag:s11], $0x2000  }
0x1f4: {  	[sflag:s11] =	ssyncset.done @!p1 $0x0  }
0x1f5: {  	[sflag:s11] =	ssyncadd.s32 @!p1 $0xFFFFE000;
	s11 =	simm.s32 @!p1 $0x9  }
0x1f6: {  	_ =	swait.ge @!p1 [sflag:s11], $0x40  }
0x1f7: {  	[sflag:s11] =	ssyncset.done @!p1 $0x0  }
0x1f8: {  	[sflag:s11] =	ssyncadd.s32 @!p1 $0xFFFFFFC0  }
0x1f9: {  	v5 =	vld [tilespmem:s13+$0x0];
	_ =	sdelay $0x3  }
0x1fa: {  	v6 =	vor.u32 s2, v3  }
0x1fb: {  	vm0 =	vlt.s32 v6, v4;
	v6 =	vshra.s32 v5, $0xD;
	v5 =	vand.u32 $0x1FFF, v5  }
0x1fc: {  	v6 =	vnsel vm0, $0x0, v6;
	v5 =	vnsel vm0, $0x1F80, v5  }
0x1fd: {  	[tilespmem:$0x3080] =	vst v6  }
0x1fe: {  	[tilespmem:$0x3180] =	vst v5  }
0x1ff: {  	v5 =	vld [tilespmem:s13+$0x10];
	_ =	sdelay $0x2  }
0x200: {  	s11 =	sadd.s32 $0x10, s2  }
0x201: {  	v6 =	vor.u32 s11, v3  }
0x202: {  	vm0 =	vlt.s32 v6, v4;
	v6 =	vshra.s32 v5, $0xD;
	v5 =	vand.u32 $0x1FFF, v5  }
0x203: {  	v6 =	vnsel vm0, $0x0, v6;
	v5 =	vnsel vm0, $0x1F80, v5  }
0x204: {  	[tilespmem:$0x3090] =	vst v6  }
0x205: {  	[tilespmem:$0x3190] =	vst v5  }
0x206: {  	v5 =	vld [tilespmem:s13+$0x20];
	_ =	sdelay $0x2  }
0x207: {  	s11 =	sadd.s32 $0x20, s2  }
0x208: {  	v6 =	vor.u32 s11, v3  }
0x209: {  	vm0 =	vlt.s32 v6, v4;
	v6 =	vshra.s32 v5, $0xD;
	v5 =	vand.u32 $0x1FFF, v5  }
0x20a: {  	v6 =	vnsel vm0, $0x0, v6;
	v5 =	vnsel vm0, $0x1F80, v5  }
0x20b: {  	[tilespmem:$0x30A0] =	vst v6  }
0x20c: {  	[tilespmem:$0x31A0] =	vst v5  }
0x20d: {  	v5 =	vld [tilespmem:s13+$0x30];
	_ =	sdelay $0x2  }
0x20e: {  	s11 =	sadd.s32 $0x30, s2  }
0x20f: {  	v6 =	vor.u32 s11, v3  }
0x210: {  	vm0 =	vlt.s32 v6, v4;
	v6 =	vshra.s32 v5, $0xD;
	v5 =	vand.u32 $0x1FFF, v5  }
0x211: {  	v6 =	vnsel vm0, $0x0, v6;
	v5 =	vnsel vm0, $0x1F80, v5  }
.Ltmp11:
0x212: {  	[tilespmem:$0x30B0] =	vst v6;
	(pc) =	sbr.rel @p0 .LBB2_17-.Ltmp11, $4  }
0x213: {  	[tilespmem:$0x31B0] =	vst v5  }
0x214: {  	[tilespmem:s6], [sflag:$0x5] =	stream.indirect.gather [hbm4b:s1+s29], $0x80, s0, s29, $0xb8;
	[tilespmem:$0x17B00] =	vst v63  }
0x215: {  	_ =	swait.ge [sflag:s18], $0x2000  }
0x216: {  	s13 =	sadd.s32 $0x80, s13;
	[sflag:s18] =	ssyncset.done $0x0  }
.LBB2_18:
0x217: {  	[sflag:s18] =	ssyncadd.s32 $0xFFFFE000  }
0x218: {  	[spmem:s4] =	stream.indirect.scatter.add.f32 [tilespmem:s31], [sflag:$0x6], $0x80, s19, s29, $0xb8;
	[tilespmem:$0x17B00] =	vst v63  }
0x219: {  	_ = 	snop  }
0x21a: {  	[spmem:s5] =	stream.indirect.scatter.add.f32 [tilespmem:s10], [sflag:$0x8], $0x1, s19, s29, $0xb8;
	[tilespmem:$0x17B00] =	vst v63  }
0x21b: {  	_ =	swait.ge [sflag:s9], $0x2000  }
0x21c: {  	[sflag:s9] =	ssyncset.done $0x0  }
0x21d: {  	[sflag:s9] =	ssyncadd.s32 $0xFFFFE000  }
0x21e: {  	[spmem:s4] =	stream.indirect.scatter.add.f32 [tilespmem:s6], [sflag:$0x7], $0x80, s12, s29, $0xb8;
	[tilespmem:$0x17B00] =	vst v63  }
0x21f: {  	s2 =	simm.s32 $0x6  }
0x220: {  	[spmem:s5] =	stream.indirect.scatter.add.f32 [tilespmem:s10], [sflag:$0x9], $0x1, s12, s29, $0xb8;
	[tilespmem:$0x17B00] =	vst v63  }
0x221: {  	_ =	swait.ge [sflag:s2], $0x2000  }
0x222: {  	[sflag:s2] =	ssyncset.done $0x0  }
0x223: {  	s24 =	simm.s32 $0x8;
	[sflag:s2] =	ssyncadd.s32 $0xFFFFE000  }
0x224: {  	_ =	swait.ge [sflag:s24], $0x40  }
0x225: {  	[sflag:s24] =	ssyncset.done $0x0  }
0x226: {  	[sflag:s24] =	ssyncadd.s32 $0xFFFFFFC0  }
0x227: {  	_ =	swait.ge [sflag:s22], $0x2000  }
0x228: {  	[sflag:s22] =	ssyncset.done $0x0  }
0x229: {  	[sflag:s22] =	ssyncadd.s32 $0xFFFFE000  }
0x22a: {  	_ =	swait.ge [sflag:s16], $0x40  }
0x22b: {  	[sflag:s16] =	ssyncset.done $0x0  }
0x22c: {  	[sflag:s16] =	ssyncadd.s32 $0xFFFFFFC0  }
.LBB2_19:
0x22d: {  	[bflag:$0x0] =	sbarrier.arrive $0xFFFF  }
0x22e: {  	[tilespmem:s20], [sflag:$0xA] =	stream.linear.gather [spmem:s15], $0x800, $0x38;
	[tilespmem:$0x17B00] =	vst v63  }
0x22f: {  	_ =	swait.ge [sflag:s21], $0x800  }
0x230: {  	[sflag:s21] =	ssyncset.done $0x0  }
0x231: {  	s2 =	sadd.s32 $0x0, s17;
	[sflag:s21] =	ssyncadd.s32 $0xFFFFF800  }
0x232: {  	[hbm4b:s2+s7] =	stream.linear.scatter [tilespmem:s20], [sflag:$0xA], $0x800, $0x38;
	[tilespmem:$0x17B00] =	vst v63  }
0x233: {  	_ =	swait.ge [sflag:s21], $0x800  }
0x234: {  	s24 =	rddreg [dreg:$0x7]  }
0x235: {  	s3 =	simm.s32 $0x100;
	s13 =	rddreg [dreg:$0x13]  }
0x236: {  	s8 =	smov.u32 s15;
	[sflag:s21] =	ssyncset.done $0x0;
	s2 =	sadd.s32 s24, s13  }
.LBB2_20:
0x237: {  	p0 =	sne.s32 s3, $0x1E00;
	[sflag:s21] =	ssyncadd.s32 $0xFFFFF800;
	s8 =	sadd.s32 $0x800, s8  }
0x238: {  	[tilespmem:s20], [sflag:$0xA] =	stream.linear.gather [spmem:s8], $0x800, $0x38;
	[tilespmem:$0x17B00] =	vst v63  }
0x239: {  	s11 =	smov.u32 s3;
	s3 =	sadd.s32 $0x100, s3;
	_ =	swait.ge [sflag:s21], $0x800  }
.Ltmp12:
0x23a: {  	[sflag:s21] =	ssyncset.done $0x0;
	(pc) =	sbr.rel @p0 .LBB2_20-.Ltmp12, $4  }
0x23b: {  	s11 =	sadd.s32 s11, s17;
	[sflag:s21] =	ssyncadd.s32 $0xFFFFF800  }
0x23c: {  	[hbm4b:s11+s7] =	stream.linear.scatter [tilespmem:s20], [sflag:$0xA], $0x800, $0x38;
	[tilespmem:$0x17B00] =	vst v63  }
0x23d: {  	_ =	swait.ge [sflag:s21], $0x800  }
0x23e: {  	[sflag:s21] =	ssyncset.done $0x0  }
0x23f: {  	[sflag:s21] =	ssyncadd.s32 $0xFFFFF800;
	s11 =	rddreg [dreg:$0xd]  }
0x240: {  	[tilespmem:s20], [sflag:$0xA] =	stream.linear.gather [spmem:s11], $0x400, $0x38;
	[tilespmem:$0x17B00] =	vst v63  }
0x241: {  	_ =	swait.ge [sflag:s21], $0x400  }
0x242: {  	s3 =	rddreg [dreg:$0xc]  }
0x243: {  	s3 =	sadd.s32 s3, s13  }
0x244: {  	[sflag:s21] =	ssyncset.done $0x0;
	s8 =	rddreg [dreg:$0x8];
	s3 =	sshll.u32 s3, $0x4  }
0x245: {  	[sflag:s21] =	ssyncadd.s32 $0xFFFFFC00;
	s3 =	sadd.s32 s8, s3  }
0x246: {  	[hbm4b:s3+s7] =	stream.linear.scatter [tilespmem:s20], [sflag:$0xA], $0x400, $0x38;
	[tilespmem:$0x17B00] =	vst v63  }
0x247: {  	_ =	swait.ge [sflag:s21], $0x400  }
0x248: {  	[sflag:s21] =	ssyncset.done $0x0  }
0x249: {  	s13 =	simm.s32 $0x7A80;
	s8 =	rddreg [dreg:$0xe];
	[sflag:s21] =	ssyncadd.s32 $0xFFFFFC00  }
0x24a: {  	[tilespmem:s13], [sflag:$0xA] =	stream.linear.gather [spmem:s8], $0x1F8, $0x38;
	[tilespmem:$0x17B00] =	vst v63  }
0x24b: {  	s2 =	sshrl.u32 s2, $0x3;
	_ =	swait.ge [sflag:s21], $0x1F8  }
0x24c: {  	s14 =	sadd.s32 $0x1, s14;
	[sflag:s21] =	ssyncset.done $0x0;
	s24 =	rddreg [dreg:$0xa]  }
0x24d: {  	p0 =	sne.s32 s14, $0x5;
	[sflag:s21] =	ssyncadd.s32 $0xFFFFFE08;
	s2 =	sadd.s32 s24, s2  }
0x24e: {  	[hbm4b:s2+s7] =	stream.linear.scatter [tilespmem:s13], [sflag:$0xA], $0x1F8, $0x38;
	[tilespmem:$0x17B00] =	vst v63  }
.Ltmp13:
0x24f: {  	_ =	swait.ge [sflag:s21], $0x1F8;
	(pc) =	sbr.rel @p0 .LBB2_2-.Ltmp13, $4  }
0x250: {  	[sflag:s21] =	ssyncset.done $0x0  }
0x251: {  	[sflag:s21] =	ssyncadd.s32 $0xFFFFFE08  }
0x252: {  	[bflag:$0x0] =	sbarrier.arrive $0xFFFF  }
0x253: {  	s17 =	sadd.s32 $0x1F800, s17  }
0x254: {  	s3 =	rddreg [dreg:$0x11]  }
0x255: {  	s2 =	rddreg [dreg:$0xf];
	s3 =	sadd.s32 $0x1, s3  }
0x256: {  	p0 =	sne.s32 s3, s2  }
.Ltmp14:
0x257: {  	_ = 	snop;
	(pc) =	sbr.rel @p0 .LBB2_1-.Ltmp14, $1  }
0x258: {  	_ =	sdelay $0x3  }
0x259: {  	_ =	sfence.sel $0x180000  }
0x25a: {  	[bflag:$0x0] =	sbarrier.arrive $0xFFFF  }
0x25b: {  	_ =	strace $0x90000047  }
0x25c: {  	s0 =	stileid.u32;
	[bflag:$0x2] =	sbarrier.arrive $0xFFFF  }
0x25d: {  	p0 =	sne.s32 s0, $0x0;
	s0 =	rddreg [dreg:$0x5]  }
0x25e: {  	s0 =	sadd.s32 @!p0 $0x100000, s0  }
0x25f: {  	[sflag:s0] =	ssyncadd.tile.s32 @!p0 $0x1;
	_ =	shalt  }
.Lfunc_end2:
_tile_overlayer_lowered:
.L_overlay_start_2:
0x260: {  	(tag) =	ssettag $0x2  }
0x261: {  	s0 =	rddreg [dreg:$0x0];
	s2 =	stileid.u32  }
0x262: {  	s1 =	rddreg [dreg:$0x1];
	p0 =	sne.s32 s2, $0x0  }
0x263: {  	s3 =	rddreg [dreg:$0x2];
	[bflag:$0x3] =	sbarrier.arrive $0xFFFF;
	s2 =	simm.s32 @!p0 $0x1C0A  }
0x264: {  	[timem:s3], [sflag:s2] =	dma.local @!p0 [hbm:s0], s1  }
0x265: {  	s0 =	simm.s32 @!p0 $0xA  }
0x266: {  	_ =	swait.ge @!p0 [sflag:s0], s1  }
0x267: {  	s1 =	ssub.s32 @!p0 $0x0, s1;
	[sflag:s0] =	ssyncset.done @!p0 $0x0  }
0x268: {  	[sflag:s0] =	ssyncadd.s32 @!p0 s1  }
0x269: {  	[bflag:$0x3] =	sbarrier.arrive $0xFFFF  }
0x26a: {  	_ =	shalt  }

</sc_bundles>
